<compile_context>
chip_gen: v7x
topology: tpu7x:2x2x1
jax: 0.10.2.dev20260603
libtpu: 0.0.44.dev20260713+nightly
codegen_flags: <defaults>
</compile_context>

<pallas_src>
import functools

import jax
import jax.numpy as jnp
from jax import lax
from jax.experimental import pallas as pl
from jax.experimental.pallas import tpu as pltpu
from jax.experimental.pallas import tpu_sc as plsc

B = 16384
L = 200
DIM = 32
NW = 32
BPW = B // NW
CB = 64
NCH = BPW // CB
NBUF = 4

_PARAMS = pltpu.CompilerParams(
    needs_layout_passes=False, use_tc_tiling_on_sc=False)


def _text_kernel(tok_h, xtab_h, out_h,
                 ids_v, rows_v, outc_v, cnt_v, xtab_sh, *sems):
    wid = lax.axis_index("s") * 2 + lax.axis_index("c")
    base = wid * BPW
    lanes = lax.iota(jnp.int32, 16)

    @pl.when(lax.axis_index("s") == 0)
    def _():
        pltpu.sync_copy(xtab_h, xtab_sh)
    plsc.subcore_barrier()

    def tok_gather(r, b):
        return pltpu.make_async_copy(
            xtab_sh.at[ids_v.at[r]],
            rows_v.at[b], sems[b])

    def chunk_body(c, _):
        cb = base + c * CB
        pltpu.sync_copy(tok_h.at[pl.ds(cb, CB)], ids_v)
        for b in range(NBUF):
            tok_gather(b, b).start()

        def cnt_grp(g, _):
            rows16 = g * 16 + lanes

            def cnt_col(j, cnt):
                for k in range(8):
                    col = jnp.full((16,), 1, jnp.int32) * (j * 8 + k)
                    ids16 = plsc.load_gather(ids_v, [rows16, col])
                    cnt = cnt + jnp.where(ids16 != 0, 1.0, 0.0)
                return cnt

            cnt = lax.fori_loop(0, L // 8, cnt_col,
                                jnp.zeros((16,), jnp.float32))
            cnt_v[pl.ds(g * 16, 16)] = jnp.maximum(cnt, 1.0)
            return 0

        lax.fori_loop(0, CB // 16, cnt_grp, 0)

        def grp_body(g, _):
            for b in range(NBUF):
                r = g * NBUF + b
                tok_gather(r, b).wait()
                zero = jnp.zeros((16,), jnp.float32)

                def acc_body(j, carry):
                    a0, a1, a2, a3 = carry
                    for k in range(8):
                        t = j * 16 + 2 * k
                        lo0, hi0 = plsc.unpack(
                            rows_v[b, t], format=plsc.PackFormat.INTERLEAVED)
                        lo1, hi1 = plsc.unpack(
                            rows_v[b, t + 1],
                            format=plsc.PackFormat.INTERLEAVED)
                        a0 = a0 + lo0
                        a1 = a1 + hi0
                        a2 = a2 + lo1
                        a3 = a3 + hi1
                    return a0, a1, a2, a3

                a0, a1, a2, a3 = lax.fori_loop(0, 12, acc_body,
                                               (zero, zero, zero, zero))
                for k in range(4):
                    t = 192 + 2 * k
                    lo0, hi0 = plsc.unpack(
                        rows_v[b, t], format=plsc.PackFormat.INTERLEAVED)
                    lo1, hi1 = plsc.unpack(
                        rows_v[b, t + 1], format=plsc.PackFormat.INTERLEAVED)
                    a0 = a0 + lo0
                    a1 = a1 + hi0
                    a2 = a2 + lo1
                    a3 = a3 + hi1

                @pl.when(r + NBUF < CB)
                def _():
                    tok_gather(r + NBUF, b).start()

                denom = plsc.load_gather(
                    cnt_v, [jnp.full((16,), 1, jnp.int32) * r])
                outc_v[r, pl.ds(0, 16)] = (a0 + a2) / denom
                outc_v[r, pl.ds(16, 16)] = (a1 + a3) / denom
            return 0

        lax.fori_loop(0, CB // NBUF, grp_body, 0)
        pltpu.sync_copy(outc_v, out_h.at[pl.ds(cb, CB)])
        return 0

    lax.fori_loop(0, NCH, chunk_body, 0)


def _title_kernel(title_h, ttab_h, text_h, out_h,
                  tids_v, trows_v, xrows_v, outc_v, tsem, xsem):
    wid = lax.axis_index("s") * 2 + lax.axis_index("c")
    base = wid * BPW
    pltpu.sync_copy(title_h.at[pl.ds(base, BPW)], tids_v)
    pltpu.make_async_copy(ttab_h.at[tids_v], trows_v, tsem).start()
    pltpu.make_async_copy(
        text_h.at[pl.ds(base, BPW)], xrows_v, xsem).start()
    pltpu.make_async_copy(ttab_h.at[tids_v], trows_v, tsem).wait()
    pltpu.make_async_copy(
        text_h.at[pl.ds(base, BPW)], xrows_v, xsem).wait()

    def row_body(r, _):
        outc_v[r, pl.ds(0, 16)] = trows_v[r, pl.ds(0, 16)]
        outc_v[r, pl.ds(16, 16)] = trows_v[r, pl.ds(16, 16)]
        outc_v[r, pl.ds(32, 16)] = xrows_v[r, pl.ds(0, 16)]
        outc_v[r, pl.ds(48, 16)] = xrows_v[r, pl.ds(16, 16)]
        return 0

    lax.fori_loop(0, BPW, row_body, 0)
    pltpu.sync_copy(outc_v, out_h.at[pl.ds(base, BPW)])


def kernel(title_ids, token_ids, title_table, text_table):
    text_z = text_table.at[0].set(0.0)
    text_pk = jnp.stack(
        [text_z[:, :DIM // 2], text_z[:, DIM // 2:]], axis=2,
    ).reshape(text_table.shape[0], DIM).astype(jnp.bfloat16)

    mesh = plsc.VectorSubcoreMesh(core_axis_name="c", subcore_axis_name="s")
    run_text = functools.partial(
        pl.kernel,
        mesh=mesh,
        compiler_params=_PARAMS,
        out_type=jax.ShapeDtypeStruct((B, DIM), jnp.float32),
        scratch_types=[
            pltpu.VMEM((CB, L), jnp.int32),
            pltpu.VMEM((NBUF, L, DIM), jnp.bfloat16),
            pltpu.VMEM((CB, DIM), jnp.float32),
            pltpu.VMEM((CB,), jnp.float32),
            pltpu.VMEM_SHARED((10000, DIM), jnp.bfloat16),
        ] + [pltpu.SemaphoreType.DMA] * NBUF,
    )(_text_kernel)
    text_emb = run_text(token_ids, text_pk)

    run_title = functools.partial(
        pl.kernel,
        mesh=mesh,
        compiler_params=_PARAMS,
        out_type=jax.ShapeDtypeStruct((B, 2 * DIM), jnp.float32),
        scratch_types=[
            pltpu.VMEM((BPW,), jnp.int32),
            pltpu.VMEM((BPW, DIM), jnp.float32),
            pltpu.VMEM((BPW, DIM), jnp.float32),
            pltpu.VMEM((BPW, 2 * DIM), jnp.float32),
            pltpu.SemaphoreType.DMA,
            pltpu.SemaphoreType.DMA,
        ],
    )(_title_kernel)
    return run_title(title_ids, title_table, text_emb)

# --- scband reference (transcript-rebuilt; emitter-appended) ---
"""Pipeline reference for scband-article-model-40157944218388 (READ-ONLY COPY).

The authoritative reference and input builder live on the scoring server;
editing this copy changes nothing except your own understanding.
"""

import jax, jax.numpy as jnp
import numpy as np

B = 16384
L = 200
TITLE_VOCAB = 100001  # len(uniq_content) + 1 (StringLookup oov/mask row)
TEXT_VOCAB = 10000    # max_tokens in TextVectorization
DIM = 32


def setup_inputs(seed: int = 0) -> dict:
    key = jax.random.key(seed)
    k1, k2, k3, k4 = jax.random.split(key, 4)
    title_ids = jax.random.randint(k1, (B,), 0, TITLE_VOCAB, dtype=jnp.int64 if jax.config.jax_enable_x64 else jnp.int32)
    token_ids = jax.random.randint(k2, (B, L), 0, TEXT_VOCAB, dtype=jnp.int64 if jax.config.jax_enable_x64 else jnp.int32)
    title_table = jax.random.normal(k3, (TITLE_VOCAB, DIM), dtype=jnp.float32)
    text_table = jax.random.normal(k4, (TEXT_VOCAB, DIM), dtype=jnp.float32)
    return {"title_ids": title_ids, "token_ids": token_ids, "title_table": title_table, "text_table": text_table}


def reference(title_ids, token_ids, title_table, text_table):
    # Branch 1: StringLookup -> Embedding  (string ids pre-resolved to ints)
    title_emb = jnp.take(title_table, title_ids, axis=0)  # [B, 32]
    # Branch 2: TextVectorization -> Embedding(mask_zero=True) -> GlobalAveragePooling1D
    tok_emb = jnp.take(text_table, token_ids, axis=0)  # [B, L, 32]
    mask = (token_ids != 0).astype(tok_emb.dtype)[..., None]  # [B, L, 1]
    summed = jnp.sum(tok_emb * mask, axis=1)  # [B, 32]
    count = jnp.maximum(jnp.sum(mask, axis=1), 1.0)  # [B, 1]
    text_emb = summed / count  # masked mean, matches GlobalAveragePooling1D with mask
    return jnp.concatenate([title_emb, text_emb], axis=1)  # [B, 64]

if __name__ == "__main__":
    import jax
    _d = setup_inputs()
    print(jax.jit(kernel)(*tuple(_d.values())))

</pallas_src>

<mosaic_0001>
#map = affine_map<(d0, d1) -> (0, 0)>
module attributes {stable_mosaic.version = 14 : i64} {
  func.func @_text_kernel(%arg0: i32, %arg1: i32, %arg2: memref<16384x200xi32, #tpu.memory_space<hbm>>, %arg3: memref<10000x32xbf16, #tpu.memory_space<hbm>>, %arg4: memref<16384x32xf32, #tpu.memory_space<hbm>>, %arg5: memref<64x200xi32, #tpu.memory_space<vmem>>, %arg6: memref<4x200x32xbf16, #tpu.memory_space<vmem>>, %arg7: memref<64x32xf32, #tpu.memory_space<vmem>>, %arg8: memref<64xf32, #tpu.memory_space<vmem>>, %arg9: memref<10000x32xbf16, #tpu.memory_space<vmem_shared>>, %arg10: memref<!tpu.dma_semaphore, #tpu.memory_space<semaphore_mem>>, %arg11: memref<!tpu.dma_semaphore, #tpu.memory_space<semaphore_mem>>, %arg12: memref<!tpu.dma_semaphore, #tpu.memory_space<semaphore_mem>>, %arg13: memref<!tpu.dma_semaphore, #tpu.memory_space<semaphore_mem>>) attributes {dimension_semantics = [#tpu.dimension_semantics<core_parallel>, #tpu.dimension_semantics<subcore_parallel>], iteration_bounds = array<i64: 2, 16>, scalar_prefetch = 0 : i64, scratch_operands = 9 : i64, tpu.core_type = #tpu.core_type<sc_vector_subcore>, window_params = [{transform_indices = #map}, {transform_indices = #map}, {transform_indices = #map}]} {
    %mul3A = arith.constant 2 : i32
    %mul3A_0 = arith.muli %arg1, %mul3A : i32
    %add3A = arith.addi %mul3A_0, %arg0 : i32
    %mul3A_1 = arith.constant 512 : i32
    %mul3A_2 = arith.muli %add3A, %mul3A_1 : i32
    %iota3A = tpu.iota {dimensions = array<i32: 0>} : vector<16xi32>
    %eq3A = arith.constant 0 : i32
    %eq3A_3 = arith.cmpi eq, %arg1, %eq3A : i32
    %convert_element_type3A = arith.extui %eq3A_3 : i1 to i32
    %cond3A = arith.constant 0 : i32
    %cond3A_4 = arith.cmpi ne, %convert_element_type3A, %cond3A : i32
    scf.if %cond3A_4 {
      "tpu.region"() ({
        %run_scoped3A = tpu.sem_alloc : memref<!tpu.dma_semaphore, #tpu.memory_space<semaphore_mem>>
        tpu.enqueue_dma source(%arg3 : memref<10000x32xbf16, #tpu.memory_space<hbm>>) target(%arg9 : memref<10000x32xbf16, #tpu.memory_space<vmem_shared>>) target_semaphore(%run_scoped3A : memref<!tpu.dma_semaphore, #tpu.memory_space<semaphore_mem>>)
        tpu.wait_dma2 semaphore(%run_scoped3A : memref<!tpu.dma_semaphore, #tpu.memory_space<semaphore_mem>>) src(%arg3 : memref<10000x32xbf16, #tpu.memory_space<hbm>>) dst(%arg9 : memref<10000x32xbf16, #tpu.memory_space<vmem_shared>>)
        tpu.yield
      }) : () -> ()
    } else {
    }
    %barrier3A = arith.constant 0 : index
    tpu.barrier barrier_id(%barrier3A)
    %scan3A = arith.constant 0 : i32
    %scan3A_5 = arith.constant 0 : i32
    %scan3A_6 = arith.constant 8 : i32
    %scan3A_7 = arith.addi %scan3A_5, %scan3A_6 : i32
    %scan3A_8 = arith.constant 1 : i32
    %scan3A_9 = scf.for %scan3A_11 = %scan3A_5 to %scan3A_7 step %scan3A_8 iter_args(%scan3A_12 = %scan3A) -> (i32)  : i32 {
      %mul3A_13 = arith.constant 64 : i32
      %mul3A_14 = arith.muli %scan3A_11, %mul3A_13 : i32
      %add3A_15 = arith.addi %mul3A_2, %mul3A_14 : i32
      "tpu.region"() ({
        %run_scoped3A = tpu.sem_alloc : memref<!tpu.dma_semaphore, #tpu.memory_space<semaphore_mem>>
        %dma_start3A_78 = arith.constant 0 : i32
        %dma_start3A_79 = tpu.memref_slice %arg2[%add3A_15, %dma_start3A_78] : memref<16384x200xi32, #tpu.memory_space<hbm>> -> memref<64x200xi32, #tpu.memory_space<hbm>>
        %dma_start3A_80 = arith.constant 0 : i32
        %dma_start3A_81 = tpu.memref_slice %arg2[%add3A_15, %dma_start3A_80] : memref<16384x200xi32, #tpu.memory_space<hbm>> -> memref<64x200xi32, #tpu.memory_space<hbm>>
        tpu.enqueue_dma source(%dma_start3A_81 : memref<64x200xi32, #tpu.memory_space<hbm>>) target(%arg5 : memref<64x200xi32, #tpu.memory_space<vmem>>) target_semaphore(%run_scoped3A : memref<!tpu.dma_semaphore, #tpu.memory_space<semaphore_mem>>)
        %dma_wait3A = arith.constant 0 : i32
        %dma_wait3A_82 = tpu.memref_slice %arg2[%add3A_15, %dma_wait3A] : memref<16384x200xi32, #tpu.memory_space<hbm>> -> memref<64x200xi32, #tpu.memory_space<hbm>>
        %dma_wait3A_83 = arith.constant 0 : i32
        %dma_wait3A_84 = tpu.memref_slice %arg2[%add3A_15, %dma_wait3A_83] : memref<16384x200xi32, #tpu.memory_space<hbm>> -> memref<64x200xi32, #tpu.memory_space<hbm>>
        tpu.wait_dma2 semaphore(%run_scoped3A : memref<!tpu.dma_semaphore, #tpu.memory_space<semaphore_mem>>) src(%dma_wait3A_84 : memref<64x200xi32, #tpu.memory_space<hbm>>) dst(%arg5 : memref<64x200xi32, #tpu.memory_space<vmem>>)
        tpu.yield
      }) : () -> ()
      %dma_start3A = arith.constant 0 : i32
      %dma_start3A_16 = arith.constant 0 : i32
      %dma_start3A_17 = arith.constant 0 : i32
      %dma_start3A_18 = arith.constant 0 : i32
      %dma_start3A_19 = tpu.memref_slice %arg6[%dma_start3A_16, %dma_start3A_17, %dma_start3A_18] : memref<4x200x32xbf16, #tpu.memory_space<vmem>> -> memref<1x200x32xbf16, #tpu.memory_space<vmem>>
      %dma_start3A_20 = tpu.memref_squeeze %dma_start3A_19 : memref<1x200x32xbf16, #tpu.memory_space<vmem>> -> memref<200x32xbf16, #tpu.memory_space<vmem>>
      %dma_start3A_21 = arith.constant 0 : i32
      %dma_start3A_22 = tpu.memref_slice %arg5[%dma_start3A, %dma_start3A_21] : memref<64x200xi32, #tpu.memory_space<vmem>> -> memref<1x200xi32, #tpu.memory_space<vmem>>
      %dma_start3A_23 = tpu.memref_squeeze %dma_start3A_22 : memref<1x200xi32, #tpu.memory_space<vmem>> -> memref<200xi32, #tpu.memory_space<vmem>>
      %dma_start3A_24 = arith.constant 0 : i32
      %dma_start3A_25 = arith.constant 0 : i32
      %dma_start3A_26 = tpu.memref_slice %arg9[%dma_start3A_24, %dma_start3A_25] : memref<10000x32xbf16, #tpu.memory_space<vmem_shared>> -> memref<10000x32xbf16, #tpu.memory_space<vmem_shared>>
      tpu.enqueue_indirect_dma source(%dma_start3A_26 : memref<10000x32xbf16, #tpu.memory_space<vmem_shared>>) target(%dma_start3A_20 : memref<200x32xbf16, #tpu.memory_space<vmem>>) offsets(%dma_start3A_23 : memref<200xi32, #tpu.memory_space<vmem>>) semaphore(%arg10 : memref<!tpu.dma_semaphore, #tpu.memory_space<semaphore_mem>>)
      %dma_start3A_27 = arith.constant 1 : i32
      %dma_start3A_28 = arith.constant 1 : i32
      %dma_start3A_29 = arith.constant 0 : i32
      %dma_start3A_30 = arith.constant 0 : i32
      %dma_start3A_31 = tpu.memref_slice %arg6[%dma_start3A_28, %dma_start3A_29, %dma_start3A_30] : memref<4x200x32xbf16, #tpu.memory_space<vmem>> -> memref<1x200x32xbf16, #tpu.memory_space<vmem>>
      %dma_start3A_32 = tpu.memref_squeeze %dma_start3A_31 : memref<1x200x32xbf16, #tpu.memory_space<vmem>> -> memref<200x32xbf16, #tpu.memory_space<vmem>>
      %dma_start3A_33 = arith.constant 0 : i32
      %dma_start3A_34 = tpu.memref_slice %arg5[%dma_start3A_27, %dma_start3A_33] : memref<64x200xi32, #tpu.memory_space<vmem>> -> memref<1x200xi32, #tpu.memory_space<vmem>>
      %dma_start3A_35 = tpu.memref_squeeze %dma_start3A_34 : memref<1x200xi32, #tpu.memory_space<vmem>> -> memref<200xi32, #tpu.memory_space<vmem>>
      %dma_start3A_36 = arith.constant 0 : i32
      %dma_start3A_37 = arith.constant 0 : i32
      %dma_start3A_38 = tpu.memref_slice %arg9[%dma_start3A_36, %dma_start3A_37] : memref<10000x32xbf16, #tpu.memory_space<vmem_shared>> -> memref<10000x32xbf16, #tpu.memory_space<vmem_shared>>
      tpu.enqueue_indirect_dma source(%dma_start3A_38 : memref<10000x32xbf16, #tpu.memory_space<vmem_shared>>) target(%dma_start3A_32 : memref<200x32xbf16, #tpu.memory_space<vmem>>) offsets(%dma_start3A_35 : memref<200xi32, #tpu.memory_space<vmem>>) semaphore(%arg11 : memref<!tpu.dma_semaphore, #tpu.memory_space<semaphore_mem>>)
      %dma_start3A_39 = arith.constant 2 : i32
      %dma_start3A_40 = arith.constant 2 : i32
      %dma_start3A_41 = arith.constant 0 : i32
      %dma_start3A_42 = arith.constant 0 : i32
      %dma_start3A_43 = tpu.memref_slice %arg6[%dma_start3A_40, %dma_start3A_41, %dma_start3A_42] : memref<4x200x32xbf16, #tpu.memory_space<vmem>> -> memref<1x200x32xbf16, #tpu.memory_space<vmem>>
      %dma_start3A_44 = tpu.memref_squeeze %dma_start3A_43 : memref<1x200x32xbf16, #tpu.memory_space<vmem>> -> memref<200x32xbf16, #tpu.memory_space<vmem>>
      %dma_start3A_45 = arith.constant 0 : i32
      %dma_start3A_46 = tpu.memref_slice %arg5[%dma_start3A_39, %dma_start3A_45] : memref<64x200xi32, #tpu.memory_space<vmem>> -> memref<1x200xi32, #tpu.memory_space<vmem>>
      %dma_start3A_47 = tpu.memref_squeeze %dma_start3A_46 : memref<1x200xi32, #tpu.memory_space<vmem>> -> memref<200xi32, #tpu.memory_space<vmem>>
      %dma_start3A_48 = arith.constant 0 : i32
      %dma_start3A_49 = arith.constant 0 : i32
      %dma_start3A_50 = tpu.memref_slice %arg9[%dma_start3A_48, %dma_start3A_49] : memref<10000x32xbf16, #tpu.memory_space<vmem_shared>> -> memref<10000x32xbf16, #tpu.memory_space<vmem_shared>>
      tpu.enqueue_indirect_dma source(%dma_start3A_50 : memref<10000x32xbf16, #tpu.memory_space<vmem_shared>>) target(%dma_start3A_44 : memref<200x32xbf16, #tpu.memory_space<vmem>>) offsets(%dma_start3A_47 : memref<200xi32, #tpu.memory_space<vmem>>) semaphore(%arg12 : memref<!tpu.dma_semaphore, #tpu.memory_space<semaphore_mem>>)
      %dma_start3A_51 = arith.constant 3 : i32
      %dma_start3A_52 = arith.constant 3 : i32
      %dma_start3A_53 = arith.constant 0 : i32
      %dma_start3A_54 = arith.constant 0 : i32
      %dma_start3A_55 = tpu.memref_slice %arg6[%dma_start3A_52, %dma_start3A_53, %dma_start3A_54] : memref<4x200x32xbf16, #tpu.memory_space<vmem>> -> memref<1x200x32xbf16, #tpu.memory_space<vmem>>
      %dma_start3A_56 = tpu.memref_squeeze %dma_start3A_55 : memref<1x200x32xbf16, #tpu.memory_space<vmem>> -> memref<200x32xbf16, #tpu.memory_space<vmem>>
      %dma_start3A_57 = arith.constant 0 : i32
      %dma_start3A_58 = tpu.memref_slice %arg5[%dma_start3A_51, %dma_start3A_57] : memref<64x200xi32, #tpu.memory_space<vmem>> -> memref<1x200xi32, #tpu.memory_space<vmem>>
      %dma_start3A_59 = tpu.memref_squeeze %dma_start3A_58 : memref<1x200xi32, #tpu.memory_space<vmem>> -> memref<200xi32, #tpu.memory_space<vmem>>
      %dma_start3A_60 = arith.constant 0 : i32
      %dma_start3A_61 = arith.constant 0 : i32
      %dma_start3A_62 = tpu.memref_slice %arg9[%dma_start3A_60, %dma_start3A_61] : memref<10000x32xbf16, #tpu.memory_space<vmem_shared>> -> memref<10000x32xbf16, #tpu.memory_space<vmem_shared>>
      tpu.enqueue_indirect_dma source(%dma_start3A_62 : memref<10000x32xbf16, #tpu.memory_space<vmem_shared>>) target(%dma_start3A_56 : memref<200x32xbf16, #tpu.memory_space<vmem>>) offsets(%dma_start3A_59 : memref<200xi32, #tpu.memory_space<vmem>>) semaphore(%arg13 : memref<!tpu.dma_semaphore, #tpu.memory_space<semaphore_mem>>)
      %scan3A_63 = arith.constant 0 : i32
      %scan3A_64 = arith.constant 0 : i32
      %scan3A_65 = arith.constant 4 : i32
      %scan3A_66 = arith.addi %scan3A_64, %scan3A_65 : i32
      %scan3A_67 = arith.constant 1 : i32
      %scan3A_68 = scf.for %scan3A_78 = %scan3A_64 to %scan3A_66 step %scan3A_67 iter_args(%scan3A_79 = %scan3A_63) -> (i32)  : i32 {
        %mul3A_80 = arith.constant 16 : i32
        %mul3A_81 = arith.muli %scan3A_78, %mul3A_80 : i32
        %add3A_82 = vector.broadcast %mul3A_81 : i32 to vector<16xi32>
        %add3A_83 = arith.addi %add3A_82, %iota3A : vector<16xi32>
        %broadcast_in_dim3A = arith.constant 0.000000e+00 : f32
        %broadcast_in_dim3A_84 = vector.broadcast %broadcast_in_dim3A : f32 to vector<16xf32>
        %scan3A_85 = arith.constant 0 : i32
        %scan3A_86 = arith.constant 25 : i32
        %scan3A_87 = arith.addi %scan3A_85, %scan3A_86 : i32
        %scan3A_88 = arith.constant 1 : i32
        %scan3A_89 = scf.for %scan3A_97 = %scan3A_85 to %scan3A_87 step %scan3A_88 iter_args(%scan3A_98 = %broadcast_in_dim3A_84) -> (vector<16xf32>)  : i32 {
          %broadcast_in_dim3A_99 = arith.constant 1 : i32
          %broadcast_in_dim3A_100 = vector.broadcast %broadcast_in_dim3A_99 : i32 to vector<16xi32>
          %mul3A_101 = arith.constant 8 : i32
          %mul3A_102 = arith.muli %scan3A_97, %mul3A_101 : i32
          %add3A_103 = arith.constant 0 : i32
          %add3A_104 = arith.addi %mul3A_102, %add3A_103 : i32
          %mul3A_105 = vector.broadcast %add3A_104 : i32 to vector<16xi32>
          %mul3A_106 = arith.muli %broadcast_in_dim3A_100, %mul3A_105 : vector<16xi32>
          %gather3A = tpu.vector_load_idx %arg5[%add3A_83, %mul3A_106] : memref<64x200xi32, #tpu.memory_space<vmem>>[vector<16xi32>, vector<16xi32>], vector<16xi32>,
          %ne3A = arith.constant 0 : i32
          %ne3A_107 = vector.broadcast %ne3A : i32 to vector<16xi32>
          %ne3A_108 = arith.cmpi ne, %gather3A, %ne3A_107 : vector<16xi32>
          %jit3A = arith.constant 1.000000e+00 : f32
          %jit3A_109 = arith.constant 0.000000e+00 : f32
          %broadcast_in_dim3A_110 = vector.broadcast %jit3A : f32 to vector<16xf32>
          %broadcast_in_dim3A_111 = vector.broadcast %jit3A_109 : f32 to vector<16xf32>
          %select_n3A = arith.select %ne3A_108, %broadcast_in_dim3A_110, %broadcast_in_dim3A_111 : vector<16xi1>, vector<16xf32>
          %add3A_112 = arith.addf %scan3A_98, %select_n3A : vector<16xf32>
          %broadcast_in_dim3A_113 = arith.constant 1 : i32
          %broadcast_in_dim3A_114 = vector.broadcast %broadcast_in_dim3A_113 : i32 to vector<16xi32>
          %mul3A_115 = arith.constant 8 : i32
          %mul3A_116 = arith.muli %scan3A_97, %mul3A_115 : i32
          %add3A_117 = arith.constant 1 : i32
          %add3A_118 = arith.addi %mul3A_116, %add3A_117 : i32
          %mul3A_119 = vector.broadcast %add3A_118 : i32 to vector<16xi32>
          %mul3A_120 = arith.muli %broadcast_in_dim3A_114, %mul3A_119 : vector<16xi32>
          %gather3A_121 = tpu.vector_load_idx %arg5[%add3A_83, %mul3A_120] : memref<64x200xi32, #tpu.memory_space<vmem>>[vector<16xi32>, vector<16xi32>], vector<16xi32>,
          %ne3A_122 = arith.constant 0 : i32
          %ne3A_123 = vector.broadcast %ne3A_122 : i32 to vector<16xi32>
          %ne3A_124 = arith.cmpi ne, %gather3A_121, %ne3A_123 : vector<16xi32>
          %jit3A_125 = arith.constant 1.000000e+00 : f32
          %jit3A_126 = arith.constant 0.000000e+00 : f32
          %broadcast_in_dim3A_127 = vector.broadcast %jit3A_125 : f32 to vector<16xf32>
          %broadcast_in_dim3A_128 = vector.broadcast %jit3A_126 : f32 to vector<16xf32>
          %select_n3A_129 = arith.select %ne3A_124, %broadcast_in_dim3A_127, %broadcast_in_dim3A_128 : vector<16xi1>, vector<16xf32>
          %add3A_130 = arith.addf %add3A_112, %select_n3A_129 : vector<16xf32>
          %broadcast_in_dim3A_131 = arith.constant 1 : i32
          %broadcast_in_dim3A_132 = vector.broadcast %broadcast_in_dim3A_131 : i32 to vector<16xi32>
          %mul3A_133 = arith.constant 8 : i32
          %mul3A_134 = arith.muli %scan3A_97, %mul3A_133 : i32
          %add3A_135 = arith.constant 2 : i32
          %add3A_136 = arith.addi %mul3A_134, %add3A_135 : i32
          %mul3A_137 = vector.broadcast %add3A_136 : i32 to vector<16xi32>
          %mul3A_138 = arith.muli %broadcast_in_dim3A_132, %mul3A_137 : vector<16xi32>
          %gather3A_139 = tpu.vector_load_idx %arg5[%add3A_83, %mul3A_138] : memref<64x200xi32, #tpu.memory_space<vmem>>[vector<16xi32>, vector<16xi32>], vector<16xi32>,
          %ne3A_140 = arith.constant 0 : i32
          %ne3A_141 = vector.broadcast %ne3A_140 : i32 to vector<16xi32>
          %ne3A_142 = arith.cmpi ne, %gather3A_139, %ne3A_141 : vector<16xi32>
          %jit3A_143 = arith.constant 1.000000e+00 : f32
          %jit3A_144 = arith.constant 0.000000e+00 : f32
          %broadcast_in_dim3A_145 = vector.broadcast %jit3A_143 : f32 to vector<16xf32>
          %broadcast_in_dim3A_146 = vector.broadcast %jit3A_144 : f32 to vector<16xf32>
          %select_n3A_147 = arith.select %ne3A_142, %broadcast_in_dim3A_145, %broadcast_in_dim3A_146 : vector<16xi1>, vector<16xf32>
          %add3A_148 = arith.addf %add3A_130, %select_n3A_147 : vector<16xf32>
          %broadcast_in_dim3A_149 = arith.constant 1 : i32
          %broadcast_in_dim3A_150 = vector.broadcast %broadcast_in_dim3A_149 : i32 to vector<16xi32>
          %mul3A_151 = arith.constant 8 : i32
          %mul3A_152 = arith.muli %scan3A_97, %mul3A_151 : i32
          %add3A_153 = arith.constant 3 : i32
          %add3A_154 = arith.addi %mul3A_152, %add3A_153 : i32
          %mul3A_155 = vector.broadcast %add3A_154 : i32 to vector<16xi32>
          %mul3A_156 = arith.muli %broadcast_in_dim3A_150, %mul3A_155 : vector<16xi32>
          %gather3A_157 = tpu.vector_load_idx %arg5[%add3A_83, %mul3A_156] : memref<64x200xi32, #tpu.memory_space<vmem>>[vector<16xi32>, vector<16xi32>], vector<16xi32>,
          %ne3A_158 = arith.constant 0 : i32
          %ne3A_159 = vector.broadcast %ne3A_158 : i32 to vector<16xi32>
          %ne3A_160 = arith.cmpi ne, %gather3A_157, %ne3A_159 : vector<16xi32>
          %jit3A_161 = arith.constant 1.000000e+00 : f32
          %jit3A_162 = arith.constant 0.000000e+00 : f32
          %broadcast_in_dim3A_163 = vector.broadcast %jit3A_161 : f32 to vector<16xf32>
          %broadcast_in_dim3A_164 = vector.broadcast %jit3A_162 : f32 to vector<16xf32>
          %select_n3A_165 = arith.select %ne3A_160, %broadcast_in_dim3A_163, %broadcast_in_dim3A_164 : vector<16xi1>, vector<16xf32>
          %add3A_166 = arith.addf %add3A_148, %select_n3A_165 : vector<16xf32>
          %broadcast_in_dim3A_167 = arith.constant 1 : i32
          %broadcast_in_dim3A_168 = vector.broadcast %broadcast_in_dim3A_167 : i32 to vector<16xi32>
          %mul3A_169 = arith.constant 8 : i32
          %mul3A_170 = arith.muli %scan3A_97, %mul3A_169 : i32
          %add3A_171 = arith.constant 4 : i32
          %add3A_172 = arith.addi %mul3A_170, %add3A_171 : i32
          %mul3A_173 = vector.broadcast %add3A_172 : i32 to vector<16xi32>
          %mul3A_174 = arith.muli %broadcast_in_dim3A_168, %mul3A_173 : vector<16xi32>
          %gather3A_175 = tpu.vector_load_idx %arg5[%add3A_83, %mul3A_174] : memref<64x200xi32, #tpu.memory_space<vmem>>[vector<16xi32>, vector<16xi32>], vector<16xi32>,
          %ne3A_176 = arith.constant 0 : i32
          %ne3A_177 = vector.broadcast %ne3A_176 : i32 to vector<16xi32>
          %ne3A_178 = arith.cmpi ne, %gather3A_175, %ne3A_177 : vector<16xi32>
          %jit3A_179 = arith.constant 1.000000e+00 : f32
          %jit3A_180 = arith.constant 0.000000e+00 : f32
          %broadcast_in_dim3A_181 = vector.broadcast %jit3A_179 : f32 to vector<16xf32>
          %broadcast_in_dim3A_182 = vector.broadcast %jit3A_180 : f32 to vector<16xf32>
          %select_n3A_183 = arith.select %ne3A_178, %broadcast_in_dim3A_181, %broadcast_in_dim3A_182 : vector<16xi1>, vector<16xf32>
          %add3A_184 = arith.addf %add3A_166, %select_n3A_183 : vector<16xf32>
          %broadcast_in_dim3A_185 = arith.constant 1 : i32
          %broadcast_in_dim3A_186 = vector.broadcast %broadcast_in_dim3A_185 : i32 to vector<16xi32>
          %mul3A_187 = arith.constant 8 : i32
          %mul3A_188 = arith.muli %scan3A_97, %mul3A_187 : i32
          %add3A_189 = arith.constant 5 : i32
          %add3A_190 = arith.addi %mul3A_188, %add3A_189 : i32
          %mul3A_191 = vector.broadcast %add3A_190 : i32 to vector<16xi32>
          %mul3A_192 = arith.muli %broadcast_in_dim3A_186, %mul3A_191 : vector<16xi32>
          %gather3A_193 = tpu.vector_load_idx %arg5[%add3A_83, %mul3A_192] : memref<64x200xi32, #tpu.memory_space<vmem>>[vector<16xi32>, vector<16xi32>], vector<16xi32>,
          %ne3A_194 = arith.constant 0 : i32
          %ne3A_195 = vector.broadcast %ne3A_194 : i32 to vector<16xi32>
          %ne3A_196 = arith.cmpi ne, %gather3A_193, %ne3A_195 : vector<16xi32>
          %jit3A_197 = arith.constant 1.000000e+00 : f32
          %jit3A_198 = arith.constant 0.000000e+00 : f32
          %broadcast_in_dim3A_199 = vector.broadcast %jit3A_197 : f32 to vector<16xf32>
          %broadcast_in_dim3A_200 = vector.broadcast %jit3A_198 : f32 to vector<16xf32>
          %select_n3A_201 = arith.select %ne3A_196, %broadcast_in_dim3A_199, %broadcast_in_dim3A_200 : vector<16xi1>, vector<16xf32>
          %add3A_202 = arith.addf %add3A_184, %select_n3A_201 : vector<16xf32>
          %broadcast_in_dim3A_203 = arith.constant 1 : i32
          %broadcast_in_dim3A_204 = vector.broadcast %broadcast_in_dim3A_203 : i32 to vector<16xi32>
          %mul3A_205 = arith.constant 8 : i32
          %mul3A_206 = arith.muli %scan3A_97, %mul3A_205 : i32
          %add3A_207 = arith.constant 6 : i32
          %add3A_208 = arith.addi %mul3A_206, %add3A_207 : i32
          %mul3A_209 = vector.broadcast %add3A_208 : i32 to vector<16xi32>
          %mul3A_210 = arith.muli %broadcast_in_dim3A_204, %mul3A_209 : vector<16xi32>
          %gather3A_211 = tpu.vector_load_idx %arg5[%add3A_83, %mul3A_210] : memref<64x200xi32, #tpu.memory_space<vmem>>[vector<16xi32>, vector<16xi32>], vector<16xi32>,
          %ne3A_212 = arith.constant 0 : i32
          %ne3A_213 = vector.broadcast %ne3A_212 : i32 to vector<16xi32>
          %ne3A_214 = arith.cmpi ne, %gather3A_211, %ne3A_213 : vector<16xi32>
          %jit3A_215 = arith.constant 1.000000e+00 : f32
          %jit3A_216 = arith.constant 0.000000e+00 : f32
          %broadcast_in_dim3A_217 = vector.broadcast %jit3A_215 : f32 to vector<16xf32>
          %broadcast_in_dim3A_218 = vector.broadcast %jit3A_216 : f32 to vector<16xf32>
          %select_n3A_219 = arith.select %ne3A_214, %broadcast_in_dim3A_217, %broadcast_in_dim3A_218 : vector<16xi1>, vector<16xf32>
          %add3A_220 = arith.addf %add3A_202, %select_n3A_219 : vector<16xf32>
          %broadcast_in_dim3A_221 = arith.constant 1 : i32
          %broadcast_in_dim3A_222 = vector.broadcast %broadcast_in_dim3A_221 : i32 to vector<16xi32>
          %mul3A_223 = arith.constant 8 : i32
          %mul3A_224 = arith.muli %scan3A_97, %mul3A_223 : i32
          %add3A_225 = arith.constant 7 : i32
          %add3A_226 = arith.addi %mul3A_224, %add3A_225 : i32
          %mul3A_227 = vector.broadcast %add3A_226 : i32 to vector<16xi32>
          %mul3A_228 = arith.muli %broadcast_in_dim3A_222, %mul3A_227 : vector<16xi32>
          %gather3A_229 = tpu.vector_load_idx %arg5[%add3A_83, %mul3A_228] : memref<64x200xi32, #tpu.memory_space<vmem>>[vector<16xi32>, vector<16xi32>], vector<16xi32>,
          %ne3A_230 = arith.constant 0 : i32
          %ne3A_231 = vector.broadcast %ne3A_230 : i32 to vector<16xi32>
          %ne3A_232 = arith.cmpi ne, %gather3A_229, %ne3A_231 : vector<16xi32>
          %jit3A_233 = arith.constant 1.000000e+00 : f32
          %jit3A_234 = arith.constant 0.000000e+00 : f32
          %broadcast_in_dim3A_235 = vector.broadcast %jit3A_233 : f32 to vector<16xf32>
          %broadcast_in_dim3A_236 = vector.broadcast %jit3A_234 : f32 to vector<16xf32>
          %select_n3A_237 = arith.select %ne3A_232, %broadcast_in_dim3A_235, %broadcast_in_dim3A_236 : vector<16xi1>, vector<16xf32>
          %add3A_238 = arith.addf %add3A_220, %select_n3A_237 : vector<16xf32>
          scf.yield %add3A_238 : vector<16xf32>
        }
        %scan3A_90 = arith.constant 25 : i32
        %max3A = arith.constant 1.000000e+00 : f32
        %max3A_91 = vector.broadcast %max3A : f32 to vector<16xf32>
        %max3A_92 = arith.maximumf %scan3A_89, %max3A_91 : vector<16xf32>
        %mul3A_93 = arith.constant 16 : i32
        %mul3A_94 = arith.muli %scan3A_78, %mul3A_93 : i32
        %swap3A = arith.index_cast %mul3A_94 : i32 to index
        %swap3A_95 = tpu.vector_load %arg8[%swap3A] {strides = array<i32>} : memref<64xf32, #tpu.memory_space<vmem>>, vector<16xf32>,
        tpu.vector_store %arg8[%swap3A], %max3A_92 {strides = array<i32>} : memref<64xf32, #tpu.memory_space<vmem>>, vector<16xf32>,
        %scan3A_96 = arith.constant 0 : i32
        scf.yield %scan3A_96 : i32
      }
      %scan3A_69 = arith.constant 4 : i32
      %scan3A_70 = arith.constant 0 : i32
      %scan3A_71 = arith.constant 0 : i32
      %scan3A_72 = arith.constant 16 : i32
      %scan3A_73 = arith.addi %scan3A_71, %scan3A_72 : i32
      %scan3A_74 = arith.constant 1 : i32
      %scan3A_75 = scf.for %scan3A_78 = %scan3A_71 to %scan3A_73 step %scan3A_74 iter_args(%scan3A_79 = %scan3A_70) -> (i32)  : i32 {
        %mul3A_80 = arith.constant 4 : i32
        %mul3A_81 = arith.muli %scan3A_78, %mul3A_80 : i32
        %add3A_82 = arith.constant 0 : i32
        %add3A_83 = arith.addi %mul3A_81, %add3A_82 : i32
        %dma_wait3A = arith.constant 0 : i32
        %dma_wait3A_84 = arith.constant 0 : i32
        %dma_wait3A_85 = arith.constant 0 : i32
        %dma_wait3A_86 = tpu.memref_slice %arg6[%dma_wait3A, %dma_wait3A_84, %dma_wait3A_85] : memref<4x200x32xbf16, #tpu.memory_space<vmem>> -> memref<1x200x32xbf16, #tpu.memory_space<vmem>>
        %dma_wait3A_87 = tpu.memref_squeeze %dma_wait3A_86 : memref<1x200x32xbf16, #tpu.memory_space<vmem>> -> memref<200x32xbf16, #tpu.memory_space<vmem>>
        %dma_wait3A_88 = arith.constant 0 : i32
        %dma_wait3A_89 = tpu.memref_slice %arg5[%add3A_83, %dma_wait3A_88] : memref<64x200xi32, #tpu.memory_space<vmem>> -> memref<1x200xi32, #tpu.memory_space<vmem>>
        %dma_wait3A_90 = tpu.memref_squeeze %dma_wait3A_89 : memref<1x200xi32, #tpu.memory_space<vmem>> -> memref<200xi32, #tpu.memory_space<vmem>>
        %dma_wait3A_91 = arith.constant 0 : i32
        %dma_wait3A_92 = arith.constant 0 : i32
        %dma_wait3A_93 = tpu.memref_slice %arg9[%dma_wait3A_91, %dma_wait3A_92] : memref<10000x32xbf16, #tpu.memory_space<vmem_shared>> -> memref<10000x32xbf16, #tpu.memory_space<vmem_shared>>
        tpu.wait_indirect_dma semaphore(%arg10 : memref<!tpu.dma_semaphore, #tpu.memory_space<semaphore_mem>>) src(%dma_wait3A_93 : memref<10000x32xbf16, #tpu.memory_space<vmem_shared>>) dst(%dma_wait3A_87 : memref<200x32xbf16, #tpu.memory_space<vmem>>)
        %broadcast_in_dim3A = arith.constant 0.000000e+00 : f32
        %broadcast_in_dim3A_94 = vector.broadcast %broadcast_in_dim3A : f32 to vector<16xf32>
        %scan3A_95 = arith.constant 0 : i32
        %scan3A_96 = arith.constant 12 : i32
        %scan3A_97 = arith.addi %scan3A_95, %scan3A_96 : i32
        %scan3A_98 = arith.constant 1 : i32
        %scan3A_99:4 = scf.for %scan3A_573 = %scan3A_95 to %scan3A_97 step %scan3A_98 iter_args(%scan3A_574 = %broadcast_in_dim3A_94, %scan3A_575 = %broadcast_in_dim3A_94, %scan3A_576 = %broadcast_in_dim3A_94, %scan3A_577 = %broadcast_in_dim3A_94) -> (vector<16xf32>, vector<16xf32>, vector<16xf32>, vector<16xf32>)  : i32 {
          %mul3A_578 = arith.constant 16 : i32
          %mul3A_579 = arith.muli %scan3A_573, %mul3A_578 : i32
          %add3A_580 = arith.constant 0 : i32
          %add3A_581 = arith.addi %mul3A_579, %add3A_580 : i32
          %get3A_582 = arith.constant 0 : i32
          %get3A_583 = arith.index_cast %get3A_582 : i32 to index
          %get3A_584 = arith.index_cast %add3A_581 : i32 to index
          %get3A_585 = arith.constant 0 : index
          %get3A_586 = tpu.vector_load %arg6[%get3A_583, %get3A_584, %get3A_585] {strides = array<i32>} : memref<4x200x32xbf16, #tpu.memory_space<vmem>>, vector<32xbf16>,
          %unpack3A_587 = tpu.unpack_subelements %get3A_586, 0 {pack_format = #tpu.pack_format<interleaved>} : vector<32xbf16> -> vector<16xf32>
          %unpack3A_588 = tpu.unpack_subelements %get3A_586, 1 {pack_format = #tpu.pack_format<interleaved>} : vector<32xbf16> -> vector<16xf32>
          %add3A_589 = arith.constant 1 : i32
          %add3A_590 = arith.addi %add3A_581, %add3A_589 : i32
          %get3A_591 = arith.constant 0 : i32
          %get3A_592 = arith.index_cast %get3A_591 : i32 to index
          %get3A_593 = arith.index_cast %add3A_590 : i32 to index
          %get3A_594 = arith.constant 0 : index
          %get3A_595 = tpu.vector_load %arg6[%get3A_592, %get3A_593, %get3A_594] {strides = array<i32>} : memref<4x200x32xbf16, #tpu.memory_space<vmem>>, vector<32xbf16>,
          %unpack3A_596 = tpu.unpack_subelements %get3A_595, 0 {pack_format = #tpu.pack_format<interleaved>} : vector<32xbf16> -> vector<16xf32>
          %unpack3A_597 = tpu.unpack_subelements %get3A_595, 1 {pack_format = #tpu.pack_format<interleaved>} : vector<32xbf16> -> vector<16xf32>
          %add3A_598 = arith.addf %scan3A_574, %unpack3A_587 : vector<16xf32>
          %add3A_599 = arith.addf %scan3A_575, %unpack3A_588 : vector<16xf32>
          %add3A_600 = arith.addf %scan3A_576, %unpack3A_596 : vector<16xf32>
          %add3A_601 = arith.addf %scan3A_577, %unpack3A_597 : vector<16xf32>
          %mul3A_602 = arith.constant 16 : i32
          %mul3A_603 = arith.muli %scan3A_573, %mul3A_602 : i32
          %add3A_604 = arith.constant 2 : i32
          %add3A_605 = arith.addi %mul3A_603, %add3A_604 : i32
          %get3A_606 = arith.constant 0 : i32
          %get3A_607 = arith.index_cast %get3A_606 : i32 to index
          %get3A_608 = arith.index_cast %add3A_605 : i32 to index
          %get3A_609 = arith.constant 0 : index
          %get3A_610 = tpu.vector_load %arg6[%get3A_607, %get3A_608, %get3A_609] {strides = array<i32>} : memref<4x200x32xbf16, #tpu.memory_space<vmem>>, vector<32xbf16>,
          %unpack3A_611 = tpu.unpack_subelements %get3A_610, 0 {pack_format = #tpu.pack_format<interleaved>} : vector<32xbf16> -> vector<16xf32>
          %unpack3A_612 = tpu.unpack_subelements %get3A_610, 1 {pack_format = #tpu.pack_format<interleaved>} : vector<32xbf16> -> vector<16xf32>
          %add3A_613 = arith.constant 1 : i32
          %add3A_614 = arith.addi %add3A_605, %add3A_613 : i32
          %get3A_615 = arith.constant 0 : i32
          %get3A_616 = arith.index_cast %get3A_615 : i32 to index
          %get3A_617 = arith.index_cast %add3A_614 : i32 to index
          %get3A_618 = arith.constant 0 : index
          %get3A_619 = tpu.vector_load %arg6[%get3A_616, %get3A_617, %get3A_618] {strides = array<i32>} : memref<4x200x32xbf16, #tpu.memory_space<vmem>>, vector<32xbf16>,
          %unpack3A_620 = tpu.unpack_subelements %get3A_619, 0 {pack_format = #tpu.pack_format<interleaved>} : vector<32xbf16> -> vector<16xf32>
          %unpack3A_621 = tpu.unpack_subelements %get3A_619, 1 {pack_format = #tpu.pack_format<interleaved>} : vector<32xbf16> -> vector<16xf32>
          %add3A_622 = arith.addf %add3A_598, %unpack3A_611 : vector<16xf32>
          %add3A_623 = arith.addf %add3A_599, %unpack3A_612 : vector<16xf32>
          %add3A_624 = arith.addf %add3A_600, %unpack3A_620 : vector<16xf32>
          %add3A_625 = arith.addf %add3A_601, %unpack3A_621 : vector<16xf32>
          %mul3A_626 = arith.constant 16 : i32
          %mul3A_627 = arith.muli %scan3A_573, %mul3A_626 : i32
          %add3A_628 = arith.constant 4 : i32
          %add3A_629 = arith.addi %mul3A_627, %add3A_628 : i32
          %get3A_630 = arith.constant 0 : i32
          %get3A_631 = arith.index_cast %get3A_630 : i32 to index
          %get3A_632 = arith.index_cast %add3A_629 : i32 to index
          %get3A_633 = arith.constant 0 : index
          %get3A_634 = tpu.vector_load %arg6[%get3A_631, %get3A_632, %get3A_633] {strides = array<i32>} : memref<4x200x32xbf16, #tpu.memory_space<vmem>>, vector<32xbf16>,
          %unpack3A_635 = tpu.unpack_subelements %get3A_634, 0 {pack_format = #tpu.pack_format<interleaved>} : vector<32xbf16> -> vector<16xf32>
          %unpack3A_636 = tpu.unpack_subelements %get3A_634, 1 {pack_format = #tpu.pack_format<interleaved>} : vector<32xbf16> -> vector<16xf32>
          %add3A_637 = arith.constant 1 : i32
          %add3A_638 = arith.addi %add3A_629, %add3A_637 : i32
          %get3A_639 = arith.constant 0 : i32
          %get3A_640 = arith.index_cast %get3A_639 : i32 to index
          %get3A_641 = arith.index_cast %add3A_638 : i32 to index
          %get3A_642 = arith.constant 0 : index
          %get3A_643 = tpu.vector_load %arg6[%get3A_640, %get3A_641, %get3A_642] {strides = array<i32>} : memref<4x200x32xbf16, #tpu.memory_space<vmem>>, vector<32xbf16>,
          %unpack3A_644 = tpu.unpack_subelements %get3A_643, 0 {pack_format = #tpu.pack_format<interleaved>} : vector<32xbf16> -> vector<16xf32>
          %unpack3A_645 = tpu.unpack_subelements %get3A_643, 1 {pack_format = #tpu.pack_format<interleaved>} : vector<32xbf16> -> vector<16xf32>
          %add3A_646 = arith.addf %add3A_622, %unpack3A_635 : vector<16xf32>
          %add3A_647 = arith.addf %add3A_623, %unpack3A_636 : vector<16xf32>
          %add3A_648 = arith.addf %add3A_624, %unpack3A_644 : vector<16xf32>
          %add3A_649 = arith.addf %add3A_625, %unpack3A_645 : vector<16xf32>
          %mul3A_650 = arith.constant 16 : i32
          %mul3A_651 = arith.muli %scan3A_573, %mul3A_650 : i32
          %add3A_652 = arith.constant 6 : i32
          %add3A_653 = arith.addi %mul3A_651, %add3A_652 : i32
          %get3A_654 = arith.constant 0 : i32
          %get3A_655 = arith.index_cast %get3A_654 : i32 to index
          %get3A_656 = arith.index_cast %add3A_653 : i32 to index
          %get3A_657 = arith.constant 0 : index
          %get3A_658 = tpu.vector_load %arg6[%get3A_655, %get3A_656, %get3A_657] {strides = array<i32>} : memref<4x200x32xbf16, #tpu.memory_space<vmem>>, vector<32xbf16>,
          %unpack3A_659 = tpu.unpack_subelements %get3A_658, 0 {pack_format = #tpu.pack_format<interleaved>} : vector<32xbf16> -> vector<16xf32>
          %unpack3A_660 = tpu.unpack_subelements %get3A_658, 1 {pack_format = #tpu.pack_format<interleaved>} : vector<32xbf16> -> vector<16xf32>
          %add3A_661 = arith.constant 1 : i32
          %add3A_662 = arith.addi %add3A_653, %add3A_661 : i32
          %get3A_663 = arith.constant 0 : i32
          %get3A_664 = arith.index_cast %get3A_663 : i32 to index
          %get3A_665 = arith.index_cast %add3A_662 : i32 to index
          %get3A_666 = arith.constant 0 : index
          %get3A_667 = tpu.vector_load %arg6[%get3A_664, %get3A_665, %get3A_666] {strides = array<i32>} : memref<4x200x32xbf16, #tpu.memory_space<vmem>>, vector<32xbf16>,
          %unpack3A_668 = tpu.unpack_subelements %get3A_667, 0 {pack_format = #tpu.pack_format<interleaved>} : vector<32xbf16> -> vector<16xf32>
          %unpack3A_669 = tpu.unpack_subelements %get3A_667, 1 {pack_format = #tpu.pack_format<interleaved>} : vector<32xbf16> -> vector<16xf32>
          %add3A_670 = arith.addf %add3A_646, %unpack3A_659 : vector<16xf32>
          %add3A_671 = arith.addf %add3A_647, %unpack3A_660 : vector<16xf32>
          %add3A_672 = arith.addf %add3A_648, %unpack3A_668 : vector<16xf32>
          %add3A_673 = arith.addf %add3A_649, %unpack3A_669 : vector<16xf32>
          %mul3A_674 = arith.constant 16 : i32
          %mul3A_675 = arith.muli %scan3A_573, %mul3A_674 : i32
          %add3A_676 = arith.constant 8 : i32
          %add3A_677 = arith.addi %mul3A_675, %add3A_676 : i32
          %get3A_678 = arith.constant 0 : i32
          %get3A_679 = arith.index_cast %get3A_678 : i32 to index
          %get3A_680 = arith.index_cast %add3A_677 : i32 to index
          %get3A_681 = arith.constant 0 : index
          %get3A_682 = tpu.vector_load %arg6[%get3A_679, %get3A_680, %get3A_681] {strides = array<i32>} : memref<4x200x32xbf16, #tpu.memory_space<vmem>>, vector<32xbf16>,
          %unpack3A_683 = tpu.unpack_subelements %get3A_682, 0 {pack_format = #tpu.pack_format<interleaved>} : vector<32xbf16> -> vector<16xf32>
          %unpack3A_684 = tpu.unpack_subelements %get3A_682, 1 {pack_format = #tpu.pack_format<interleaved>} : vector<32xbf16> -> vector<16xf32>
          %add3A_685 = arith.constant 1 : i32
          %add3A_686 = arith.addi %add3A_677, %add3A_685 : i32
          %get3A_687 = arith.constant 0 : i32
          %get3A_688 = arith.index_cast %get3A_687 : i32 to index
          %get3A_689 = arith.index_cast %add3A_686 : i32 to index
          %get3A_690 = arith.constant 0 : index
          %get3A_691 = tpu.vector_load %arg6[%get3A_688, %get3A_689, %get3A_690] {strides = array<i32>} : memref<4x200x32xbf16, #tpu.memory_space<vmem>>, vector<32xbf16>,
          %unpack3A_692 = tpu.unpack_subelements %get3A_691, 0 {pack_format = #tpu.pack_format<interleaved>} : vector<32xbf16> -> vector<16xf32>
          %unpack3A_693 = tpu.unpack_subelements %get3A_691, 1 {pack_format = #tpu.pack_format<interleaved>} : vector<32xbf16> -> vector<16xf32>
          %add3A_694 = arith.addf %add3A_670, %unpack3A_683 : vector<16xf32>
          %add3A_695 = arith.addf %add3A_671, %unpack3A_684 : vector<16xf32>
          %add3A_696 = arith.addf %add3A_672, %unpack3A_692 : vector<16xf32>
          %add3A_697 = arith.addf %add3A_673, %unpack3A_693 : vector<16xf32>
          %mul3A_698 = arith.constant 16 : i32
          %mul3A_699 = arith.muli %scan3A_573, %mul3A_698 : i32
          %add3A_700 = arith.constant 10 : i32
          %add3A_701 = arith.addi %mul3A_699, %add3A_700 : i32
          %get3A_702 = arith.constant 0 : i32
          %get3A_703 = arith.index_cast %get3A_702 : i32 to index
          %get3A_704 = arith.index_cast %add3A_701 : i32 to index
          %get3A_705 = arith.constant 0 : index
          %get3A_706 = tpu.vector_load %arg6[%get3A_703, %get3A_704, %get3A_705] {strides = array<i32>} : memref<4x200x32xbf16, #tpu.memory_space<vmem>>, vector<32xbf16>,
          %unpack3A_707 = tpu.unpack_subelements %get3A_706, 0 {pack_format = #tpu.pack_format<interleaved>} : vector<32xbf16> -> vector<16xf32>
          %unpack3A_708 = tpu.unpack_subelements %get3A_706, 1 {pack_format = #tpu.pack_format<interleaved>} : vector<32xbf16> -> vector<16xf32>
          %add3A_709 = arith.constant 1 : i32
          %add3A_710 = arith.addi %add3A_701, %add3A_709 : i32
          %get3A_711 = arith.constant 0 : i32
          %get3A_712 = arith.index_cast %get3A_711 : i32 to index
          %get3A_713 = arith.index_cast %add3A_710 : i32 to index
          %get3A_714 = arith.constant 0 : index
          %get3A_715 = tpu.vector_load %arg6[%get3A_712, %get3A_713, %get3A_714] {strides = array<i32>} : memref<4x200x32xbf16, #tpu.memory_space<vmem>>, vector<32xbf16>,
          %unpack3A_716 = tpu.unpack_subelements %get3A_715, 0 {pack_format = #tpu.pack_format<interleaved>} : vector<32xbf16> -> vector<16xf32>
          %unpack3A_717 = tpu.unpack_subelements %get3A_715, 1 {pack_format = #tpu.pack_format<interleaved>} : vector<32xbf16> -> vector<16xf32>
          %add3A_718 = arith.addf %add3A_694, %unpack3A_707 : vector<16xf32>
          %add3A_719 = arith.addf %add3A_695, %unpack3A_708 : vector<16xf32>
          %add3A_720 = arith.addf %add3A_696, %unpack3A_716 : vector<16xf32>
          %add3A_721 = arith.addf %add3A_697, %unpack3A_717 : vector<16xf32>
          %mul3A_722 = arith.constant 16 : i32
          %mul3A_723 = arith.muli %scan3A_573, %mul3A_722 : i32
          %add3A_724 = arith.constant 12 : i32
          %add3A_725 = arith.addi %mul3A_723, %add3A_724 : i32
          %get3A_726 = arith.constant 0 : i32
          %get3A_727 = arith.index_cast %get3A_726 : i32 to index
          %get3A_728 = arith.index_cast %add3A_725 : i32 to index
          %get3A_729 = arith.constant 0 : index
          %get3A_730 = tpu.vector_load %arg6[%get3A_727, %get3A_728, %get3A_729] {strides = array<i32>} : memref<4x200x32xbf16, #tpu.memory_space<vmem>>, vector<32xbf16>,
          %unpack3A_731 = tpu.unpack_subelements %get3A_730, 0 {pack_format = #tpu.pack_format<interleaved>} : vector<32xbf16> -> vector<16xf32>
          %unpack3A_732 = tpu.unpack_subelements %get3A_730, 1 {pack_format = #tpu.pack_format<interleaved>} : vector<32xbf16> -> vector<16xf32>
          %add3A_733 = arith.constant 1 : i32
          %add3A_734 = arith.addi %add3A_725, %add3A_733 : i32
          %get3A_735 = arith.constant 0 : i32
          %get3A_736 = arith.index_cast %get3A_735 : i32 to index
          %get3A_737 = arith.index_cast %add3A_734 : i32 to index
          %get3A_738 = arith.constant 0 : index
          %get3A_739 = tpu.vector_load %arg6[%get3A_736, %get3A_737, %get3A_738] {strides = array<i32>} : memref<4x200x32xbf16, #tpu.memory_space<vmem>>, vector<32xbf16>,
          %unpack3A_740 = tpu.unpack_subelements %get3A_739, 0 {pack_format = #tpu.pack_format<interleaved>} : vector<32xbf16> -> vector<16xf32>
          %unpack3A_741 = tpu.unpack_subelements %get3A_739, 1 {pack_format = #tpu.pack_format<interleaved>} : vector<32xbf16> -> vector<16xf32>
          %add3A_742 = arith.addf %add3A_718, %unpack3A_731 : vector<16xf32>
          %add3A_743 = arith.addf %add3A_719, %unpack3A_732 : vector<16xf32>
          %add3A_744 = arith.addf %add3A_720, %unpack3A_740 : vector<16xf32>
          %add3A_745 = arith.addf %add3A_721, %unpack3A_741 : vector<16xf32>
          %mul3A_746 = arith.constant 16 : i32
          %mul3A_747 = arith.muli %scan3A_573, %mul3A_746 : i32
          %add3A_748 = arith.constant 14 : i32
          %add3A_749 = arith.addi %mul3A_747, %add3A_748 : i32
          %get3A_750 = arith.constant 0 : i32
          %get3A_751 = arith.index_cast %get3A_750 : i32 to index
          %get3A_752 = arith.index_cast %add3A_749 : i32 to index
          %get3A_753 = arith.constant 0 : index
          %get3A_754 = tpu.vector_load %arg6[%get3A_751, %get3A_752, %get3A_753] {strides = array<i32>} : memref<4x200x32xbf16, #tpu.memory_space<vmem>>, vector<32xbf16>,
          %unpack3A_755 = tpu.unpack_subelements %get3A_754, 0 {pack_format = #tpu.pack_format<interleaved>} : vector<32xbf16> -> vector<16xf32>
          %unpack3A_756 = tpu.unpack_subelements %get3A_754, 1 {pack_format = #tpu.pack_format<interleaved>} : vector<32xbf16> -> vector<16xf32>
          %add3A_757 = arith.constant 1 : i32
          %add3A_758 = arith.addi %add3A_749, %add3A_757 : i32
          %get3A_759 = arith.constant 0 : i32
          %get3A_760 = arith.index_cast %get3A_759 : i32 to index
          %get3A_761 = arith.index_cast %add3A_758 : i32 to index
          %get3A_762 = arith.constant 0 : index
          %get3A_763 = tpu.vector_load %arg6[%get3A_760, %get3A_761, %get3A_762] {strides = array<i32>} : memref<4x200x32xbf16, #tpu.memory_space<vmem>>, vector<32xbf16>,
          %unpack3A_764 = tpu.unpack_subelements %get3A_763, 0 {pack_format = #tpu.pack_format<interleaved>} : vector<32xbf16> -> vector<16xf32>
          %unpack3A_765 = tpu.unpack_subelements %get3A_763, 1 {pack_format = #tpu.pack_format<interleaved>} : vector<32xbf16> -> vector<16xf32>
          %add3A_766 = arith.addf %add3A_742, %unpack3A_755 : vector<16xf32>
          %add3A_767 = arith.addf %add3A_743, %unpack3A_756 : vector<16xf32>
          %add3A_768 = arith.addf %add3A_744, %unpack3A_764 : vector<16xf32>
          %add3A_769 = arith.addf %add3A_745, %unpack3A_765 : vector<16xf32>
          scf.yield %add3A_766, %add3A_767, %add3A_768, %add3A_769 : vector<16xf32>, vector<16xf32>, vector<16xf32>, vector<16xf32>
        }
        %scan3A_100 = arith.constant 12 : i32
        %get3A = arith.constant 0 : i32
        %get3A_101 = arith.constant 192 : i32
        %get3A_102 = arith.index_cast %get3A : i32 to index
        %get3A_103 = arith.index_cast %get3A_101 : i32 to index
        %get3A_104 = arith.constant 0 : index
        %get3A_105 = tpu.vector_load %arg6[%get3A_102, %get3A_103, %get3A_104] {strides = array<i32>} : memref<4x200x32xbf16, #tpu.memory_space<vmem>>, vector<32xbf16>,
        %unpack3A = tpu.unpack_subelements %get3A_105, 0 {pack_format = #tpu.pack_format<interleaved>} : vector<32xbf16> -> vector<16xf32>
        %unpack3A_106 = tpu.unpack_subelements %get3A_105, 1 {pack_format = #tpu.pack_format<interleaved>} : vector<32xbf16> -> vector<16xf32>
        %get3A_107 = arith.constant 0 : i32
        %get3A_108 = arith.constant 193 : i32
        %get3A_109 = arith.index_cast %get3A_107 : i32 to index
        %get3A_110 = arith.index_cast %get3A_108 : i32 to index
        %get3A_111 = arith.constant 0 : index
        %get3A_112 = tpu.vector_load %arg6[%get3A_109, %get3A_110, %get3A_111] {strides = array<i32>} : memref<4x200x32xbf16, #tpu.memory_space<vmem>>, vector<32xbf16>,
        %unpack3A_113 = tpu.unpack_subelements %get3A_112, 0 {pack_format = #tpu.pack_format<interleaved>} : vector<32xbf16> -> vector<16xf32>
        %unpack3A_114 = tpu.unpack_subelements %get3A_112, 1 {pack_format = #tpu.pack_format<interleaved>} : vector<32xbf16> -> vector<16xf32>
        %add3A_115 = arith.addf %scan3A_99#0, %unpack3A : vector<16xf32>
        %add3A_116 = arith.addf %scan3A_99#1, %unpack3A_106 : vector<16xf32>
        %add3A_117 = arith.addf %scan3A_99#2, %unpack3A_113 : vector<16xf32>
        %add3A_118 = arith.addf %scan3A_99#3, %unpack3A_114 : vector<16xf32>
        %get3A_119 = arith.constant 0 : i32
        %get3A_120 = arith.constant 194 : i32
        %get3A_121 = arith.index_cast %get3A_119 : i32 to index
        %get3A_122 = arith.index_cast %get3A_120 : i32 to index
        %get3A_123 = arith.constant 0 : index
        %get3A_124 = tpu.vector_load %arg6[%get3A_121, %get3A_122, %get3A_123] {strides = array<i32>} : memref<4x200x32xbf16, #tpu.memory_space<vmem>>, vector<32xbf16>,
        %unpack3A_125 = tpu.unpack_subelements %get3A_124, 0 {pack_format = #tpu.pack_format<interleaved>} : vector<32xbf16> -> vector<16xf32>
        %unpack3A_126 = tpu.unpack_subelements %get3A_124, 1 {pack_format = #tpu.pack_format<interleaved>} : vector<32xbf16> -> vector<16xf32>
        %get3A_127 = arith.constant 0 : i32
        %get3A_128 = arith.constant 195 : i32
        %get3A_129 = arith.index_cast %get3A_127 : i32 to index
        %get3A_130 = arith.index_cast %get3A_128 : i32 to index
        %get3A_131 = arith.constant 0 : index
        %get3A_132 = tpu.vector_load %arg6[%get3A_129, %get3A_130, %get3A_131] {strides = array<i32>} : memref<4x200x32xbf16, #tpu.memory_space<vmem>>, vector<32xbf16>,
        %unpack3A_133 = tpu.unpack_subelements %get3A_132, 0 {pack_format = #tpu.pack_format<interleaved>} : vector<32xbf16> -> vector<16xf32>
        %unpack3A_134 = tpu.unpack_subelements %get3A_132, 1 {pack_format = #tpu.pack_format<interleaved>} : vector<32xbf16> -> vector<16xf32>
        %add3A_135 = arith.addf %add3A_115, %unpack3A_125 : vector<16xf32>
        %add3A_136 = arith.addf %add3A_116, %unpack3A_126 : vector<16xf32>
        %add3A_137 = arith.addf %add3A_117, %unpack3A_133 : vector<16xf32>
        %add3A_138 = arith.addf %add3A_118, %unpack3A_134 : vector<16xf32>
        %get3A_139 = arith.constant 0 : i32
        %get3A_140 = arith.constant 196 : i32
        %get3A_141 = arith.index_cast %get3A_139 : i32 to index
        %get3A_142 = arith.index_cast %get3A_140 : i32 to index
        %get3A_143 = arith.constant 0 : index
        %get3A_144 = tpu.vector_load %arg6[%get3A_141, %get3A_142, %get3A_143] {strides = array<i32>} : memref<4x200x32xbf16, #tpu.memory_space<vmem>>, vector<32xbf16>,
        %unpack3A_145 = tpu.unpack_subelements %get3A_144, 0 {pack_format = #tpu.pack_format<interleaved>} : vector<32xbf16> -> vector<16xf32>
        %unpack3A_146 = tpu.unpack_subelements %get3A_144, 1 {pack_format = #tpu.pack_format<interleaved>} : vector<32xbf16> -> vector<16xf32>
        %get3A_147 = arith.constant 0 : i32
        %get3A_148 = arith.constant 197 : i32
        %get3A_149 = arith.index_cast %get3A_147 : i32 to index
        %get3A_150 = arith.index_cast %get3A_148 : i32 to index
        %get3A_151 = arith.constant 0 : index
        %get3A_152 = tpu.vector_load %arg6[%get3A_149, %get3A_150, %get3A_151] {strides = array<i32>} : memref<4x200x32xbf16, #tpu.memory_space<vmem>>, vector<32xbf16>,
        %unpack3A_153 = tpu.unpack_subelements %get3A_152, 0 {pack_format = #tpu.pack_format<interleaved>} : vector<32xbf16> -> vector<16xf32>
        %unpack3A_154 = tpu.unpack_subelements %get3A_152, 1 {pack_format = #tpu.pack_format<interleaved>} : vector<32xbf16> -> vector<16xf32>
        %add3A_155 = arith.addf %add3A_135, %unpack3A_145 : vector<16xf32>
        %add3A_156 = arith.addf %add3A_136, %unpack3A_146 : vector<16xf32>
        %add3A_157 = arith.addf %add3A_137, %unpack3A_153 : vector<16xf32>
        %add3A_158 = arith.addf %add3A_138, %unpack3A_154 : vector<16xf32>
        %get3A_159 = arith.constant 0 : i32
        %get3A_160 = arith.constant 198 : i32
        %get3A_161 = arith.index_cast %get3A_159 : i32 to index
        %get3A_162 = arith.index_cast %get3A_160 : i32 to index
        %get3A_163 = arith.constant 0 : index
        %get3A_164 = tpu.vector_load %arg6[%get3A_161, %get3A_162, %get3A_163] {strides = array<i32>} : memref<4x200x32xbf16, #tpu.memory_space<vmem>>, vector<32xbf16>,
        %unpack3A_165 = tpu.unpack_subelements %get3A_164, 0 {pack_format = #tpu.pack_format<interleaved>} : vector<32xbf16> -> vector<16xf32>
        %unpack3A_166 = tpu.unpack_subelements %get3A_164, 1 {pack_format = #tpu.pack_format<interleaved>} : vector<32xbf16> -> vector<16xf32>
        %get3A_167 = arith.constant 0 : i32
        %get3A_168 = arith.constant 199 : i32
        %get3A_169 = arith.index_cast %get3A_167 : i32 to index
        %get3A_170 = arith.index_cast %get3A_168 : i32 to index
        %get3A_171 = arith.constant 0 : index
        %get3A_172 = tpu.vector_load %arg6[%get3A_169, %get3A_170, %get3A_171] {strides = array<i32>} : memref<4x200x32xbf16, #tpu.memory_space<vmem>>, vector<32xbf16>,
        %unpack3A_173 = tpu.unpack_subelements %get3A_172, 0 {pack_format = #tpu.pack_format<interleaved>} : vector<32xbf16> -> vector<16xf32>
        %unpack3A_174 = tpu.unpack_subelements %get3A_172, 1 {pack_format = #tpu.pack_format<interleaved>} : vector<32xbf16> -> vector<16xf32>
        %add3A_175 = arith.addf %add3A_155, %unpack3A_165 : vector<16xf32>
        %add3A_176 = arith.addf %add3A_156, %unpack3A_166 : vector<16xf32>
        %add3A_177 = arith.addf %add3A_157, %unpack3A_173 : vector<16xf32>
        %add3A_178 = arith.addf %add3A_158, %unpack3A_174 : vector<16xf32>
        %add3A_179 = arith.constant 4 : i32
        %add3A_180 = arith.addi %add3A_83, %add3A_179 : i32
        %lt3A = arith.constant 64 : i32
        %lt3A_181 = arith.cmpi slt, %add3A_180, %lt3A : i32
        %convert_element_type3A_182 = arith.extui %lt3A_181 : i1 to i32
        %cond3A_183 = arith.constant 0 : i32
        %cond3A_184 = arith.cmpi ne, %convert_element_type3A_182, %cond3A_183 : i32
        scf.if %cond3A_184 {
          %add3A_573 = arith.constant 4 : i32
          %add3A_574 = arith.addi %add3A_83, %add3A_573 : i32
          %dma_start3A_575 = arith.constant 0 : i32
          %dma_start3A_576 = arith.constant 0 : i32
          %dma_start3A_577 = arith.constant 0 : i32
          %dma_start3A_578 = tpu.memref_slice %arg6[%dma_start3A_575, %dma_start3A_576, %dma_start3A_577] : memref<4x200x32xbf16, #tpu.memory_space<vmem>> -> memref<1x200x32xbf16, #tpu.memory_space<vmem>>
          %dma_start3A_579 = tpu.memref_squeeze %dma_start3A_578 : memref<1x200x32xbf16, #tpu.memory_space<vmem>> -> memref<200x32xbf16, #tpu.memory_space<vmem>>
          %dma_start3A_580 = arith.constant 0 : i32
          %dma_start3A_581 = tpu.memref_slice %arg5[%add3A_574, %dma_start3A_580] : memref<64x200xi32, #tpu.memory_space<vmem>> -> memref<1x200xi32, #tpu.memory_space<vmem>>
          %dma_start3A_582 = tpu.memref_squeeze %dma_start3A_581 : memref<1x200xi32, #tpu.memory_space<vmem>> -> memref<200xi32, #tpu.memory_space<vmem>>
          %dma_start3A_583 = arith.constant 0 : i32
          %dma_start3A_584 = arith.constant 0 : i32
          %dma_start3A_585 = tpu.memref_slice %arg9[%dma_start3A_583, %dma_start3A_584] : memref<10000x32xbf16, #tpu.memory_space<vmem_shared>> -> memref<10000x32xbf16, #tpu.memory_space<vmem_shared>>
          tpu.enqueue_indirect_dma source(%dma_start3A_585 : memref<10000x32xbf16, #tpu.memory_space<vmem_shared>>) target(%dma_start3A_579 : memref<200x32xbf16, #tpu.memory_space<vmem>>) offsets(%dma_start3A_582 : memref<200xi32, #tpu.memory_space<vmem>>) semaphore(%arg10 : memref<!tpu.dma_semaphore, #tpu.memory_space<semaphore_mem>>)
        } else {
        }
        %broadcast_in_dim3A_185 = arith.constant 1 : i32
        %broadcast_in_dim3A_186 = vector.broadcast %broadcast_in_dim3A_185 : i32 to vector<16xi32>
        %mul3A_187 = vector.broadcast %add3A_83 : i32 to vector<16xi32>
        %mul3A_188 = arith.muli %broadcast_in_dim3A_186, %mul3A_187 : vector<16xi32>
        %gather3A = tpu.vector_load_idx %arg8[%mul3A_188] : memref<64xf32, #tpu.memory_space<vmem>>[vector<16xi32>], vector<16xf32>,
        %add3A_189 = arith.addf %add3A_175, %add3A_177 : vector<16xf32>
        %div3A = arith.divf %add3A_189, %gather3A : vector<16xf32>
        %swap3A = arith.index_cast %add3A_83 : i32 to index
        %swap3A_190 = arith.constant 0 : index
        %swap3A_191 = tpu.vector_load %arg7[%swap3A, %swap3A_190] {strides = array<i32>} : memref<64x32xf32, #tpu.memory_space<vmem>>, vector<16xf32>,
        tpu.vector_store %arg7[%swap3A, %swap3A_190], %div3A {strides = array<i32>} : memref<64x32xf32, #tpu.memory_space<vmem>>, vector<16xf32>,
        %add3A_192 = arith.addf %add3A_176, %add3A_178 : vector<16xf32>
        %div3A_193 = arith.divf %add3A_192, %gather3A : vector<16xf32>
        %swap3A_194 = arith.index_cast %add3A_83 : i32 to index
        %swap3A_195 = arith.constant 16 : index
        %swap3A_196 = tpu.vector_load %arg7[%swap3A_194, %swap3A_195] {strides = array<i32>} : memref<64x32xf32, #tpu.memory_space<vmem>>, vector<16xf32>,
        tpu.vector_store %arg7[%swap3A_194, %swap3A_195], %div3A_193 {strides = array<i32>} : memref<64x32xf32, #tpu.memory_space<vmem>>, vector<16xf32>,
        %mul3A_197 = arith.constant 4 : i32
        %mul3A_198 = arith.muli %scan3A_78, %mul3A_197 : i32
        %add3A_199 = arith.constant 1 : i32
        %add3A_200 = arith.addi %mul3A_198, %add3A_199 : i32
        %dma_wait3A_201 = arith.constant 1 : i32
        %dma_wait3A_202 = arith.constant 0 : i32
        %dma_wait3A_203 = arith.constant 0 : i32
        %dma_wait3A_204 = tpu.memref_slice %arg6[%dma_wait3A_201, %dma_wait3A_202, %dma_wait3A_203] : memref<4x200x32xbf16, #tpu.memory_space<vmem>> -> memref<1x200x32xbf16, #tpu.memory_space<vmem>>
        %dma_wait3A_205 = tpu.memref_squeeze %dma_wait3A_204 : memref<1x200x32xbf16, #tpu.memory_space<vmem>> -> memref<200x32xbf16, #tpu.memory_space<vmem>>
        %dma_wait3A_206 = arith.constant 0 : i32
        %dma_wait3A_207 = tpu.memref_slice %arg5[%add3A_200, %dma_wait3A_206] : memref<64x200xi32, #tpu.memory_space<vmem>> -> memref<1x200xi32, #tpu.memory_space<vmem>>
        %dma_wait3A_208 = tpu.memref_squeeze %dma_wait3A_207 : memref<1x200xi32, #tpu.memory_space<vmem>> -> memref<200xi32, #tpu.memory_space<vmem>>
        %dma_wait3A_209 = arith.constant 0 : i32
        %dma_wait3A_210 = arith.constant 0 : i32
        %dma_wait3A_211 = tpu.memref_slice %arg9[%dma_wait3A_209, %dma_wait3A_210] : memref<10000x32xbf16, #tpu.memory_space<vmem_shared>> -> memref<10000x32xbf16, #tpu.memory_space<vmem_shared>>
        tpu.wait_indirect_dma semaphore(%arg11 : memref<!tpu.dma_semaphore, #tpu.memory_space<semaphore_mem>>) src(%dma_wait3A_211 : memref<10000x32xbf16, #tpu.memory_space<vmem_shared>>) dst(%dma_wait3A_205 : memref<200x32xbf16, #tpu.memory_space<vmem>>)
        %broadcast_in_dim3A_212 = arith.constant 0.000000e+00 : f32
        %broadcast_in_dim3A_213 = vector.broadcast %broadcast_in_dim3A_212 : f32 to vector<16xf32>
        %scan3A_214 = arith.constant 0 : i32
        %scan3A_215 = arith.constant 12 : i32
        %scan3A_216 = arith.addi %scan3A_214, %scan3A_215 : i32
        %scan3A_217 = arith.constant 1 : i32
        %scan3A_218:4 = scf.for %scan3A_573 = %scan3A_214 to %scan3A_216 step %scan3A_217 iter_args(%scan3A_574 = %broadcast_in_dim3A_213, %scan3A_575 = %broadcast_in_dim3A_213, %scan3A_576 = %broadcast_in_dim3A_213, %scan3A_577 = %broadcast_in_dim3A_213) -> (vector<16xf32>, vector<16xf32>, vector<16xf32>, vector<16xf32>)  : i32 {
          %mul3A_578 = arith.constant 16 : i32
          %mul3A_579 = arith.muli %scan3A_573, %mul3A_578 : i32
          %add3A_580 = arith.constant 0 : i32
          %add3A_581 = arith.addi %mul3A_579, %add3A_580 : i32
          %get3A_582 = arith.constant 1 : i32
          %get3A_583 = arith.index_cast %get3A_582 : i32 to index
          %get3A_584 = arith.index_cast %add3A_581 : i32 to index
          %get3A_585 = arith.constant 0 : index
          %get3A_586 = tpu.vector_load %arg6[%get3A_583, %get3A_584, %get3A_585] {strides = array<i32>} : memref<4x200x32xbf16, #tpu.memory_space<vmem>>, vector<32xbf16>,
          %unpack3A_587 = tpu.unpack_subelements %get3A_586, 0 {pack_format = #tpu.pack_format<interleaved>} : vector<32xbf16> -> vector<16xf32>
          %unpack3A_588 = tpu.unpack_subelements %get3A_586, 1 {pack_format = #tpu.pack_format<interleaved>} : vector<32xbf16> -> vector<16xf32>
          %add3A_589 = arith.constant 1 : i32
          %add3A_590 = arith.addi %add3A_581, %add3A_589 : i32
          %get3A_591 = arith.constant 1 : i32
          %get3A_592 = arith.index_cast %get3A_591 : i32 to index
          %get3A_593 = arith.index_cast %add3A_590 : i32 to index
          %get3A_594 = arith.constant 0 : index
          %get3A_595 = tpu.vector_load %arg6[%get3A_592, %get3A_593, %get3A_594] {strides = array<i32>} : memref<4x200x32xbf16, #tpu.memory_space<vmem>>, vector<32xbf16>,
          %unpack3A_596 = tpu.unpack_subelements %get3A_595, 0 {pack_format = #tpu.pack_format<interleaved>} : vector<32xbf16> -> vector<16xf32>
          %unpack3A_597 = tpu.unpack_subelements %get3A_595, 1 {pack_format = #tpu.pack_format<interleaved>} : vector<32xbf16> -> vector<16xf32>
          %add3A_598 = arith.addf %scan3A_574, %unpack3A_587 : vector<16xf32>
          %add3A_599 = arith.addf %scan3A_575, %unpack3A_588 : vector<16xf32>
          %add3A_600 = arith.addf %scan3A_576, %unpack3A_596 : vector<16xf32>
          %add3A_601 = arith.addf %scan3A_577, %unpack3A_597 : vector<16xf32>
          %mul3A_602 = arith.constant 16 : i32
          %mul3A_603 = arith.muli %scan3A_573, %mul3A_602 : i32
          %add3A_604 = arith.constant 2 : i32
          %add3A_605 = arith.addi %mul3A_603, %add3A_604 : i32
          %get3A_606 = arith.constant 1 : i32
          %get3A_607 = arith.index_cast %get3A_606 : i32 to index
          %get3A_608 = arith.index_cast %add3A_605 : i32 to index
          %get3A_609 = arith.constant 0 : index
          %get3A_610 = tpu.vector_load %arg6[%get3A_607, %get3A_608, %get3A_609] {strides = array<i32>} : memref<4x200x32xbf16, #tpu.memory_space<vmem>>, vector<32xbf16>,
          %unpack3A_611 = tpu.unpack_subelements %get3A_610, 0 {pack_format = #tpu.pack_format<interleaved>} : vector<32xbf16> -> vector<16xf32>
          %unpack3A_612 = tpu.unpack_subelements %get3A_610, 1 {pack_format = #tpu.pack_format<interleaved>} : vector<32xbf16> -> vector<16xf32>
          %add3A_613 = arith.constant 1 : i32
          %add3A_614 = arith.addi %add3A_605, %add3A_613 : i32
          %get3A_615 = arith.constant 1 : i32
          %get3A_616 = arith.index_cast %get3A_615 : i32 to index
          %get3A_617 = arith.index_cast %add3A_614 : i32 to index
          %get3A_618 = arith.constant 0 : index
          %get3A_619 = tpu.vector_load %arg6[%get3A_616, %get3A_617, %get3A_618] {strides = array<i32>} : memref<4x200x32xbf16, #tpu.memory_space<vmem>>, vector<32xbf16>,
          %unpack3A_620 = tpu.unpack_subelements %get3A_619, 0 {pack_format = #tpu.pack_format<interleaved>} : vector<32xbf16> -> vector<16xf32>
          %unpack3A_621 = tpu.unpack_subelements %get3A_619, 1 {pack_format = #tpu.pack_format<interleaved>} : vector<32xbf16> -> vector<16xf32>
          %add3A_622 = arith.addf %add3A_598, %unpack3A_611 : vector<16xf32>
          %add3A_623 = arith.addf %add3A_599, %unpack3A_612 : vector<16xf32>
          %add3A_624 = arith.addf %add3A_600, %unpack3A_620 : vector<16xf32>
          %add3A_625 = arith.addf %add3A_601, %unpack3A_621 : vector<16xf32>
          %mul3A_626 = arith.constant 16 : i32
          %mul3A_627 = arith.muli %scan3A_573, %mul3A_626 : i32
          %add3A_628 = arith.constant 4 : i32
          %add3A_629 = arith.addi %mul3A_627, %add3A_628 : i32
          %get3A_630 = arith.constant 1 : i32
          %get3A_631 = arith.index_cast %get3A_630 : i32 to index
          %get3A_632 = arith.index_cast %add3A_629 : i32 to index
          %get3A_633 = arith.constant 0 : index
          %get3A_634 = tpu.vector_load %arg6[%get3A_631, %get3A_632, %get3A_633] {strides = array<i32>} : memref<4x200x32xbf16, #tpu.memory_space<vmem>>, vector<32xbf16>,
          %unpack3A_635 = tpu.unpack_subelements %get3A_634, 0 {pack_format = #tpu.pack_format<interleaved>} : vector<32xbf16> -> vector<16xf32>
          %unpack3A_636 = tpu.unpack_subelements %get3A_634, 1 {pack_format = #tpu.pack_format<interleaved>} : vector<32xbf16> -> vector<16xf32>
          %add3A_637 = arith.constant 1 : i32
          %add3A_638 = arith.addi %add3A_629, %add3A_637 : i32
          %get3A_639 = arith.constant 1 : i32
          %get3A_640 = arith.index_cast %get3A_639 : i32 to index
          %get3A_641 = arith.index_cast %add3A_638 : i32 to index
          %get3A_642 = arith.constant 0 : index
          %get3A_643 = tpu.vector_load %arg6[%get3A_640, %get3A_641, %get3A_642] {strides = array<i32>} : memref<4x200x32xbf16, #tpu.memory_space<vmem>>, vector<32xbf16>,
          %unpack3A_644 = tpu.unpack_subelements %get3A_643, 0 {pack_format = #tpu.pack_format<interleaved>} : vector<32xbf16> -> vector<16xf32>
          %unpack3A_645 = tpu.unpack_subelements %get3A_643, 1 {pack_format = #tpu.pack_format<interleaved>} : vector<32xbf16> -> vector<16xf32>
          %add3A_646 = arith.addf %add3A_622, %unpack3A_635 : vector<16xf32>
          %add3A_647 = arith.addf %add3A_623, %unpack3A_636 : vector<16xf32>
          %add3A_648 = arith.addf %add3A_624, %unpack3A_644 : vector<16xf32>
          %add3A_649 = arith.addf %add3A_625, %unpack3A_645 : vector<16xf32>
          %mul3A_650 = arith.constant 16 : i32
          %mul3A_651 = arith.muli %scan3A_573, %mul3A_650 : i32
          %add3A_652 = arith.constant 6 : i32
          %add3A_653 = arith.addi %mul3A_651, %add3A_652 : i32
          %get3A_654 = arith.constant 1 : i32
          %get3A_655 = arith.index_cast %get3A_654 : i32 to index
          %get3A_656 = arith.index_cast %add3A_653 : i32 to index
          %get3A_657 = arith.constant 0 : index
          %get3A_658 = tpu.vector_load %arg6[%get3A_655, %get3A_656, %get3A_657] {strides = array<i32>} : memref<4x200x32xbf16, #tpu.memory_space<vmem>>, vector<32xbf16>,
          %unpack3A_659 = tpu.unpack_subelements %get3A_658, 0 {pack_format = #tpu.pack_format<interleaved>} : vector<32xbf16> -> vector<16xf32>
          %unpack3A_660 = tpu.unpack_subelements %get3A_658, 1 {pack_format = #tpu.pack_format<interleaved>} : vector<32xbf16> -> vector<16xf32>
          %add3A_661 = arith.constant 1 : i32
          %add3A_662 = arith.addi %add3A_653, %add3A_661 : i32
          %get3A_663 = arith.constant 1 : i32
          %get3A_664 = arith.index_cast %get3A_663 : i32 to index
          %get3A_665 = arith.index_cast %add3A_662 : i32 to index
          %get3A_666 = arith.constant 0 : index
          %get3A_667 = tpu.vector_load %arg6[%get3A_664, %get3A_665, %get3A_666] {strides = array<i32>} : memref<4x200x32xbf16, #tpu.memory_space<vmem>>, vector<32xbf16>,
          %unpack3A_668 = tpu.unpack_subelements %get3A_667, 0 {pack_format = #tpu.pack_format<interleaved>} : vector<32xbf16> -> vector<16xf32>
          %unpack3A_669 = tpu.unpack_subelements %get3A_667, 1 {pack_format = #tpu.pack_format<interleaved>} : vector<32xbf16> -> vector<16xf32>
          %add3A_670 = arith.addf %add3A_646, %unpack3A_659 : vector<16xf32>
          %add3A_671 = arith.addf %add3A_647, %unpack3A_660 : vector<16xf32>
          %add3A_672 = arith.addf %add3A_648, %unpack3A_668 : vector<16xf32>
          %add3A_673 = arith.addf %add3A_649, %unpack3A_669 : vector<16xf32>
          %mul3A_674 = arith.constant 16 : i32
          %mul3A_675 = arith.muli %scan3A_573, %mul3A_674 : i32
          %add3A_676 = arith.constant 8 : i32
          %add3A_677 = arith.addi %mul3A_675, %add3A_676 : i32
          %get3A_678 = arith.constant 1 : i32
          %get3A_679 = arith.index_cast %get3A_678 : i32 to index
          %get3A_680 = arith.index_cast %add3A_677 : i32 to index
          %get3A_681 = arith.constant 0 : index
          %get3A_682 = tpu.vector_load %arg6[%get3A_679, %get3A_680, %get3A_681] {strides = array<i32>} : memref<4x200x32xbf16, #tpu.memory_space<vmem>>, vector<32xbf16>,
          %unpack3A_683 = tpu.unpack_subelements %get3A_682, 0 {pack_format = #tpu.pack_format<interleaved>} : vector<32xbf16> -> vector<16xf32>
          %unpack3A_684 = tpu.unpack_subelements %get3A_682, 1 {pack_format = #tpu.pack_format<interleaved>} : vector<32xbf16> -> vector<16xf32>
          %add3A_685 = arith.constant 1 : i32
          %add3A_686 = arith.addi %add3A_677, %add3A_685 : i32
          %get3A_687 = arith.constant 1 : i32
          %get3A_688 = arith.index_cast %get3A_687 : i32 to index
          %get3A_689 = arith.index_cast %add3A_686 : i32 to index
          %get3A_690 = arith.constant 0 : index
          %get3A_691 = tpu.vector_load %arg6[%get3A_688, %get3A_689, %get3A_690] {strides = array<i32>} : memref<4x200x32xbf16, #tpu.memory_space<vmem>>, vector<32xbf16>,
          %unpack3A_692 = tpu.unpack_subelements %get3A_691, 0 {pack_format = #tpu.pack_format<interleaved>} : vector<32xbf16> -> vector<16xf32>
          %unpack3A_693 = tpu.unpack_subelements %get3A_691, 1 {pack_format = #tpu.pack_format<interleaved>} : vector<32xbf16> -> vector<16xf32>
          %add3A_694 = arith.addf %add3A_670, %unpack3A_683 : vector<16xf32>
          %add3A_695 = arith.addf %add3A_671, %unpack3A_684 : vector<16xf32>
          %add3A_696 = arith.addf %add3A_672, %unpack3A_692 : vector<16xf32>
          %add3A_697 = arith.addf %add3A_673, %unpack3A_693 : vector<16xf32>
          %mul3A_698 = arith.constant 16 : i32
          %mul3A_699 = arith.muli %scan3A_573, %mul3A_698 : i32
          %add3A_700 = arith.constant 10 : i32
          %add3A_701 = arith.addi %mul3A_699, %add3A_700 : i32
          %get3A_702 = arith.constant 1 : i32
          %get3A_703 = arith.index_cast %get3A_702 : i32 to index
          %get3A_704 = arith.index_cast %add3A_701 : i32 to index
          %get3A_705 = arith.constant 0 : index
          %get3A_706 = tpu.vector_load %arg6[%get3A_703, %get3A_704, %get3A_705] {strides = array<i32>} : memref<4x200x32xbf16, #tpu.memory_space<vmem>>, vector<32xbf16>,
          %unpack3A_707 = tpu.unpack_subelements %get3A_706, 0 {pack_format = #tpu.pack_format<interleaved>} : vector<32xbf16> -> vector<16xf32>
          %unpack3A_708 = tpu.unpack_subelements %get3A_706, 1 {pack_format = #tpu.pack_format<interleaved>} : vector<32xbf16> -> vector<16xf32>
          %add3A_709 = arith.constant 1 : i32
          %add3A_710 = arith.addi %add3A_701, %add3A_709 : i32
          %get3A_711 = arith.constant 1 : i32
          %get3A_712 = arith.index_cast %get3A_711 : i32 to index
          %get3A_713 = arith.index_cast %add3A_710 : i32 to index
          %get3A_714 = arith.constant 0 : index
          %get3A_715 = tpu.vector_load %arg6[%get3A_712, %get3A_713, %get3A_714] {strides = array<i32>} : memref<4x200x32xbf16, #tpu.memory_space<vmem>>, vector<32xbf16>,
          %unpack3A_716 = tpu.unpack_subelements %get3A_715, 0 {pack_format = #tpu.pack_format<interleaved>} : vector<32xbf16> -> vector<16xf32>
          %unpack3A_717 = tpu.unpack_subelements %get3A_715, 1 {pack_format = #tpu.pack_format<interleaved>} : vector<32xbf16> -> vector<16xf32>
          %add3A_718 = arith.addf %add3A_694, %unpack3A_707 : vector<16xf32>
          %add3A_719 = arith.addf %add3A_695, %unpack3A_708 : vector<16xf32>
          %add3A_720 = arith.addf %add3A_696, %unpack3A_716 : vector<16xf32>
          %add3A_721 = arith.addf %add3A_697, %unpack3A_717 : vector<16xf32>
          %mul3A_722 = arith.constant 16 : i32
          %mul3A_723 = arith.muli %scan3A_573, %mul3A_722 : i32
          %add3A_724 = arith.constant 12 : i32
          %add3A_725 = arith.addi %mul3A_723, %add3A_724 : i32
          %get3A_726 = arith.constant 1 : i32
          %get3A_727 = arith.index_cast %get3A_726 : i32 to index
          %get3A_728 = arith.index_cast %add3A_725 : i32 to index
          %get3A_729 = arith.constant 0 : index
          %get3A_730 = tpu.vector_load %arg6[%get3A_727, %get3A_728, %get3A_729] {strides = array<i32>} : memref<4x200x32xbf16, #tpu.memory_space<vmem>>, vector<32xbf16>,
          %unpack3A_731 = tpu.unpack_subelements %get3A_730, 0 {pack_format = #tpu.pack_format<interleaved>} : vector<32xbf16> -> vector<16xf32>
          %unpack3A_732 = tpu.unpack_subelements %get3A_730, 1 {pack_format = #tpu.pack_format<interleaved>} : vector<32xbf16> -> vector<16xf32>
          %add3A_733 = arith.constant 1 : i32
          %add3A_734 = arith.addi %add3A_725, %add3A_733 : i32
          %get3A_735 = arith.constant 1 : i32
          %get3A_736 = arith.index_cast %get3A_735 : i32 to index
          %get3A_737 = arith.index_cast %add3A_734 : i32 to index
          %get3A_738 = arith.constant 0 : index
          %get3A_739 = tpu.vector_load %arg6[%get3A_736, %get3A_737, %get3A_738] {strides = array<i32>} : memref<4x200x32xbf16, #tpu.memory_space<vmem>>, vector<32xbf16>,
          %unpack3A_740 = tpu.unpack_subelements %get3A_739, 0 {pack_format = #tpu.pack_format<interleaved>} : vector<32xbf16> -> vector<16xf32>
          %unpack3A_741 = tpu.unpack_subelements %get3A_739, 1 {pack_format = #tpu.pack_format<interleaved>} : vector<32xbf16> -> vector<16xf32>
          %add3A_742 = arith.addf %add3A_718, %unpack3A_731 : vector<16xf32>
          %add3A_743 = arith.addf %add3A_719, %unpack3A_732 : vector<16xf32>
          %add3A_744 = arith.addf %add3A_720, %unpack3A_740 : vector<16xf32>
          %add3A_745 = arith.addf %add3A_721, %unpack3A_741 : vector<16xf32>
          %mul3A_746 = arith.constant 16 : i32
          %mul3A_747 = arith.muli %scan3A_573, %mul3A_746 : i32
          %add3A_748 = arith.constant 14 : i32
          %add3A_749 = arith.addi %mul3A_747, %add3A_748 : i32
          %get3A_750 = arith.constant 1 : i32
          %get3A_751 = arith.index_cast %get3A_750 : i32 to index
          %get3A_752 = arith.index_cast %add3A_749 : i32 to index
          %get3A_753 = arith.constant 0 : index
          %get3A_754 = tpu.vector_load %arg6[%get3A_751, %get3A_752, %get3A_753] {strides = array<i32>} : memref<4x200x32xbf16, #tpu.memory_space<vmem>>, vector<32xbf16>,
          %unpack3A_755 = tpu.unpack_subelements %get3A_754, 0 {pack_format = #tpu.pack_format<interleaved>} : vector<32xbf16> -> vector<16xf32>
          %unpack3A_756 = tpu.unpack_subelements %get3A_754, 1 {pack_format = #tpu.pack_format<interleaved>} : vector<32xbf16> -> vector<16xf32>
          %add3A_757 = arith.constant 1 : i32
          %add3A_758 = arith.addi %add3A_749, %add3A_757 : i32
          %get3A_759 = arith.constant 1 : i32
          %get3A_760 = arith.index_cast %get3A_759 : i32 to index
          %get3A_761 = arith.index_cast %add3A_758 : i32 to index
          %get3A_762 = arith.constant 0 : index
          %get3A_763 = tpu.vector_load %arg6[%get3A_760, %get3A_761, %get3A_762] {strides = array<i32>} : memref<4x200x32xbf16, #tpu.memory_space<vmem>>, vector<32xbf16>,
          %unpack3A_764 = tpu.unpack_subelements %get3A_763, 0 {pack_format = #tpu.pack_format<interleaved>} : vector<32xbf16> -> vector<16xf32>
          %unpack3A_765 = tpu.unpack_subelements %get3A_763, 1 {pack_format = #tpu.pack_format<interleaved>} : vector<32xbf16> -> vector<16xf32>
          %add3A_766 = arith.addf %add3A_742, %unpack3A_755 : vector<16xf32>
          %add3A_767 = arith.addf %add3A_743, %unpack3A_756 : vector<16xf32>
          %add3A_768 = arith.addf %add3A_744, %unpack3A_764 : vector<16xf32>
          %add3A_769 = arith.addf %add3A_745, %unpack3A_765 : vector<16xf32>
          scf.yield %add3A_766, %add3A_767, %add3A_768, %add3A_769 : vector<16xf32>, vector<16xf32>, vector<16xf32>, vector<16xf32>
        }
        %scan3A_219 = arith.constant 12 : i32
        %get3A_220 = arith.constant 1 : i32
        %get3A_221 = arith.constant 192 : i32
        %get3A_222 = arith.index_cast %get3A_220 : i32 to index
        %get3A_223 = arith.index_cast %get3A_221 : i32 to index
        %get3A_224 = arith.constant 0 : index
        %get3A_225 = tpu.vector_load %arg6[%get3A_222, %get3A_223, %get3A_224] {strides = array<i32>} : memref<4x200x32xbf16, #tpu.memory_space<vmem>>, vector<32xbf16>,
        %unpack3A_226 = tpu.unpack_subelements %get3A_225, 0 {pack_format = #tpu.pack_format<interleaved>} : vector<32xbf16> -> vector<16xf32>
        %unpack3A_227 = tpu.unpack_subelements %get3A_225, 1 {pack_format = #tpu.pack_format<interleaved>} : vector<32xbf16> -> vector<16xf32>
        %get3A_228 = arith.constant 1 : i32
        %get3A_229 = arith.constant 193 : i32
        %get3A_230 = arith.index_cast %get3A_228 : i32 to index
        %get3A_231 = arith.index_cast %get3A_229 : i32 to index
        %get3A_232 = arith.constant 0 : index
        %get3A_233 = tpu.vector_load %arg6[%get3A_230, %get3A_231, %get3A_232] {strides = array<i32>} : memref<4x200x32xbf16, #tpu.memory_space<vmem>>, vector<32xbf16>,
        %unpack3A_234 = tpu.unpack_subelements %get3A_233, 0 {pack_format = #tpu.pack_format<interleaved>} : vector<32xbf16> -> vector<16xf32>
        %unpack3A_235 = tpu.unpack_subelements %get3A_233, 1 {pack_format = #tpu.pack_format<interleaved>} : vector<32xbf16> -> vector<16xf32>
        %add3A_236 = arith.addf %scan3A_218#0, %unpack3A_226 : vector<16xf32>
        %add3A_237 = arith.addf %scan3A_218#1, %unpack3A_227 : vector<16xf32>
        %add3A_238 = arith.addf %scan3A_218#2, %unpack3A_234 : vector<16xf32>
        %add3A_239 = arith.addf %scan3A_218#3, %unpack3A_235 : vector<16xf32>
        %get3A_240 = arith.constant 1 : i32
        %get3A_241 = arith.constant 194 : i32
        %get3A_242 = arith.index_cast %get3A_240 : i32 to index
        %get3A_243 = arith.index_cast %get3A_241 : i32 to index
        %get3A_244 = arith.constant 0 : index
        %get3A_245 = tpu.vector_load %arg6[%get3A_242, %get3A_243, %get3A_244] {strides = array<i32>} : memref<4x200x32xbf16, #tpu.memory_space<vmem>>, vector<32xbf16>,
        %unpack3A_246 = tpu.unpack_subelements %get3A_245, 0 {pack_format = #tpu.pack_format<interleaved>} : vector<32xbf16> -> vector<16xf32>
        %unpack3A_247 = tpu.unpack_subelements %get3A_245, 1 {pack_format = #tpu.pack_format<interleaved>} : vector<32xbf16> -> vector<16xf32>
        %get3A_248 = arith.constant 1 : i32
        %get3A_249 = arith.constant 195 : i32
        %get3A_250 = arith.index_cast %get3A_248 : i32 to index
        %get3A_251 = arith.index_cast %get3A_249 : i32 to index
        %get3A_252 = arith.constant 0 : index
        %get3A_253 = tpu.vector_load %arg6[%get3A_250, %get3A_251, %get3A_252] {strides = array<i32>} : memref<4x200x32xbf16, #tpu.memory_space<vmem>>, vector<32xbf16>,
        %unpack3A_254 = tpu.unpack_subelements %get3A_253, 0 {pack_format = #tpu.pack_format<interleaved>} : vector<32xbf16> -> vector<16xf32>
        %unpack3A_255 = tpu.unpack_subelements %get3A_253, 1 {pack_format = #tpu.pack_format<interleaved>} : vector<32xbf16> -> vector<16xf32>
        %add3A_256 = arith.addf %add3A_236, %unpack3A_246 : vector<16xf32>
        %add3A_257 = arith.addf %add3A_237, %unpack3A_247 : vector<16xf32>
        %add3A_258 = arith.addf %add3A_238, %unpack3A_254 : vector<16xf32>
        %add3A_259 = arith.addf %add3A_239, %unpack3A_255 : vector<16xf32>
        %get3A_260 = arith.constant 1 : i32
        %get3A_261 = arith.constant 196 : i32
        %get3A_262 = arith.index_cast %get3A_260 : i32 to index
        %get3A_263 = arith.index_cast %get3A_261 : i32 to index
        %get3A_264 = arith.constant 0 : index
        %get3A_265 = tpu.vector_load %arg6[%get3A_262, %get3A_263, %get3A_264] {strides = array<i32>} : memref<4x200x32xbf16, #tpu.memory_space<vmem>>, vector<32xbf16>,
        %unpack3A_266 = tpu.unpack_subelements %get3A_265, 0 {pack_format = #tpu.pack_format<interleaved>} : vector<32xbf16> -> vector<16xf32>
        %unpack3A_267 = tpu.unpack_subelements %get3A_265, 1 {pack_format = #tpu.pack_format<interleaved>} : vector<32xbf16> -> vector<16xf32>
        %get3A_268 = arith.constant 1 : i32
        %get3A_269 = arith.constant 197 : i32
        %get3A_270 = arith.index_cast %get3A_268 : i32 to index
        %get3A_271 = arith.index_cast %get3A_269 : i32 to index
        %get3A_272 = arith.constant 0 : index
        %get3A_273 = tpu.vector_load %arg6[%get3A_270, %get3A_271, %get3A_272] {strides = array<i32>} : memref<4x200x32xbf16, #tpu.memory_space<vmem>>, vector<32xbf16>,
        %unpack3A_274 = tpu.unpack_subelements %get3A_273, 0 {pack_format = #tpu.pack_format<interleaved>} : vector<32xbf16> -> vector<16xf32>
        %unpack3A_275 = tpu.unpack_subelements %get3A_273, 1 {pack_format = #tpu.pack_format<interleaved>} : vector<32xbf16> -> vector<16xf32>
        %add3A_276 = arith.addf %add3A_256, %unpack3A_266 : vector<16xf32>
        %add3A_277 = arith.addf %add3A_257, %unpack3A_267 : vector<16xf32>
        %add3A_278 = arith.addf %add3A_258, %unpack3A_274 : vector<16xf32>
        %add3A_279 = arith.addf %add3A_259, %unpack3A_275 : vector<16xf32>
        %get3A_280 = arith.constant 1 : i32
        %get3A_281 = arith.constant 198 : i32
        %get3A_282 = arith.index_cast %get3A_280 : i32 to index
        %get3A_283 = arith.index_cast %get3A_281 : i32 to index
        %get3A_284 = arith.constant 0 : index
        %get3A_285 = tpu.vector_load %arg6[%get3A_282, %get3A_283, %get3A_284] {strides = array<i32>} : memref<4x200x32xbf16, #tpu.memory_space<vmem>>, vector<32xbf16>,
        %unpack3A_286 = tpu.unpack_subelements %get3A_285, 0 {pack_format = #tpu.pack_format<interleaved>} : vector<32xbf16> -> vector<16xf32>
        %unpack3A_287 = tpu.unpack_subelements %get3A_285, 1 {pack_format = #tpu.pack_format<interleaved>} : vector<32xbf16> -> vector<16xf32>
        %get3A_288 = arith.constant 1 : i32
        %get3A_289 = arith.constant 199 : i32
        %get3A_290 = arith.index_cast %get3A_288 : i32 to index
        %get3A_291 = arith.index_cast %get3A_289 : i32 to index
        %get3A_292 = arith.constant 0 : index
        %get3A_293 = tpu.vector_load %arg6[%get3A_290, %get3A_291, %get3A_292] {strides = array<i32>} : memref<4x200x32xbf16, #tpu.memory_space<vmem>>, vector<32xbf16>,
        %unpack3A_294 = tpu.unpack_subelements %get3A_293, 0 {pack_format = #tpu.pack_format<interleaved>} : vector<32xbf16> -> vector<16xf32>
        %unpack3A_295 = tpu.unpack_subelements %get3A_293, 1 {pack_format = #tpu.pack_format<interleaved>} : vector<32xbf16> -> vector<16xf32>
        %add3A_296 = arith.addf %add3A_276, %unpack3A_286 : vector<16xf32>
        %add3A_297 = arith.addf %add3A_277, %unpack3A_287 : vector<16xf32>
        %add3A_298 = arith.addf %add3A_278, %unpack3A_294 : vector<16xf32>
        %add3A_299 = arith.addf %add3A_279, %unpack3A_295 : vector<16xf32>
        %add3A_300 = arith.constant 4 : i32
        %add3A_301 = arith.addi %add3A_200, %add3A_300 : i32
        %lt3A_302 = arith.constant 64 : i32
        %lt3A_303 = arith.cmpi slt, %add3A_301, %lt3A_302 : i32
        %convert_element_type3A_304 = arith.extui %lt3A_303 : i1 to i32
        %cond3A_305 = arith.constant 0 : i32
        %cond3A_306 = arith.cmpi ne, %convert_element_type3A_304, %cond3A_305 : i32
        scf.if %cond3A_306 {
          %add3A_573 = arith.constant 4 : i32
          %add3A_574 = arith.addi %add3A_200, %add3A_573 : i32
          %dma_start3A_575 = arith.constant 1 : i32
          %dma_start3A_576 = arith.constant 0 : i32
          %dma_start3A_577 = arith.constant 0 : i32
          %dma_start3A_578 = tpu.memref_slice %arg6[%dma_start3A_575, %dma_start3A_576, %dma_start3A_577] : memref<4x200x32xbf16, #tpu.memory_space<vmem>> -> memref<1x200x32xbf16, #tpu.memory_space<vmem>>
          %dma_start3A_579 = tpu.memref_squeeze %dma_start3A_578 : memref<1x200x32xbf16, #tpu.memory_space<vmem>> -> memref<200x32xbf16, #tpu.memory_space<vmem>>
          %dma_start3A_580 = arith.constant 0 : i32
          %dma_start3A_581 = tpu.memref_slice %arg5[%add3A_574, %dma_start3A_580] : memref<64x200xi32, #tpu.memory_space<vmem>> -> memref<1x200xi32, #tpu.memory_space<vmem>>
          %dma_start3A_582 = tpu.memref_squeeze %dma_start3A_581 : memref<1x200xi32, #tpu.memory_space<vmem>> -> memref<200xi32, #tpu.memory_space<vmem>>
          %dma_start3A_583 = arith.constant 0 : i32
          %dma_start3A_584 = arith.constant 0 : i32
          %dma_start3A_585 = tpu.memref_slice %arg9[%dma_start3A_583, %dma_start3A_584] : memref<10000x32xbf16, #tpu.memory_space<vmem_shared>> -> memref<10000x32xbf16, #tpu.memory_space<vmem_shared>>
          tpu.enqueue_indirect_dma source(%dma_start3A_585 : memref<10000x32xbf16, #tpu.memory_space<vmem_shared>>) target(%dma_start3A_579 : memref<200x32xbf16, #tpu.memory_space<vmem>>) offsets(%dma_start3A_582 : memref<200xi32, #tpu.memory_space<vmem>>) semaphore(%arg11 : memref<!tpu.dma_semaphore, #tpu.memory_space<semaphore_mem>>)
        } else {
        }
        %broadcast_in_dim3A_307 = arith.constant 1 : i32
        %broadcast_in_dim3A_308 = vector.broadcast %broadcast_in_dim3A_307 : i32 to vector<16xi32>
        %mul3A_309 = vector.broadcast %add3A_200 : i32 to vector<16xi32>
        %mul3A_310 = arith.muli %broadcast_in_dim3A_308, %mul3A_309 : vector<16xi32>
        %gather3A_311 = tpu.vector_load_idx %arg8[%mul3A_310] : memref<64xf32, #tpu.memory_space<vmem>>[vector<16xi32>], vector<16xf32>,
        %add3A_312 = arith.addf %add3A_296, %add3A_298 : vector<16xf32>
        %div3A_313 = arith.divf %add3A_312, %gather3A_311 : vector<16xf32>
        %swap3A_314 = arith.index_cast %add3A_200 : i32 to index
        %swap3A_315 = arith.constant 0 : index
        %swap3A_316 = tpu.vector_load %arg7[%swap3A_314, %swap3A_315] {strides = array<i32>} : memref<64x32xf32, #tpu.memory_space<vmem>>, vector<16xf32>,
        tpu.vector_store %arg7[%swap3A_314, %swap3A_315], %div3A_313 {strides = array<i32>} : memref<64x32xf32, #tpu.memory_space<vmem>>, vector<16xf32>,
        %add3A_317 = arith.addf %add3A_297, %add3A_299 : vector<16xf32>
        %div3A_318 = arith.divf %add3A_317, %gather3A_311 : vector<16xf32>
        %swap3A_319 = arith.index_cast %add3A_200 : i32 to index
        %swap3A_320 = arith.constant 16 : index
        %swap3A_321 = tpu.vector_load %arg7[%swap3A_319, %swap3A_320] {strides = array<i32>} : memref<64x32xf32, #tpu.memory_space<vmem>>, vector<16xf32>,
        tpu.vector_store %arg7[%swap3A_319, %swap3A_320], %div3A_318 {strides = array<i32>} : memref<64x32xf32, #tpu.memory_space<vmem>>, vector<16xf32>,
        %mul3A_322 = arith.constant 4 : i32
        %mul3A_323 = arith.muli %scan3A_78, %mul3A_322 : i32
        %add3A_324 = arith.constant 2 : i32
        %add3A_325 = arith.addi %mul3A_323, %add3A_324 : i32
        %dma_wait3A_326 = arith.constant 2 : i32
        %dma_wait3A_327 = arith.constant 0 : i32
        %dma_wait3A_328 = arith.constant 0 : i32
        %dma_wait3A_329 = tpu.memref_slice %arg6[%dma_wait3A_326, %dma_wait3A_327, %dma_wait3A_328] : memref<4x200x32xbf16, #tpu.memory_space<vmem>> -> memref<1x200x32xbf16, #tpu.memory_space<vmem>>
        %dma_wait3A_330 = tpu.memref_squeeze %dma_wait3A_329 : memref<1x200x32xbf16, #tpu.memory_space<vmem>> -> memref<200x32xbf16, #tpu.memory_space<vmem>>
        %dma_wait3A_331 = arith.constant 0 : i32
        %dma_wait3A_332 = tpu.memref_slice %arg5[%add3A_325, %dma_wait3A_331] : memref<64x200xi32, #tpu.memory_space<vmem>> -> memref<1x200xi32, #tpu.memory_space<vmem>>
        %dma_wait3A_333 = tpu.memref_squeeze %dma_wait3A_332 : memref<1x200xi32, #tpu.memory_space<vmem>> -> memref<200xi32, #tpu.memory_space<vmem>>
        %dma_wait3A_334 = arith.constant 0 : i32
        %dma_wait3A_335 = arith.constant 0 : i32
        %dma_wait3A_336 = tpu.memref_slice %arg9[%dma_wait3A_334, %dma_wait3A_335] : memref<10000x32xbf16, #tpu.memory_space<vmem_shared>> -> memref<10000x32xbf16, #tpu.memory_space<vmem_shared>>
        tpu.wait_indirect_dma semaphore(%arg12 : memref<!tpu.dma_semaphore, #tpu.memory_space<semaphore_mem>>) src(%dma_wait3A_336 : memref<10000x32xbf16, #tpu.memory_space<vmem_shared>>) dst(%dma_wait3A_330 : memref<200x32xbf16, #tpu.memory_space<vmem>>)
        %broadcast_in_dim3A_337 = arith.constant 0.000000e+00 : f32
        %broadcast_in_dim3A_338 = vector.broadcast %broadcast_in_dim3A_337 : f32 to vector<16xf32>
        %scan3A_339 = arith.constant 0 : i32
        %scan3A_340 = arith.constant 12 : i32
        %scan3A_341 = arith.addi %scan3A_339, %scan3A_340 : i32
        %scan3A_342 = arith.constant 1 : i32
        %scan3A_343:4 = scf.for %scan3A_573 = %scan3A_339 to %scan3A_341 step %scan3A_342 iter_args(%scan3A_574 = %broadcast_in_dim3A_338, %scan3A_575 = %broadcast_in_dim3A_338, %scan3A_576 = %broadcast_in_dim3A_338, %scan3A_577 = %broadcast_in_dim3A_338) -> (vector<16xf32>, vector<16xf32>, vector<16xf32>, vector<16xf32>)  : i32 {
          %mul3A_578 = arith.constant 16 : i32
          %mul3A_579 = arith.muli %scan3A_573, %mul3A_578 : i32
          %add3A_580 = arith.constant 0 : i32
          %add3A_581 = arith.addi %mul3A_579, %add3A_580 : i32
          %get3A_582 = arith.constant 2 : i32
          %get3A_583 = arith.index_cast %get3A_582 : i32 to index
          %get3A_584 = arith.index_cast %add3A_581 : i32 to index
          %get3A_585 = arith.constant 0 : index
          %get3A_586 = tpu.vector_load %arg6[%get3A_583, %get3A_584, %get3A_585] {strides = array<i32>} : memref<4x200x32xbf16, #tpu.memory_space<vmem>>, vector<32xbf16>,
          %unpack3A_587 = tpu.unpack_subelements %get3A_586, 0 {pack_format = #tpu.pack_format<interleaved>} : vector<32xbf16> -> vector<16xf32>
          %unpack3A_588 = tpu.unpack_subelements %get3A_586, 1 {pack_format = #tpu.pack_format<interleaved>} : vector<32xbf16> -> vector<16xf32>
          %add3A_589 = arith.constant 1 : i32
          %add3A_590 = arith.addi %add3A_581, %add3A_589 : i32
          %get3A_591 = arith.constant 2 : i32
          %get3A_592 = arith.index_cast %get3A_591 : i32 to index
          %get3A_593 = arith.index_cast %add3A_590 : i32 to index
          %get3A_594 = arith.constant 0 : index
          %get3A_595 = tpu.vector_load %arg6[%get3A_592, %get3A_593, %get3A_594] {strides = array<i32>} : memref<4x200x32xbf16, #tpu.memory_space<vmem>>, vector<32xbf16>,
          %unpack3A_596 = tpu.unpack_subelements %get3A_595, 0 {pack_format = #tpu.pack_format<interleaved>} : vector<32xbf16> -> vector<16xf32>
          %unpack3A_597 = tpu.unpack_subelements %get3A_595, 1 {pack_format = #tpu.pack_format<interleaved>} : vector<32xbf16> -> vector<16xf32>
          %add3A_598 = arith.addf %scan3A_574, %unpack3A_587 : vector<16xf32>
          %add3A_599 = arith.addf %scan3A_575, %unpack3A_588 : vector<16xf32>
          %add3A_600 = arith.addf %scan3A_576, %unpack3A_596 : vector<16xf32>
          %add3A_601 = arith.addf %scan3A_577, %unpack3A_597 : vector<16xf32>
          %mul3A_602 = arith.constant 16 : i32
          %mul3A_603 = arith.muli %scan3A_573, %mul3A_602 : i32
          %add3A_604 = arith.constant 2 : i32
          %add3A_605 = arith.addi %mul3A_603, %add3A_604 : i32
          %get3A_606 = arith.constant 2 : i32
          %get3A_607 = arith.index_cast %get3A_606 : i32 to index
          %get3A_608 = arith.index_cast %add3A_605 : i32 to index
          %get3A_609 = arith.constant 0 : index
          %get3A_610 = tpu.vector_load %arg6[%get3A_607, %get3A_608, %get3A_609] {strides = array<i32>} : memref<4x200x32xbf16, #tpu.memory_space<vmem>>, vector<32xbf16>,
          %unpack3A_611 = tpu.unpack_subelements %get3A_610, 0 {pack_format = #tpu.pack_format<interleaved>} : vector<32xbf16> -> vector<16xf32>
          %unpack3A_612 = tpu.unpack_subelements %get3A_610, 1 {pack_format = #tpu.pack_format<interleaved>} : vector<32xbf16> -> vector<16xf32>
          %add3A_613 = arith.constant 1 : i32
          %add3A_614 = arith.addi %add3A_605, %add3A_613 : i32
          %get3A_615 = arith.constant 2 : i32
          %get3A_616 = arith.index_cast %get3A_615 : i32 to index
          %get3A_617 = arith.index_cast %add3A_614 : i32 to index
          %get3A_618 = arith.constant 0 : index
          %get3A_619 = tpu.vector_load %arg6[%get3A_616, %get3A_617, %get3A_618] {strides = array<i32>} : memref<4x200x32xbf16, #tpu.memory_space<vmem>>, vector<32xbf16>,
          %unpack3A_620 = tpu.unpack_subelements %get3A_619, 0 {pack_format = #tpu.pack_format<interleaved>} : vector<32xbf16> -> vector<16xf32>
          %unpack3A_621 = tpu.unpack_subelements %get3A_619, 1 {pack_format = #tpu.pack_format<interleaved>} : vector<32xbf16> -> vector<16xf32>
          %add3A_622 = arith.addf %add3A_598, %unpack3A_611 : vector<16xf32>
          %add3A_623 = arith.addf %add3A_599, %unpack3A_612 : vector<16xf32>
          %add3A_624 = arith.addf %add3A_600, %unpack3A_620 : vector<16xf32>
          %add3A_625 = arith.addf %add3A_601, %unpack3A_621 : vector<16xf32>
          %mul3A_626 = arith.constant 16 : i32
          %mul3A_627 = arith.muli %scan3A_573, %mul3A_626 : i32
          %add3A_628 = arith.constant 4 : i32
          %add3A_629 = arith.addi %mul3A_627, %add3A_628 : i32
          %get3A_630 = arith.constant 2 : i32
          %get3A_631 = arith.index_cast %get3A_630 : i32 to index
          %get3A_632 = arith.index_cast %add3A_629 : i32 to index
          %get3A_633 = arith.constant 0 : index
          %get3A_634 = tpu.vector_load %arg6[%get3A_631, %get3A_632, %get3A_633] {strides = array<i32>} : memref<4x200x32xbf16, #tpu.memory_space<vmem>>, vector<32xbf16>,
          %unpack3A_635 = tpu.unpack_subelements %get3A_634, 0 {pack_format = #tpu.pack_format<interleaved>} : vector<32xbf16> -> vector<16xf32>
          %unpack3A_636 = tpu.unpack_subelements %get3A_634, 1 {pack_format = #tpu.pack_format<interleaved>} : vector<32xbf16> -> vector<16xf32>
          %add3A_637 = arith.constant 1 : i32
          %add3A_638 = arith.addi %add3A_629, %add3A_637 : i32
          %get3A_639 = arith.constant 2 : i32
          %get3A_640 = arith.index_cast %get3A_639 : i32 to index
          %get3A_641 = arith.index_cast %add3A_638 : i32 to index
          %get3A_642 = arith.constant 0 : index
          %get3A_643 = tpu.vector_load %arg6[%get3A_640, %get3A_641, %get3A_642] {strides = array<i32>} : memref<4x200x32xbf16, #tpu.memory_space<vmem>>, vector<32xbf16>,
          %unpack3A_644 = tpu.unpack_subelements %get3A_643, 0 {pack_format = #tpu.pack_format<interleaved>} : vector<32xbf16> -> vector<16xf32>
          %unpack3A_645 = tpu.unpack_subelements %get3A_643, 1 {pack_format = #tpu.pack_format<interleaved>} : vector<32xbf16> -> vector<16xf32>
          %add3A_646 = arith.addf %add3A_622, %unpack3A_635 : vector<16xf32>
          %add3A_647 = arith.addf %add3A_623, %unpack3A_636 : vector<16xf32>
          %add3A_648 = arith.addf %add3A_624, %unpack3A_644 : vector<16xf32>
          %add3A_649 = arith.addf %add3A_625, %unpack3A_645 : vector<16xf32>
          %mul3A_650 = arith.constant 16 : i32
          %mul3A_651 = arith.muli %scan3A_573, %mul3A_650 : i32
          %add3A_652 = arith.constant 6 : i32
          %add3A_653 = arith.addi %mul3A_651, %add3A_652 : i32
          %get3A_654 = arith.constant 2 : i32
          %get3A_655 = arith.index_cast %get3A_654 : i32 to index
          %get3A_656 = arith.index_cast %add3A_653 : i32 to index
          %get3A_657 = arith.constant 0 : index
          %get3A_658 = tpu.vector_load %arg6[%get3A_655, %get3A_656, %get3A_657] {strides = array<i32>} : memref<4x200x32xbf16, #tpu.memory_space<vmem>>, vector<32xbf16>,
          %unpack3A_659 = tpu.unpack_subelements %get3A_658, 0 {pack_format = #tpu.pack_format<interleaved>} : vector<32xbf16> -> vector<16xf32>
          %unpack3A_660 = tpu.unpack_subelements %get3A_658, 1 {pack_format = #tpu.pack_format<interleaved>} : vector<32xbf16> -> vector<16xf32>
          %add3A_661 = arith.constant 1 : i32
          %add3A_662 = arith.addi %add3A_653, %add3A_661 : i32
          %get3A_663 = arith.constant 2 : i32
          %get3A_664 = arith.index_cast %get3A_663 : i32 to index
          %get3A_665 = arith.index_cast %add3A_662 : i32 to index
          %get3A_666 = arith.constant 0 : index
          %get3A_667 = tpu.vector_load %arg6[%get3A_664, %get3A_665, %get3A_666] {strides = array<i32>} : memref<4x200x32xbf16, #tpu.memory_space<vmem>>, vector<32xbf16>,
          %unpack3A_668 = tpu.unpack_subelements %get3A_667, 0 {pack_format = #tpu.pack_format<interleaved>} : vector<32xbf16> -> vector<16xf32>
          %unpack3A_669 = tpu.unpack_subelements %get3A_667, 1 {pack_format = #tpu.pack_format<interleaved>} : vector<32xbf16> -> vector<16xf32>
          %add3A_670 = arith.addf %add3A_646, %unpack3A_659 : vector<16xf32>
          %add3A_671 = arith.addf %add3A_647, %unpack3A_660 : vector<16xf32>
          %add3A_672 = arith.addf %add3A_648, %unpack3A_668 : vector<16xf32>
          %add3A_673 = arith.addf %add3A_649, %unpack3A_669 : vector<16xf32>
          %mul3A_674 = arith.constant 16 : i32
          %mul3A_675 = arith.muli %scan3A_573, %mul3A_674 : i32
          %add3A_676 = arith.constant 8 : i32
          %add3A_677 = arith.addi %mul3A_675, %add3A_676 : i32
          %get3A_678 = arith.constant 2 : i32
          %get3A_679 = arith.index_cast %get3A_678 : i32 to index
          %get3A_680 = arith.index_cast %add3A_677 : i32 to index
          %get3A_681 = arith.constant 0 : index
          %get3A_682 = tpu.vector_load %arg6[%get3A_679, %get3A_680, %get3A_681] {strides = array<i32>} : memref<4x200x32xbf16, #tpu.memory_space<vmem>>, vector<32xbf16>,
          %unpack3A_683 = tpu.unpack_subelements %get3A_682, 0 {pack_format = #tpu.pack_format<interleaved>} : vector<32xbf16> -> vector<16xf32>
          %unpack3A_684 = tpu.unpack_subelements %get3A_682, 1 {pack_format = #tpu.pack_format<interleaved>} : vector<32xbf16> -> vector<16xf32>
          %add3A_685 = arith.constant 1 : i32
          %add3A_686 = arith.addi %add3A_677, %add3A_685 : i32
          %get3A_687 = arith.constant 2 : i32
          %get3A_688 = arith.index_cast %get3A_687 : i32 to index
          %get3A_689 = arith.index_cast %add3A_686 : i32 to index
          %get3A_690 = arith.constant 0 : index
          %get3A_691 = tpu.vector_load %arg6[%get3A_688, %get3A_689, %get3A_690] {strides = array<i32>} : memref<4x200x32xbf16, #tpu.memory_space<vmem>>, vector<32xbf16>,
          %unpack3A_692 = tpu.unpack_subelements %get3A_691, 0 {pack_format = #tpu.pack_format<interleaved>} : vector<32xbf16> -> vector<16xf32>
          %unpack3A_693 = tpu.unpack_subelements %get3A_691, 1 {pack_format = #tpu.pack_format<interleaved>} : vector<32xbf16> -> vector<16xf32>
          %add3A_694 = arith.addf %add3A_670, %unpack3A_683 : vector<16xf32>
          %add3A_695 = arith.addf %add3A_671, %unpack3A_684 : vector<16xf32>
          %add3A_696 = arith.addf %add3A_672, %unpack3A_692 : vector<16xf32>
          %add3A_697 = arith.addf %add3A_673, %unpack3A_693 : vector<16xf32>
          %mul3A_698 = arith.constant 16 : i32
          %mul3A_699 = arith.muli %scan3A_573, %mul3A_698 : i32
          %add3A_700 = arith.constant 10 : i32
          %add3A_701 = arith.addi %mul3A_699, %add3A_700 : i32
          %get3A_702 = arith.constant 2 : i32
          %get3A_703 = arith.index_cast %get3A_702 : i32 to index
          %get3A_704 = arith.index_cast %add3A_701 : i32 to index
          %get3A_705 = arith.constant 0 : index
          %get3A_706 = tpu.vector_load %arg6[%get3A_703, %get3A_704, %get3A_705] {strides = array<i32>} : memref<4x200x32xbf16, #tpu.memory_space<vmem>>, vector<32xbf16>,
          %unpack3A_707 = tpu.unpack_subelements %get3A_706, 0 {pack_format = #tpu.pack_format<interleaved>} : vector<32xbf16> -> vector<16xf32>
          %unpack3A_708 = tpu.unpack_subelements %get3A_706, 1 {pack_format = #tpu.pack_format<interleaved>} : vector<32xbf16> -> vector<16xf32>
          %add3A_709 = arith.constant 1 : i32
          %add3A_710 = arith.addi %add3A_701, %add3A_709 : i32
          %get3A_711 = arith.constant 2 : i32
          %get3A_712 = arith.index_cast %get3A_711 : i32 to index
          %get3A_713 = arith.index_cast %add3A_710 : i32 to index
          %get3A_714 = arith.constant 0 : index
          %get3A_715 = tpu.vector_load %arg6[%get3A_712, %get3A_713, %get3A_714] {strides = array<i32>} : memref<4x200x32xbf16, #tpu.memory_space<vmem>>, vector<32xbf16>,
          %unpack3A_716 = tpu.unpack_subelements %get3A_715, 0 {pack_format = #tpu.pack_format<interleaved>} : vector<32xbf16> -> vector<16xf32>
          %unpack3A_717 = tpu.unpack_subelements %get3A_715, 1 {pack_format = #tpu.pack_format<interleaved>} : vector<32xbf16> -> vector<16xf32>
          %add3A_718 = arith.addf %add3A_694, %unpack3A_707 : vector<16xf32>
          %add3A_719 = arith.addf %add3A_695, %unpack3A_708 : vector<16xf32>
          %add3A_720 = arith.addf %add3A_696, %unpack3A_716 : vector<16xf32>
          %add3A_721 = arith.addf %add3A_697, %unpack3A_717 : vector<16xf32>
          %mul3A_722 = arith.constant 16 : i32
          %mul3A_723 = arith.muli %scan3A_573, %mul3A_722 : i32
          %add3A_724 = arith.constant 12 : i32
          %add3A_725 = arith.addi %mul3A_723, %add3A_724 : i32
          %get3A_726 = arith.constant 2 : i32
          %get3A_727 = arith.index_cast %get3A_726 : i32 to index
          %get3A_728 = arith.index_cast %add3A_725 : i32 to index
          %get3A_729 = arith.constant 0 : index
          %get3A_730 = tpu.vector_load %arg6[%get3A_727, %get3A_728, %get3A_729] {strides = array<i32>} : memref<4x200x32xbf16, #tpu.memory_space<vmem>>, vector<32xbf16>,
          %unpack3A_731 = tpu.unpack_subelements %get3A_730, 0 {pack_format = #tpu.pack_format<interleaved>} : vector<32xbf16> -> vector<16xf32>
          %unpack3A_732 = tpu.unpack_subelements %get3A_730, 1 {pack_format = #tpu.pack_format<interleaved>} : vector<32xbf16> -> vector<16xf32>
          %add3A_733 = arith.constant 1 : i32
          %add3A_734 = arith.addi %add3A_725, %add3A_733 : i32
          %get3A_735 = arith.constant 2 : i32
          %get3A_736 = arith.index_cast %get3A_735 : i32 to index
          %get3A_737 = arith.index_cast %add3A_734 : i32 to index
          %get3A_738 = arith.constant 0 : index
          %get3A_739 = tpu.vector_load %arg6[%get3A_736, %get3A_737, %get3A_738] {strides = array<i32>} : memref<4x200x32xbf16, #tpu.memory_space<vmem>>, vector<32xbf16>,
          %unpack3A_740 = tpu.unpack_subelements %get3A_739, 0 {pack_format = #tpu.pack_format<interleaved>} : vector<32xbf16> -> vector<16xf32>
          %unpack3A_741 = tpu.unpack_subelements %get3A_739, 1 {pack_format = #tpu.pack_format<interleaved>} : vector<32xbf16> -> vector<16xf32>
          %add3A_742 = arith.addf %add3A_718, %unpack3A_731 : vector<16xf32>
          %add3A_743 = arith.addf %add3A_719, %unpack3A_732 : vector<16xf32>
          %add3A_744 = arith.addf %add3A_720, %unpack3A_740 : vector<16xf32>
          %add3A_745 = arith.addf %add3A_721, %unpack3A_741 : vector<16xf32>
          %mul3A_746 = arith.constant 16 : i32
          %mul3A_747 = arith.muli %scan3A_573, %mul3A_746 : i32
          %add3A_748 = arith.constant 14 : i32
          %add3A_749 = arith.addi %mul3A_747, %add3A_748 : i32
          %get3A_750 = arith.constant 2 : i32
          %get3A_751 = arith.index_cast %get3A_750 : i32 to index
          %get3A_752 = arith.index_cast %add3A_749 : i32 to index
          %get3A_753 = arith.constant 0 : index
          %get3A_754 = tpu.vector_load %arg6[%get3A_751, %get3A_752, %get3A_753] {strides = array<i32>} : memref<4x200x32xbf16, #tpu.memory_space<vmem>>, vector<32xbf16>,
          %unpack3A_755 = tpu.unpack_subelements %get3A_754, 0 {pack_format = #tpu.pack_format<interleaved>} : vector<32xbf16> -> vector<16xf32>
          %unpack3A_756 = tpu.unpack_subelements %get3A_754, 1 {pack_format = #tpu.pack_format<interleaved>} : vector<32xbf16> -> vector<16xf32>
          %add3A_757 = arith.constant 1 : i32
          %add3A_758 = arith.addi %add3A_749, %add3A_757 : i32
          %get3A_759 = arith.constant 2 : i32
          %get3A_760 = arith.index_cast %get3A_759 : i32 to index
          %get3A_761 = arith.index_cast %add3A_758 : i32 to index
          %get3A_762 = arith.constant 0 : index
          %get3A_763 = tpu.vector_load %arg6[%get3A_760, %get3A_761, %get3A_762] {strides = array<i32>} : memref<4x200x32xbf16, #tpu.memory_space<vmem>>, vector<32xbf16>,
          %unpack3A_764 = tpu.unpack_subelements %get3A_763, 0 {pack_format = #tpu.pack_format<interleaved>} : vector<32xbf16> -> vector<16xf32>
          %unpack3A_765 = tpu.unpack_subelements %get3A_763, 1 {pack_format = #tpu.pack_format<interleaved>} : vector<32xbf16> -> vector<16xf32>
          %add3A_766 = arith.addf %add3A_742, %unpack3A_755 : vector<16xf32>
          %add3A_767 = arith.addf %add3A_743, %unpack3A_756 : vector<16xf32>
          %add3A_768 = arith.addf %add3A_744, %unpack3A_764 : vector<16xf32>
          %add3A_769 = arith.addf %add3A_745, %unpack3A_765 : vector<16xf32>
          scf.yield %add3A_766, %add3A_767, %add3A_768, %add3A_769 : vector<16xf32>, vector<16xf32>, vector<16xf32>, vector<16xf32>
        }
        %scan3A_344 = arith.constant 12 : i32
        %get3A_345 = arith.constant 2 : i32
        %get3A_346 = arith.constant 192 : i32
        %get3A_347 = arith.index_cast %get3A_345 : i32 to index
        %get3A_348 = arith.index_cast %get3A_346 : i32 to index
        %get3A_349 = arith.constant 0 : index
        %get3A_350 = tpu.vector_load %arg6[%get3A_347, %get3A_348, %get3A_349] {strides = array<i32>} : memref<4x200x32xbf16, #tpu.memory_space<vmem>>, vector<32xbf16>,
        %unpack3A_351 = tpu.unpack_subelements %get3A_350, 0 {pack_format = #tpu.pack_format<interleaved>} : vector<32xbf16> -> vector<16xf32>
        %unpack3A_352 = tpu.unpack_subelements %get3A_350, 1 {pack_format = #tpu.pack_format<interleaved>} : vector<32xbf16> -> vector<16xf32>
        %get3A_353 = arith.constant 2 : i32
        %get3A_354 = arith.constant 193 : i32
        %get3A_355 = arith.index_cast %get3A_353 : i32 to index
        %get3A_356 = arith.index_cast %get3A_354 : i32 to index
        %get3A_357 = arith.constant 0 : index
        %get3A_358 = tpu.vector_load %arg6[%get3A_355, %get3A_356, %get3A_357] {strides = array<i32>} : memref<4x200x32xbf16, #tpu.memory_space<vmem>>, vector<32xbf16>,
        %unpack3A_359 = tpu.unpack_subelements %get3A_358, 0 {pack_format = #tpu.pack_format<interleaved>} : vector<32xbf16> -> vector<16xf32>
        %unpack3A_360 = tpu.unpack_subelements %get3A_358, 1 {pack_format = #tpu.pack_format<interleaved>} : vector<32xbf16> -> vector<16xf32>
        %add3A_361 = arith.addf %scan3A_343#0, %unpack3A_351 : vector<16xf32>
        %add3A_362 = arith.addf %scan3A_343#1, %unpack3A_352 : vector<16xf32>
        %add3A_363 = arith.addf %scan3A_343#2, %unpack3A_359 : vector<16xf32>
        %add3A_364 = arith.addf %scan3A_343#3, %unpack3A_360 : vector<16xf32>
        %get3A_365 = arith.constant 2 : i32
        %get3A_366 = arith.constant 194 : i32
        %get3A_367 = arith.index_cast %get3A_365 : i32 to index
        %get3A_368 = arith.index_cast %get3A_366 : i32 to index
        %get3A_369 = arith.constant 0 : index
        %get3A_370 = tpu.vector_load %arg6[%get3A_367, %get3A_368, %get3A_369] {strides = array<i32>} : memref<4x200x32xbf16, #tpu.memory_space<vmem>>, vector<32xbf16>,
        %unpack3A_371 = tpu.unpack_subelements %get3A_370, 0 {pack_format = #tpu.pack_format<interleaved>} : vector<32xbf16> -> vector<16xf32>
        %unpack3A_372 = tpu.unpack_subelements %get3A_370, 1 {pack_format = #tpu.pack_format<interleaved>} : vector<32xbf16> -> vector<16xf32>
        %get3A_373 = arith.constant 2 : i32
        %get3A_374 = arith.constant 195 : i32
        %get3A_375 = arith.index_cast %get3A_373 : i32 to index
        %get3A_376 = arith.index_cast %get3A_374 : i32 to index
        %get3A_377 = arith.constant 0 : index
        %get3A_378 = tpu.vector_load %arg6[%get3A_375, %get3A_376, %get3A_377] {strides = array<i32>} : memref<4x200x32xbf16, #tpu.memory_space<vmem>>, vector<32xbf16>,
        %unpack3A_379 = tpu.unpack_subelements %get3A_378, 0 {pack_format = #tpu.pack_format<interleaved>} : vector<32xbf16> -> vector<16xf32>
        %unpack3A_380 = tpu.unpack_subelements %get3A_378, 1 {pack_format = #tpu.pack_format<interleaved>} : vector<32xbf16> -> vector<16xf32>
        %add3A_381 = arith.addf %add3A_361, %unpack3A_371 : vector<16xf32>
        %add3A_382 = arith.addf %add3A_362, %unpack3A_372 : vector<16xf32>
        %add3A_383 = arith.addf %add3A_363, %unpack3A_379 : vector<16xf32>
        %add3A_384 = arith.addf %add3A_364, %unpack3A_380 : vector<16xf32>
        %get3A_385 = arith.constant 2 : i32
        %get3A_386 = arith.constant 196 : i32
        %get3A_387 = arith.index_cast %get3A_385 : i32 to index
        %get3A_388 = arith.index_cast %get3A_386 : i32 to index
        %get3A_389 = arith.constant 0 : index
        %get3A_390 = tpu.vector_load %arg6[%get3A_387, %get3A_388, %get3A_389] {strides = array<i32>} : memref<4x200x32xbf16, #tpu.memory_space<vmem>>, vector<32xbf16>,
        %unpack3A_391 = tpu.unpack_subelements %get3A_390, 0 {pack_format = #tpu.pack_format<interleaved>} : vector<32xbf16> -> vector<16xf32>
        %unpack3A_392 = tpu.unpack_subelements %get3A_390, 1 {pack_format = #tpu.pack_format<interleaved>} : vector<32xbf16> -> vector<16xf32>
        %get3A_393 = arith.constant 2 : i32
        %get3A_394 = arith.constant 197 : i32
        %get3A_395 = arith.index_cast %get3A_393 : i32 to index
        %get3A_396 = arith.index_cast %get3A_394 : i32 to index
        %get3A_397 = arith.constant 0 : index
        %get3A_398 = tpu.vector_load %arg6[%get3A_395, %get3A_396, %get3A_397] {strides = array<i32>} : memref<4x200x32xbf16, #tpu.memory_space<vmem>>, vector<32xbf16>,
        %unpack3A_399 = tpu.unpack_subelements %get3A_398, 0 {pack_format = #tpu.pack_format<interleaved>} : vector<32xbf16> -> vector<16xf32>
        %unpack3A_400 = tpu.unpack_subelements %get3A_398, 1 {pack_format = #tpu.pack_format<interleaved>} : vector<32xbf16> -> vector<16xf32>
        %add3A_401 = arith.addf %add3A_381, %unpack3A_391 : vector<16xf32>
        %add3A_402 = arith.addf %add3A_382, %unpack3A_392 : vector<16xf32>
        %add3A_403 = arith.addf %add3A_383, %unpack3A_399 : vector<16xf32>
        %add3A_404 = arith.addf %add3A_384, %unpack3A_400 : vector<16xf32>
        %get3A_405 = arith.constant 2 : i32
        %get3A_406 = arith.constant 198 : i32
        %get3A_407 = arith.index_cast %get3A_405 : i32 to index
        %get3A_408 = arith.index_cast %get3A_406 : i32 to index
        %get3A_409 = arith.constant 0 : index
        %get3A_410 = tpu.vector_load %arg6[%get3A_407, %get3A_408, %get3A_409] {strides = array<i32>} : memref<4x200x32xbf16, #tpu.memory_space<vmem>>, vector<32xbf16>,
        %unpack3A_411 = tpu.unpack_subelements %get3A_410, 0 {pack_format = #tpu.pack_format<interleaved>} : vector<32xbf16> -> vector<16xf32>
        %unpack3A_412 = tpu.unpack_subelements %get3A_410, 1 {pack_format = #tpu.pack_format<interleaved>} : vector<32xbf16> -> vector<16xf32>
        %get3A_413 = arith.constant 2 : i32
        %get3A_414 = arith.constant 199 : i32
        %get3A_415 = arith.index_cast %get3A_413 : i32 to index
        %get3A_416 = arith.index_cast %get3A_414 : i32 to index
        %get3A_417 = arith.constant 0 : index
        %get3A_418 = tpu.vector_load %arg6[%get3A_415, %get3A_416, %get3A_417] {strides = array<i32>} : memref<4x200x32xbf16, #tpu.memory_space<vmem>>, vector<32xbf16>,
        %unpack3A_419 = tpu.unpack_subelements %get3A_418, 0 {pack_format = #tpu.pack_format<interleaved>} : vector<32xbf16> -> vector<16xf32>
        %unpack3A_420 = tpu.unpack_subelements %get3A_418, 1 {pack_format = #tpu.pack_format<interleaved>} : vector<32xbf16> -> vector<16xf32>
        %add3A_421 = arith.addf %add3A_401, %unpack3A_411 : vector<16xf32>
        %add3A_422 = arith.addf %add3A_402, %unpack3A_412 : vector<16xf32>
        %add3A_423 = arith.addf %add3A_403, %unpack3A_419 : vector<16xf32>
        %add3A_424 = arith.addf %add3A_404, %unpack3A_420 : vector<16xf32>
        %add3A_425 = arith.constant 4 : i32
        %add3A_426 = arith.addi %add3A_325, %add3A_425 : i32
        %lt3A_427 = arith.constant 64 : i32
        %lt3A_428 = arith.cmpi slt, %add3A_426, %lt3A_427 : i32
        %convert_element_type3A_429 = arith.extui %lt3A_428 : i1 to i32
        %cond3A_430 = arith.constant 0 : i32
        %cond3A_431 = arith.cmpi ne, %convert_element_type3A_429, %cond3A_430 : i32
        scf.if %cond3A_431 {
          %add3A_573 = arith.constant 4 : i32
          %add3A_574 = arith.addi %add3A_325, %add3A_573 : i32
          %dma_start3A_575 = arith.constant 2 : i32
          %dma_start3A_576 = arith.constant 0 : i32
          %dma_start3A_577 = arith.constant 0 : i32
          %dma_start3A_578 = tpu.memref_slice %arg6[%dma_start3A_575, %dma_start3A_576, %dma_start3A_577] : memref<4x200x32xbf16, #tpu.memory_space<vmem>> -> memref<1x200x32xbf16, #tpu.memory_space<vmem>>
          %dma_start3A_579 = tpu.memref_squeeze %dma_start3A_578 : memref<1x200x32xbf16, #tpu.memory_space<vmem>> -> memref<200x32xbf16, #tpu.memory_space<vmem>>
          %dma_start3A_580 = arith.constant 0 : i32
          %dma_start3A_581 = tpu.memref_slice %arg5[%add3A_574, %dma_start3A_580] : memref<64x200xi32, #tpu.memory_space<vmem>> -> memref<1x200xi32, #tpu.memory_space<vmem>>
          %dma_start3A_582 = tpu.memref_squeeze %dma_start3A_581 : memref<1x200xi32, #tpu.memory_space<vmem>> -> memref<200xi32, #tpu.memory_space<vmem>>
          %dma_start3A_583 = arith.constant 0 : i32
          %dma_start3A_584 = arith.constant 0 : i32
          %dma_start3A_585 = tpu.memref_slice %arg9[%dma_start3A_583, %dma_start3A_584] : memref<10000x32xbf16, #tpu.memory_space<vmem_shared>> -> memref<10000x32xbf16, #tpu.memory_space<vmem_shared>>
          tpu.enqueue_indirect_dma source(%dma_start3A_585 : memref<10000x32xbf16, #tpu.memory_space<vmem_shared>>) target(%dma_start3A_579 : memref<200x32xbf16, #tpu.memory_space<vmem>>) offsets(%dma_start3A_582 : memref<200xi32, #tpu.memory_space<vmem>>) semaphore(%arg12 : memref<!tpu.dma_semaphore, #tpu.memory_space<semaphore_mem>>)
        } else {
        }
        %broadcast_in_dim3A_432 = arith.constant 1 : i32
        %broadcast_in_dim3A_433 = vector.broadcast %broadcast_in_dim3A_432 : i32 to vector<16xi32>
        %mul3A_434 = vector.broadcast %add3A_325 : i32 to vector<16xi32>
        %mul3A_435 = arith.muli %broadcast_in_dim3A_433, %mul3A_434 : vector<16xi32>
        %gather3A_436 = tpu.vector_load_idx %arg8[%mul3A_435] : memref<64xf32, #tpu.memory_space<vmem>>[vector<16xi32>], vector<16xf32>,
        %add3A_437 = arith.addf %add3A_421, %add3A_423 : vector<16xf32>
        %div3A_438 = arith.divf %add3A_437, %gather3A_436 : vector<16xf32>
        %swap3A_439 = arith.index_cast %add3A_325 : i32 to index
        %swap3A_440 = arith.constant 0 : index
        %swap3A_441 = tpu.vector_load %arg7[%swap3A_439, %swap3A_440] {strides = array<i32>} : memref<64x32xf32, #tpu.memory_space<vmem>>, vector<16xf32>,
        tpu.vector_store %arg7[%swap3A_439, %swap3A_440], %div3A_438 {strides = array<i32>} : memref<64x32xf32, #tpu.memory_space<vmem>>, vector<16xf32>,
        %add3A_442 = arith.addf %add3A_422, %add3A_424 : vector<16xf32>
        %div3A_443 = arith.divf %add3A_442, %gather3A_436 : vector<16xf32>
        %swap3A_444 = arith.index_cast %add3A_325 : i32 to index
        %swap3A_445 = arith.constant 16 : index
        %swap3A_446 = tpu.vector_load %arg7[%swap3A_444, %swap3A_445] {strides = array<i32>} : memref<64x32xf32, #tpu.memory_space<vmem>>, vector<16xf32>,
        tpu.vector_store %arg7[%swap3A_444, %swap3A_445], %div3A_443 {strides = array<i32>} : memref<64x32xf32, #tpu.memory_space<vmem>>, vector<16xf32>,
        %mul3A_447 = arith.constant 4 : i32
        %mul3A_448 = arith.muli %scan3A_78, %mul3A_447 : i32
        %add3A_449 = arith.constant 3 : i32
        %add3A_450 = arith.addi %mul3A_448, %add3A_449 : i32
        %dma_wait3A_451 = arith.constant 3 : i32
        %dma_wait3A_452 = arith.constant 0 : i32
        %dma_wait3A_453 = arith.constant 0 : i32
        %dma_wait3A_454 = tpu.memref_slice %arg6[%dma_wait3A_451, %dma_wait3A_452, %dma_wait3A_453] : memref<4x200x32xbf16, #tpu.memory_space<vmem>> -> memref<1x200x32xbf16, #tpu.memory_space<vmem>>
        %dma_wait3A_455 = tpu.memref_squeeze %dma_wait3A_454 : memref<1x200x32xbf16, #tpu.memory_space<vmem>> -> memref<200x32xbf16, #tpu.memory_space<vmem>>
        %dma_wait3A_456 = arith.constant 0 : i32
        %dma_wait3A_457 = tpu.memref_slice %arg5[%add3A_450, %dma_wait3A_456] : memref<64x200xi32, #tpu.memory_space<vmem>> -> memref<1x200xi32, #tpu.memory_space<vmem>>
        %dma_wait3A_458 = tpu.memref_squeeze %dma_wait3A_457 : memref<1x200xi32, #tpu.memory_space<vmem>> -> memref<200xi32, #tpu.memory_space<vmem>>
        %dma_wait3A_459 = arith.constant 0 : i32
        %dma_wait3A_460 = arith.constant 0 : i32
        %dma_wait3A_461 = tpu.memref_slice %arg9[%dma_wait3A_459, %dma_wait3A_460] : memref<10000x32xbf16, #tpu.memory_space<vmem_shared>> -> memref<10000x32xbf16, #tpu.memory_space<vmem_shared>>
        tpu.wait_indirect_dma semaphore(%arg13 : memref<!tpu.dma_semaphore, #tpu.memory_space<semaphore_mem>>) src(%dma_wait3A_461 : memref<10000x32xbf16, #tpu.memory_space<vmem_shared>>) dst(%dma_wait3A_455 : memref<200x32xbf16, #tpu.memory_space<vmem>>)
        %broadcast_in_dim3A_462 = arith.constant 0.000000e+00 : f32
        %broadcast_in_dim3A_463 = vector.broadcast %broadcast_in_dim3A_462 : f32 to vector<16xf32>
        %scan3A_464 = arith.constant 0 : i32
        %scan3A_465 = arith.constant 12 : i32
        %scan3A_466 = arith.addi %scan3A_464, %scan3A_465 : i32
        %scan3A_467 = arith.constant 1 : i32
        %scan3A_468:4 = scf.for %scan3A_573 = %scan3A_464 to %scan3A_466 step %scan3A_467 iter_args(%scan3A_574 = %broadcast_in_dim3A_463, %scan3A_575 = %broadcast_in_dim3A_463, %scan3A_576 = %broadcast_in_dim3A_463, %scan3A_577 = %broadcast_in_dim3A_463) -> (vector<16xf32>, vector<16xf32>, vector<16xf32>, vector<16xf32>)  : i32 {
          %mul3A_578 = arith.constant 16 : i32
          %mul3A_579 = arith.muli %scan3A_573, %mul3A_578 : i32
          %add3A_580 = arith.constant 0 : i32
          %add3A_581 = arith.addi %mul3A_579, %add3A_580 : i32
          %get3A_582 = arith.constant 3 : i32
          %get3A_583 = arith.index_cast %get3A_582 : i32 to index
          %get3A_584 = arith.index_cast %add3A_581 : i32 to index
          %get3A_585 = arith.constant 0 : index
          %get3A_586 = tpu.vector_load %arg6[%get3A_583, %get3A_584, %get3A_585] {strides = array<i32>} : memref<4x200x32xbf16, #tpu.memory_space<vmem>>, vector<32xbf16>,
          %unpack3A_587 = tpu.unpack_subelements %get3A_586, 0 {pack_format = #tpu.pack_format<interleaved>} : vector<32xbf16> -> vector<16xf32>
          %unpack3A_588 = tpu.unpack_subelements %get3A_586, 1 {pack_format = #tpu.pack_format<interleaved>} : vector<32xbf16> -> vector<16xf32>
          %add3A_589 = arith.constant 1 : i32
          %add3A_590 = arith.addi %add3A_581, %add3A_589 : i32
          %get3A_591 = arith.constant 3 : i32
          %get3A_592 = arith.index_cast %get3A_591 : i32 to index
          %get3A_593 = arith.index_cast %add3A_590 : i32 to index
          %get3A_594 = arith.constant 0 : index
          %get3A_595 = tpu.vector_load %arg6[%get3A_592, %get3A_593, %get3A_594] {strides = array<i32>} : memref<4x200x32xbf16, #tpu.memory_space<vmem>>, vector<32xbf16>,
          %unpack3A_596 = tpu.unpack_subelements %get3A_595, 0 {pack_format = #tpu.pack_format<interleaved>} : vector<32xbf16> -> vector<16xf32>
          %unpack3A_597 = tpu.unpack_subelements %get3A_595, 1 {pack_format = #tpu.pack_format<interleaved>} : vector<32xbf16> -> vector<16xf32>
          %add3A_598 = arith.addf %scan3A_574, %unpack3A_587 : vector<16xf32>
          %add3A_599 = arith.addf %scan3A_575, %unpack3A_588 : vector<16xf32>
          %add3A_600 = arith.addf %scan3A_576, %unpack3A_596 : vector<16xf32>
          %add3A_601 = arith.addf %scan3A_577, %unpack3A_597 : vector<16xf32>
          %mul3A_602 = arith.constant 16 : i32
          %mul3A_603 = arith.muli %scan3A_573, %mul3A_602 : i32
          %add3A_604 = arith.constant 2 : i32
          %add3A_605 = arith.addi %mul3A_603, %add3A_604 : i32
          %get3A_606 = arith.constant 3 : i32
          %get3A_607 = arith.index_cast %get3A_606 : i32 to index
          %get3A_608 = arith.index_cast %add3A_605 : i32 to index
          %get3A_609 = arith.constant 0 : index
          %get3A_610 = tpu.vector_load %arg6[%get3A_607, %get3A_608, %get3A_609] {strides = array<i32>} : memref<4x200x32xbf16, #tpu.memory_space<vmem>>, vector<32xbf16>,
          %unpack3A_611 = tpu.unpack_subelements %get3A_610, 0 {pack_format = #tpu.pack_format<interleaved>} : vector<32xbf16> -> vector<16xf32>
          %unpack3A_612 = tpu.unpack_subelements %get3A_610, 1 {pack_format = #tpu.pack_format<interleaved>} : vector<32xbf16> -> vector<16xf32>
          %add3A_613 = arith.constant 1 : i32
          %add3A_614 = arith.addi %add3A_605, %add3A_613 : i32
          %get3A_615 = arith.constant 3 : i32
          %get3A_616 = arith.index_cast %get3A_615 : i32 to index
          %get3A_617 = arith.index_cast %add3A_614 : i32 to index
          %get3A_618 = arith.constant 0 : index
          %get3A_619 = tpu.vector_load %arg6[%get3A_616, %get3A_617, %get3A_618] {strides = array<i32>} : memref<4x200x32xbf16, #tpu.memory_space<vmem>>, vector<32xbf16>,
          %unpack3A_620 = tpu.unpack_subelements %get3A_619, 0 {pack_format = #tpu.pack_format<interleaved>} : vector<32xbf16> -> vector<16xf32>
          %unpack3A_621 = tpu.unpack_subelements %get3A_619, 1 {pack_format = #tpu.pack_format<interleaved>} : vector<32xbf16> -> vector<16xf32>
          %add3A_622 = arith.addf %add3A_598, %unpack3A_611 : vector<16xf32>
          %add3A_623 = arith.addf %add3A_599, %unpack3A_612 : vector<16xf32>
          %add3A_624 = arith.addf %add3A_600, %unpack3A_620 : vector<16xf32>
          %add3A_625 = arith.addf %add3A_601, %unpack3A_621 : vector<16xf32>
          %mul3A_626 = arith.constant 16 : i32
          %mul3A_627 = arith.muli %scan3A_573, %mul3A_626 : i32
          %add3A_628 = arith.constant 4 : i32
          %add3A_629 = arith.addi %mul3A_627, %add3A_628 : i32
          %get3A_630 = arith.constant 3 : i32
          %get3A_631 = arith.index_cast %get3A_630 : i32 to index
          %get3A_632 = arith.index_cast %add3A_629 : i32 to index
          %get3A_633 = arith.constant 0 : index
          %get3A_634 = tpu.vector_load %arg6[%get3A_631, %get3A_632, %get3A_633] {strides = array<i32>} : memref<4x200x32xbf16, #tpu.memory_space<vmem>>, vector<32xbf16>,
          %unpack3A_635 = tpu.unpack_subelements %get3A_634, 0 {pack_format = #tpu.pack_format<interleaved>} : vector<32xbf16> -> vector<16xf32>
          %unpack3A_636 = tpu.unpack_subelements %get3A_634, 1 {pack_format = #tpu.pack_format<interleaved>} : vector<32xbf16> -> vector<16xf32>
          %add3A_637 = arith.constant 1 : i32
          %add3A_638 = arith.addi %add3A_629, %add3A_637 : i32
          %get3A_639 = arith.constant 3 : i32
          %get3A_640 = arith.index_cast %get3A_639 : i32 to index
          %get3A_641 = arith.index_cast %add3A_638 : i32 to index
          %get3A_642 = arith.constant 0 : index
          %get3A_643 = tpu.vector_load %arg6[%get3A_640, %get3A_641, %get3A_642] {strides = array<i32>} : memref<4x200x32xbf16, #tpu.memory_space<vmem>>, vector<32xbf16>,
          %unpack3A_644 = tpu.unpack_subelements %get3A_643, 0 {pack_format = #tpu.pack_format<interleaved>} : vector<32xbf16> -> vector<16xf32>
          %unpack3A_645 = tpu.unpack_subelements %get3A_643, 1 {pack_format = #tpu.pack_format<interleaved>} : vector<32xbf16> -> vector<16xf32>
          %add3A_646 = arith.addf %add3A_622, %unpack3A_635 : vector<16xf32>
          %add3A_647 = arith.addf %add3A_623, %unpack3A_636 : vector<16xf32>
          %add3A_648 = arith.addf %add3A_624, %unpack3A_644 : vector<16xf32>
          %add3A_649 = arith.addf %add3A_625, %unpack3A_645 : vector<16xf32>
          %mul3A_650 = arith.constant 16 : i32
          %mul3A_651 = arith.muli %scan3A_573, %mul3A_650 : i32
          %add3A_652 = arith.constant 6 : i32
          %add3A_653 = arith.addi %mul3A_651, %add3A_652 : i32
          %get3A_654 = arith.constant 3 : i32
          %get3A_655 = arith.index_cast %get3A_654 : i32 to index
          %get3A_656 = arith.index_cast %add3A_653 : i32 to index
          %get3A_657 = arith.constant 0 : index
          %get3A_658 = tpu.vector_load %arg6[%get3A_655, %get3A_656, %get3A_657] {strides = array<i32>} : memref<4x200x32xbf16, #tpu.memory_space<vmem>>, vector<32xbf16>,
          %unpack3A_659 = tpu.unpack_subelements %get3A_658, 0 {pack_format = #tpu.pack_format<interleaved>} : vector<32xbf16> -> vector<16xf32>
          %unpack3A_660 = tpu.unpack_subelements %get3A_658, 1 {pack_format = #tpu.pack_format<interleaved>} : vector<32xbf16> -> vector<16xf32>
          %add3A_661 = arith.constant 1 : i32
          %add3A_662 = arith.addi %add3A_653, %add3A_661 : i32
          %get3A_663 = arith.constant 3 : i32
          %get3A_664 = arith.index_cast %get3A_663 : i32 to index
          %get3A_665 = arith.index_cast %add3A_662 : i32 to index
          %get3A_666 = arith.constant 0 : index
          %get3A_667 = tpu.vector_load %arg6[%get3A_664, %get3A_665, %get3A_666] {strides = array<i32>} : memref<4x200x32xbf16, #tpu.memory_space<vmem>>, vector<32xbf16>,
          %unpack3A_668 = tpu.unpack_subelements %get3A_667, 0 {pack_format = #tpu.pack_format<interleaved>} : vector<32xbf16> -> vector<16xf32>
          %unpack3A_669 = tpu.unpack_subelements %get3A_667, 1 {pack_format = #tpu.pack_format<interleaved>} : vector<32xbf16> -> vector<16xf32>
          %add3A_670 = arith.addf %add3A_646, %unpack3A_659 : vector<16xf32>
          %add3A_671 = arith.addf %add3A_647, %unpack3A_660 : vector<16xf32>
          %add3A_672 = arith.addf %add3A_648, %unpack3A_668 : vector<16xf32>
          %add3A_673 = arith.addf %add3A_649, %unpack3A_669 : vector<16xf32>
          %mul3A_674 = arith.constant 16 : i32
          %mul3A_675 = arith.muli %scan3A_573, %mul3A_674 : i32
          %add3A_676 = arith.constant 8 : i32
          %add3A_677 = arith.addi %mul3A_675, %add3A_676 : i32
          %get3A_678 = arith.constant 3 : i32
          %get3A_679 = arith.index_cast %get3A_678 : i32 to index
          %get3A_680 = arith.index_cast %add3A_677 : i32 to index
          %get3A_681 = arith.constant 0 : index
          %get3A_682 = tpu.vector_load %arg6[%get3A_679, %get3A_680, %get3A_681] {strides = array<i32>} : memref<4x200x32xbf16, #tpu.memory_space<vmem>>, vector<32xbf16>,
          %unpack3A_683 = tpu.unpack_subelements %get3A_682, 0 {pack_format = #tpu.pack_format<interleaved>} : vector<32xbf16> -> vector<16xf32>
          %unpack3A_684 = tpu.unpack_subelements %get3A_682, 1 {pack_format = #tpu.pack_format<interleaved>} : vector<32xbf16> -> vector<16xf32>
          %add3A_685 = arith.constant 1 : i32
          %add3A_686 = arith.addi %add3A_677, %add3A_685 : i32
          %get3A_687 = arith.constant 3 : i32
          %get3A_688 = arith.index_cast %get3A_687 : i32 to index
          %get3A_689 = arith.index_cast %add3A_686 : i32 to index
          %get3A_690 = arith.constant 0 : index
          %get3A_691 = tpu.vector_load %arg6[%get3A_688, %get3A_689, %get3A_690] {strides = array<i32>} : memref<4x200x32xbf16, #tpu.memory_space<vmem>>, vector<32xbf16>,
          %unpack3A_692 = tpu.unpack_subelements %get3A_691, 0 {pack_format = #tpu.pack_format<interleaved>} : vector<32xbf16> -> vector<16xf32>
          %unpack3A_693 = tpu.unpack_subelements %get3A_691, 1 {pack_format = #tpu.pack_format<interleaved>} : vector<32xbf16> -> vector<16xf32>
          %add3A_694 = arith.addf %add3A_670, %unpack3A_683 : vector<16xf32>
          %add3A_695 = arith.addf %add3A_671, %unpack3A_684 : vector<16xf32>
          %add3A_696 = arith.addf %add3A_672, %unpack3A_692 : vector<16xf32>
          %add3A_697 = arith.addf %add3A_673, %unpack3A_693 : vector<16xf32>
          %mul3A_698 = arith.constant 16 : i32
          %mul3A_699 = arith.muli %scan3A_573, %mul3A_698 : i32
          %add3A_700 = arith.constant 10 : i32
          %add3A_701 = arith.addi %mul3A_699, %add3A_700 : i32
          %get3A_702 = arith.constant 3 : i32
          %get3A_703 = arith.index_cast %get3A_702 : i32 to index
          %get3A_704 = arith.index_cast %add3A_701 : i32 to index
          %get3A_705 = arith.constant 0 : index
          %get3A_706 = tpu.vector_load %arg6[%get3A_703, %get3A_704, %get3A_705] {strides = array<i32>} : memref<4x200x32xbf16, #tpu.memory_space<vmem>>, vector<32xbf16>,
          %unpack3A_707 = tpu.unpack_subelements %get3A_706, 0 {pack_format = #tpu.pack_format<interleaved>} : vector<32xbf16> -> vector<16xf32>
          %unpack3A_708 = tpu.unpack_subelements %get3A_706, 1 {pack_format = #tpu.pack_format<interleaved>} : vector<32xbf16> -> vector<16xf32>
          %add3A_709 = arith.constant 1 : i32
          %add3A_710 = arith.addi %add3A_701, %add3A_709 : i32
          %get3A_711 = arith.constant 3 : i32
          %get3A_712 = arith.index_cast %get3A_711 : i32 to index
          %get3A_713 = arith.index_cast %add3A_710 : i32 to index
          %get3A_714 = arith.constant 0 : index
          %get3A_715 = tpu.vector_load %arg6[%get3A_712, %get3A_713, %get3A_714] {strides = array<i32>} : memref<4x200x32xbf16, #tpu.memory_space<vmem>>, vector<32xbf16>,
          %unpack3A_716 = tpu.unpack_subelements %get3A_715, 0 {pack_format = #tpu.pack_format<interleaved>} : vector<32xbf16> -> vector<16xf32>
          %unpack3A_717 = tpu.unpack_subelements %get3A_715, 1 {pack_format = #tpu.pack_format<interleaved>} : vector<32xbf16> -> vector<16xf32>
          %add3A_718 = arith.addf %add3A_694, %unpack3A_707 : vector<16xf32>
          %add3A_719 = arith.addf %add3A_695, %unpack3A_708 : vector<16xf32>
          %add3A_720 = arith.addf %add3A_696, %unpack3A_716 : vector<16xf32>
          %add3A_721 = arith.addf %add3A_697, %unpack3A_717 : vector<16xf32>
          %mul3A_722 = arith.constant 16 : i32
          %mul3A_723 = arith.muli %scan3A_573, %mul3A_722 : i32
          %add3A_724 = arith.constant 12 : i32
          %add3A_725 = arith.addi %mul3A_723, %add3A_724 : i32
          %get3A_726 = arith.constant 3 : i32
          %get3A_727 = arith.index_cast %get3A_726 : i32 to index
          %get3A_728 = arith.index_cast %add3A_725 : i32 to index
          %get3A_729 = arith.constant 0 : index
          %get3A_730 = tpu.vector_load %arg6[%get3A_727, %get3A_728, %get3A_729] {strides = array<i32>} : memref<4x200x32xbf16, #tpu.memory_space<vmem>>, vector<32xbf16>,
          %unpack3A_731 = tpu.unpack_subelements %get3A_730, 0 {pack_format = #tpu.pack_format<interleaved>} : vector<32xbf16> -> vector<16xf32>
          %unpack3A_732 = tpu.unpack_subelements %get3A_730, 1 {pack_format = #tpu.pack_format<interleaved>} : vector<32xbf16> -> vector<16xf32>
          %add3A_733 = arith.constant 1 : i32
          %add3A_734 = arith.addi %add3A_725, %add3A_733 : i32
          %get3A_735 = arith.constant 3 : i32
          %get3A_736 = arith.index_cast %get3A_735 : i32 to index
          %get3A_737 = arith.index_cast %add3A_734 : i32 to index
          %get3A_738 = arith.constant 0 : index
          %get3A_739 = tpu.vector_load %arg6[%get3A_736, %get3A_737, %get3A_738] {strides = array<i32>} : memref<4x200x32xbf16, #tpu.memory_space<vmem>>, vector<32xbf16>,
          %unpack3A_740 = tpu.unpack_subelements %get3A_739, 0 {pack_format = #tpu.pack_format<interleaved>} : vector<32xbf16> -> vector<16xf32>
          %unpack3A_741 = tpu.unpack_subelements %get3A_739, 1 {pack_format = #tpu.pack_format<interleaved>} : vector<32xbf16> -> vector<16xf32>
          %add3A_742 = arith.addf %add3A_718, %unpack3A_731 : vector<16xf32>
          %add3A_743 = arith.addf %add3A_719, %unpack3A_732 : vector<16xf32>
          %add3A_744 = arith.addf %add3A_720, %unpack3A_740 : vector<16xf32>
          %add3A_745 = arith.addf %add3A_721, %unpack3A_741 : vector<16xf32>
          %mul3A_746 = arith.constant 16 : i32
          %mul3A_747 = arith.muli %scan3A_573, %mul3A_746 : i32
          %add3A_748 = arith.constant 14 : i32
          %add3A_749 = arith.addi %mul3A_747, %add3A_748 : i32
          %get3A_750 = arith.constant 3 : i32
          %get3A_751 = arith.index_cast %get3A_750 : i32 to index
          %get3A_752 = arith.index_cast %add3A_749 : i32 to index
          %get3A_753 = arith.constant 0 : index
          %get3A_754 = tpu.vector_load %arg6[%get3A_751, %get3A_752, %get3A_753] {strides = array<i32>} : memref<4x200x32xbf16, #tpu.memory_space<vmem>>, vector<32xbf16>,
          %unpack3A_755 = tpu.unpack_subelements %get3A_754, 0 {pack_format = #tpu.pack_format<interleaved>} : vector<32xbf16> -> vector<16xf32>
          %unpack3A_756 = tpu.unpack_subelements %get3A_754, 1 {pack_format = #tpu.pack_format<interleaved>} : vector<32xbf16> -> vector<16xf32>
          %add3A_757 = arith.constant 1 : i32
          %add3A_758 = arith.addi %add3A_749, %add3A_757 : i32
          %get3A_759 = arith.constant 3 : i32
          %get3A_760 = arith.index_cast %get3A_759 : i32 to index
          %get3A_761 = arith.index_cast %add3A_758 : i32 to index
          %get3A_762 = arith.constant 0 : index
          %get3A_763 = tpu.vector_load %arg6[%get3A_760, %get3A_761, %get3A_762] {strides = array<i32>} : memref<4x200x32xbf16, #tpu.memory_space<vmem>>, vector<32xbf16>,
          %unpack3A_764 = tpu.unpack_subelements %get3A_763, 0 {pack_format = #tpu.pack_format<interleaved>} : vector<32xbf16> -> vector<16xf32>
          %unpack3A_765 = tpu.unpack_subelements %get3A_763, 1 {pack_format = #tpu.pack_format<interleaved>} : vector<32xbf16> -> vector<16xf32>
          %add3A_766 = arith.addf %add3A_742, %unpack3A_755 : vector<16xf32>
          %add3A_767 = arith.addf %add3A_743, %unpack3A_756 : vector<16xf32>
          %add3A_768 = arith.addf %add3A_744, %unpack3A_764 : vector<16xf32>
          %add3A_769 = arith.addf %add3A_745, %unpack3A_765 : vector<16xf32>
          scf.yield %add3A_766, %add3A_767, %add3A_768, %add3A_769 : vector<16xf32>, vector<16xf32>, vector<16xf32>, vector<16xf32>
        }
        %scan3A_469 = arith.constant 12 : i32
        %get3A_470 = arith.constant 3 : i32
        %get3A_471 = arith.constant 192 : i32
        %get3A_472 = arith.index_cast %get3A_470 : i32 to index
        %get3A_473 = arith.index_cast %get3A_471 : i32 to index
        %get3A_474 = arith.constant 0 : index
        %get3A_475 = tpu.vector_load %arg6[%get3A_472, %get3A_473, %get3A_474] {strides = array<i32>} : memref<4x200x32xbf16, #tpu.memory_space<vmem>>, vector<32xbf16>,
        %unpack3A_476 = tpu.unpack_subelements %get3A_475, 0 {pack_format = #tpu.pack_format<interleaved>} : vector<32xbf16> -> vector<16xf32>
        %unpack3A_477 = tpu.unpack_subelements %get3A_475, 1 {pack_format = #tpu.pack_format<interleaved>} : vector<32xbf16> -> vector<16xf32>
        %get3A_478 = arith.constant 3 : i32
        %get3A_479 = arith.constant 193 : i32
        %get3A_480 = arith.index_cast %get3A_478 : i32 to index
        %get3A_481 = arith.index_cast %get3A_479 : i32 to index
        %get3A_482 = arith.constant 0 : index
        %get3A_483 = tpu.vector_load %arg6[%get3A_480, %get3A_481, %get3A_482] {strides = array<i32>} : memref<4x200x32xbf16, #tpu.memory_space<vmem>>, vector<32xbf16>,
        %unpack3A_484 = tpu.unpack_subelements %get3A_483, 0 {pack_format = #tpu.pack_format<interleaved>} : vector<32xbf16> -> vector<16xf32>
        %unpack3A_485 = tpu.unpack_subelements %get3A_483, 1 {pack_format = #tpu.pack_format<interleaved>} : vector<32xbf16> -> vector<16xf32>
        %add3A_486 = arith.addf %scan3A_468#0, %unpack3A_476 : vector<16xf32>
        %add3A_487 = arith.addf %scan3A_468#1, %unpack3A_477 : vector<16xf32>
        %add3A_488 = arith.addf %scan3A_468#2, %unpack3A_484 : vector<16xf32>
        %add3A_489 = arith.addf %scan3A_468#3, %unpack3A_485 : vector<16xf32>
        %get3A_490 = arith.constant 3 : i32
        %get3A_491 = arith.constant 194 : i32
        %get3A_492 = arith.index_cast %get3A_490 : i32 to index
        %get3A_493 = arith.index_cast %get3A_491 : i32 to index
        %get3A_494 = arith.constant 0 : index
        %get3A_495 = tpu.vector_load %arg6[%get3A_492, %get3A_493, %get3A_494] {strides = array<i32>} : memref<4x200x32xbf16, #tpu.memory_space<vmem>>, vector<32xbf16>,
        %unpack3A_496 = tpu.unpack_subelements %get3A_495, 0 {pack_format = #tpu.pack_format<interleaved>} : vector<32xbf16> -> vector<16xf32>
        %unpack3A_497 = tpu.unpack_subelements %get3A_495, 1 {pack_format = #tpu.pack_format<interleaved>} : vector<32xbf16> -> vector<16xf32>
        %get3A_498 = arith.constant 3 : i32
        %get3A_499 = arith.constant 195 : i32
        %get3A_500 = arith.index_cast %get3A_498 : i32 to index
        %get3A_501 = arith.index_cast %get3A_499 : i32 to index
        %get3A_502 = arith.constant 0 : index
        %get3A_503 = tpu.vector_load %arg6[%get3A_500, %get3A_501, %get3A_502] {strides = array<i32>} : memref<4x200x32xbf16, #tpu.memory_space<vmem>>, vector<32xbf16>,
        %unpack3A_504 = tpu.unpack_subelements %get3A_503, 0 {pack_format = #tpu.pack_format<interleaved>} : vector<32xbf16> -> vector<16xf32>
        %unpack3A_505 = tpu.unpack_subelements %get3A_503, 1 {pack_format = #tpu.pack_format<interleaved>} : vector<32xbf16> -> vector<16xf32>
        %add3A_506 = arith.addf %add3A_486, %unpack3A_496 : vector<16xf32>
        %add3A_507 = arith.addf %add3A_487, %unpack3A_497 : vector<16xf32>
        %add3A_508 = arith.addf %add3A_488, %unpack3A_504 : vector<16xf32>
        %add3A_509 = arith.addf %add3A_489, %unpack3A_505 : vector<16xf32>
        %get3A_510 = arith.constant 3 : i32
        %get3A_511 = arith.constant 196 : i32
        %get3A_512 = arith.index_cast %get3A_510 : i32 to index
        %get3A_513 = arith.index_cast %get3A_511 : i32 to index
        %get3A_514 = arith.constant 0 : index
        %get3A_515 = tpu.vector_load %arg6[%get3A_512, %get3A_513, %get3A_514] {strides = array<i32>} : memref<4x200x32xbf16, #tpu.memory_space<vmem>>, vector<32xbf16>,
        %unpack3A_516 = tpu.unpack_subelements %get3A_515, 0 {pack_format = #tpu.pack_format<interleaved>} : vector<32xbf16> -> vector<16xf32>
        %unpack3A_517 = tpu.unpack_subelements %get3A_515, 1 {pack_format = #tpu.pack_format<interleaved>} : vector<32xbf16> -> vector<16xf32>
        %get3A_518 = arith.constant 3 : i32
        %get3A_519 = arith.constant 197 : i32
        %get3A_520 = arith.index_cast %get3A_518 : i32 to index
        %get3A_521 = arith.index_cast %get3A_519 : i32 to index
        %get3A_522 = arith.constant 0 : index
        %get3A_523 = tpu.vector_load %arg6[%get3A_520, %get3A_521, %get3A_522] {strides = array<i32>} : memref<4x200x32xbf16, #tpu.memory_space<vmem>>, vector<32xbf16>,
        %unpack3A_524 = tpu.unpack_subelements %get3A_523, 0 {pack_format = #tpu.pack_format<interleaved>} : vector<32xbf16> -> vector<16xf32>
        %unpack3A_525 = tpu.unpack_subelements %get3A_523, 1 {pack_format = #tpu.pack_format<interleaved>} : vector<32xbf16> -> vector<16xf32>
        %add3A_526 = arith.addf %add3A_506, %unpack3A_516 : vector<16xf32>
        %add3A_527 = arith.addf %add3A_507, %unpack3A_517 : vector<16xf32>
        %add3A_528 = arith.addf %add3A_508, %unpack3A_524 : vector<16xf32>
        %add3A_529 = arith.addf %add3A_509, %unpack3A_525 : vector<16xf32>
        %get3A_530 = arith.constant 3 : i32
        %get3A_531 = arith.constant 198 : i32
        %get3A_532 = arith.index_cast %get3A_530 : i32 to index
        %get3A_533 = arith.index_cast %get3A_531 : i32 to index
        %get3A_534 = arith.constant 0 : index
        %get3A_535 = tpu.vector_load %arg6[%get3A_532, %get3A_533, %get3A_534] {strides = array<i32>} : memref<4x200x32xbf16, #tpu.memory_space<vmem>>, vector<32xbf16>,
        %unpack3A_536 = tpu.unpack_subelements %get3A_535, 0 {pack_format = #tpu.pack_format<interleaved>} : vector<32xbf16> -> vector<16xf32>
        %unpack3A_537 = tpu.unpack_subelements %get3A_535, 1 {pack_format = #tpu.pack_format<interleaved>} : vector<32xbf16> -> vector<16xf32>
        %get3A_538 = arith.constant 3 : i32
        %get3A_539 = arith.constant 199 : i32
        %get3A_540 = arith.index_cast %get3A_538 : i32 to index
        %get3A_541 = arith.index_cast %get3A_539 : i32 to index
        %get3A_542 = arith.constant 0 : index
        %get3A_543 = tpu.vector_load %arg6[%get3A_540, %get3A_541, %get3A_542] {strides = array<i32>} : memref<4x200x32xbf16, #tpu.memory_space<vmem>>, vector<32xbf16>,
        %unpack3A_544 = tpu.unpack_subelements %get3A_543, 0 {pack_format = #tpu.pack_format<interleaved>} : vector<32xbf16> -> vector<16xf32>
        %unpack3A_545 = tpu.unpack_subelements %get3A_543, 1 {pack_format = #tpu.pack_format<interleaved>} : vector<32xbf16> -> vector<16xf32>
        %add3A_546 = arith.addf %add3A_526, %unpack3A_536 : vector<16xf32>
        %add3A_547 = arith.addf %add3A_527, %unpack3A_537 : vector<16xf32>
        %add3A_548 = arith.addf %add3A_528, %unpack3A_544 : vector<16xf32>
        %add3A_549 = arith.addf %add3A_529, %unpack3A_545 : vector<16xf32>
        %add3A_550 = arith.constant 4 : i32
        %add3A_551 = arith.addi %add3A_450, %add3A_550 : i32
        %lt3A_552 = arith.constant 64 : i32
        %lt3A_553 = arith.cmpi slt, %add3A_551, %lt3A_552 : i32
        %convert_element_type3A_554 = arith.extui %lt3A_553 : i1 to i32
        %cond3A_555 = arith.constant 0 : i32
        %cond3A_556 = arith.cmpi ne, %convert_element_type3A_554, %cond3A_555 : i32
        scf.if %cond3A_556 {
          %add3A_573 = arith.constant 4 : i32
          %add3A_574 = arith.addi %add3A_450, %add3A_573 : i32
          %dma_start3A_575 = arith.constant 3 : i32
          %dma_start3A_576 = arith.constant 0 : i32
          %dma_start3A_577 = arith.constant 0 : i32
          %dma_start3A_578 = tpu.memref_slice %arg6[%dma_start3A_575, %dma_start3A_576, %dma_start3A_577] : memref<4x200x32xbf16, #tpu.memory_space<vmem>> -> memref<1x200x32xbf16, #tpu.memory_space<vmem>>
          %dma_start3A_579 = tpu.memref_squeeze %dma_start3A_578 : memref<1x200x32xbf16, #tpu.memory_space<vmem>> -> memref<200x32xbf16, #tpu.memory_space<vmem>>
          %dma_start3A_580 = arith.constant 0 : i32
          %dma_start3A_581 = tpu.memref_slice %arg5[%add3A_574, %dma_start3A_580] : memref<64x200xi32, #tpu.memory_space<vmem>> -> memref<1x200xi32, #tpu.memory_space<vmem>>
          %dma_start3A_582 = tpu.memref_squeeze %dma_start3A_581 : memref<1x200xi32, #tpu.memory_space<vmem>> -> memref<200xi32, #tpu.memory_space<vmem>>
          %dma_start3A_583 = arith.constant 0 : i32
          %dma_start3A_584 = arith.constant 0 : i32
          %dma_start3A_585 = tpu.memref_slice %arg9[%dma_start3A_583, %dma_start3A_584] : memref<10000x32xbf16, #tpu.memory_space<vmem_shared>> -> memref<10000x32xbf16, #tpu.memory_space<vmem_shared>>
          tpu.enqueue_indirect_dma source(%dma_start3A_585 : memref<10000x32xbf16, #tpu.memory_space<vmem_shared>>) target(%dma_start3A_579 : memref<200x32xbf16, #tpu.memory_space<vmem>>) offsets(%dma_start3A_582 : memref<200xi32, #tpu.memory_space<vmem>>) semaphore(%arg13 : memref<!tpu.dma_semaphore, #tpu.memory_space<semaphore_mem>>)
        } else {
        }
        %broadcast_in_dim3A_557 = arith.constant 1 : i32
        %broadcast_in_dim3A_558 = vector.broadcast %broadcast_in_dim3A_557 : i32 to vector<16xi32>
        %mul3A_559 = vector.broadcast %add3A_450 : i32 to vector<16xi32>
        %mul3A_560 = arith.muli %broadcast_in_dim3A_558, %mul3A_559 : vector<16xi32>
        %gather3A_561 = tpu.vector_load_idx %arg8[%mul3A_560] : memref<64xf32, #tpu.memory_space<vmem>>[vector<16xi32>], vector<16xf32>,
        %add3A_562 = arith.addf %add3A_546, %add3A_548 : vector<16xf32>
        %div3A_563 = arith.divf %add3A_562, %gather3A_561 : vector<16xf32>
        %swap3A_564 = arith.index_cast %add3A_450 : i32 to index
        %swap3A_565 = arith.constant 0 : index
        %swap3A_566 = tpu.vector_load %arg7[%swap3A_564, %swap3A_565] {strides = array<i32>} : memref<64x32xf32, #tpu.memory_space<vmem>>, vector<16xf32>,
        tpu.vector_store %arg7[%swap3A_564, %swap3A_565], %div3A_563 {strides = array<i32>} : memref<64x32xf32, #tpu.memory_space<vmem>>, vector<16xf32>,
        %add3A_567 = arith.addf %add3A_547, %add3A_549 : vector<16xf32>
        %div3A_568 = arith.divf %add3A_567, %gather3A_561 : vector<16xf32>
        %swap3A_569 = arith.index_cast %add3A_450 : i32 to index
        %swap3A_570 = arith.constant 16 : index
        %swap3A_571 = tpu.vector_load %arg7[%swap3A_569, %swap3A_570] {strides = array<i32>} : memref<64x32xf32, #tpu.memory_space<vmem>>, vector<16xf32>,
        tpu.vector_store %arg7[%swap3A_569, %swap3A_570], %div3A_568 {strides = array<i32>} : memref<64x32xf32, #tpu.memory_space<vmem>>, vector<16xf32>,
        %scan3A_572 = arith.constant 0 : i32
        scf.yield %scan3A_572 : i32
      }
      %scan3A_76 = arith.constant 16 : i32
      "tpu.region"() ({
        %run_scoped3A = tpu.sem_alloc : memref<!tpu.dma_semaphore, #tpu.memory_space<semaphore_mem>>
        %dma_start3A_78 = arith.constant 0 : i32
        %dma_start3A_79 = tpu.memref_slice %arg4[%add3A_15, %dma_start3A_78] : memref<16384x32xf32, #tpu.memory_space<hbm>> -> memref<64x32xf32, #tpu.memory_space<hbm>>
        %dma_start3A_80 = arith.constant 0 : i32
        %dma_start3A_81 = tpu.memref_slice %arg4[%add3A_15, %dma_start3A_80] : memref<16384x32xf32, #tpu.memory_space<hbm>> -> memref<64x32xf32, #tpu.memory_space<hbm>>
        tpu.enqueue_dma source(%arg7 : memref<64x32xf32, #tpu.memory_space<vmem>>) target(%dma_start3A_81 : memref<64x32xf32, #tpu.memory_space<hbm>>) target_semaphore(%run_scoped3A : memref<!tpu.dma_semaphore, #tpu.memory_space<semaphore_mem>>)
        %dma_wait3A = arith.constant 0 : i32
        %dma_wait3A_82 = tpu.memref_slice %arg4[%add3A_15, %dma_wait3A] : memref<16384x32xf32, #tpu.memory_space<hbm>> -> memref<64x32xf32, #tpu.memory_space<hbm>>
        %dma_wait3A_83 = arith.constant 0 : i32
        %dma_wait3A_84 = tpu.memref_slice %arg4[%add3A_15, %dma_wait3A_83] : memref<16384x32xf32, #tpu.memory_space<hbm>> -> memref<64x32xf32, #tpu.memory_space<hbm>>
        tpu.wait_dma2 semaphore(%run_scoped3A : memref<!tpu.dma_semaphore, #tpu.memory_space<semaphore_mem>>) src(%arg7 : memref<64x32xf32, #tpu.memory_space<vmem>>) dst(%dma_wait3A_84 : memref<64x32xf32, #tpu.memory_space<hbm>>)
        tpu.yield
      }) : () -> ()
      %scan3A_77 = arith.constant 0 : i32
      scf.yield %scan3A_77 : i32
    }
    %scan3A_10 = arith.constant 8 : i32
    return
  }
}

#map = affine_map<(d0, d1) -> (0)>
#map1 = affine_map<(d0, d1) -> (0, 0)>
module attributes {stable_mosaic.version = 14 : i64} {
  func.func @_title_kernel(%arg0: i32, %arg1: i32, %arg2: memref<16384xi32, #tpu.memory_space<hbm>>, %arg3: memref<100001x32xf32, #tpu.memory_space<hbm>>, %arg4: memref<16384x32xf32, #tpu.memory_space<hbm>>, %arg5: memref<16384x64xf32, #tpu.memory_space<hbm>>, %arg6: memref<512xi32, #tpu.memory_space<vmem>>, %arg7: memref<512x32xf32, #tpu.memory_space<vmem>>, %arg8: memref<512x32xf32, #tpu.memory_space<vmem>>, %arg9: memref<512x64xf32, #tpu.memory_space<vmem>>, %arg10: memref<!tpu.dma_semaphore, #tpu.memory_space<semaphore_mem>>, %arg11: memref<!tpu.dma_semaphore, #tpu.memory_space<semaphore_mem>>) attributes {dimension_semantics = [#tpu.dimension_semantics<core_parallel>, #tpu.dimension_semantics<subcore_parallel>], iteration_bounds = array<i64: 2, 16>, scalar_prefetch = 0 : i64, scratch_operands = 6 : i64, tpu.core_type = #tpu.core_type<sc_vector_subcore>, window_params = [{transform_indices = #map}, {transform_indices = #map1}, {transform_indices = #map1}, {transform_indices = #map1}]} {
    %mul3A = arith.constant 2 : i32
    %mul3A_0 = arith.muli %arg1, %mul3A : i32
    %add3A = arith.addi %mul3A_0, %arg0 : i32
    %mul3A_1 = arith.constant 512 : i32
    %mul3A_2 = arith.muli %add3A, %mul3A_1 : i32
    "tpu.region"() ({
      %run_scoped3A = tpu.sem_alloc : memref<!tpu.dma_semaphore, #tpu.memory_space<semaphore_mem>>
      %dma_start3A_21 = tpu.memref_slice %arg2[%mul3A_2] : memref<16384xi32, #tpu.memory_space<hbm>> -> memref<512xi32, #tpu.memory_space<hbm>>
      %dma_start3A_22 = tpu.memref_slice %arg2[%mul3A_2] : memref<16384xi32, #tpu.memory_space<hbm>> -> memref<512xi32, #tpu.memory_space<hbm>>
      tpu.enqueue_dma source(%dma_start3A_22 : memref<512xi32, #tpu.memory_space<hbm>>) target(%arg6 : memref<512xi32, #tpu.memory_space<vmem>>) target_semaphore(%run_scoped3A : memref<!tpu.dma_semaphore, #tpu.memory_space<semaphore_mem>>)
      %dma_wait3A_23 = tpu.memref_slice %arg2[%mul3A_2] : memref<16384xi32, #tpu.memory_space<hbm>> -> memref<512xi32, #tpu.memory_space<hbm>>
      %dma_wait3A_24 = tpu.memref_slice %arg2[%mul3A_2] : memref<16384xi32, #tpu.memory_space<hbm>> -> memref<512xi32, #tpu.memory_space<hbm>>
      tpu.wait_dma2 semaphore(%run_scoped3A : memref<!tpu.dma_semaphore, #tpu.memory_space<semaphore_mem>>) src(%dma_wait3A_24 : memref<512xi32, #tpu.memory_space<hbm>>) dst(%arg6 : memref<512xi32, #tpu.memory_space<vmem>>)
      tpu.yield
    }) : () -> ()
    %dma_start3A = arith.constant 0 : i32
    %dma_start3A_3 = arith.constant 0 : i32
    %dma_start3A_4 = tpu.memref_slice %arg3[%dma_start3A, %dma_start3A_3] : memref<100001x32xf32, #tpu.memory_space<hbm>> -> memref<100001x32xf32, #tpu.memory_space<hbm>>
    tpu.enqueue_indirect_dma source(%dma_start3A_4 : memref<100001x32xf32, #tpu.memory_space<hbm>>) target(%arg7 : memref<512x32xf32, #tpu.memory_space<vmem>>) offsets(%arg6 : memref<512xi32, #tpu.memory_space<vmem>>) semaphore(%arg10 : memref<!tpu.dma_semaphore, #tpu.memory_space<semaphore_mem>>)
    %dma_start3A_5 = arith.constant 0 : i32
    %dma_start3A_6 = tpu.memref_slice %arg4[%mul3A_2, %dma_start3A_5] : memref<16384x32xf32, #tpu.memory_space<hbm>> -> memref<512x32xf32, #tpu.memory_space<hbm>>
    %dma_start3A_7 = arith.constant 0 : i32
    %dma_start3A_8 = tpu.memref_slice %arg4[%mul3A_2, %dma_start3A_7] : memref<16384x32xf32, #tpu.memory_space<hbm>> -> memref<512x32xf32, #tpu.memory_space<hbm>>
    tpu.enqueue_dma source(%dma_start3A_8 : memref<512x32xf32, #tpu.memory_space<hbm>>) target(%arg8 : memref<512x32xf32, #tpu.memory_space<vmem>>) target_semaphore(%arg11 : memref<!tpu.dma_semaphore, #tpu.memory_space<semaphore_mem>>)
    %dma_wait3A = arith.constant 0 : i32
    %dma_wait3A_9 = arith.constant 0 : i32
    %dma_wait3A_10 = tpu.memref_slice %arg3[%dma_wait3A, %dma_wait3A_9] : memref<100001x32xf32, #tpu.memory_space<hbm>> -> memref<100001x32xf32, #tpu.memory_space<hbm>>
    tpu.wait_indirect_dma semaphore(%arg10 : memref<!tpu.dma_semaphore, #tpu.memory_space<semaphore_mem>>) src(%dma_wait3A_10 : memref<100001x32xf32, #tpu.memory_space<hbm>>) dst(%arg7 : memref<512x32xf32, #tpu.memory_space<vmem>>)
    %dma_wait3A_11 = arith.constant 0 : i32
    %dma_wait3A_12 = tpu.memref_slice %arg4[%mul3A_2, %dma_wait3A_11] : memref<16384x32xf32, #tpu.memory_space<hbm>> -> memref<512x32xf32, #tpu.memory_space<hbm>>
    %dma_wait3A_13 = arith.constant 0 : i32
    %dma_wait3A_14 = tpu.memref_slice %arg4[%mul3A_2, %dma_wait3A_13] : memref<16384x32xf32, #tpu.memory_space<hbm>> -> memref<512x32xf32, #tpu.memory_space<hbm>>
    tpu.wait_dma2 semaphore(%arg11 : memref<!tpu.dma_semaphore, #tpu.memory_space<semaphore_mem>>) src(%dma_wait3A_14 : memref<512x32xf32, #tpu.memory_space<hbm>>) dst(%arg8 : memref<512x32xf32, #tpu.memory_space<vmem>>)
    %scan3A = arith.constant 0 : i32
    %scan3A_15 = arith.constant 0 : i32
    %scan3A_16 = arith.constant 512 : i32
    %scan3A_17 = arith.addi %scan3A_15, %scan3A_16 : i32
    %scan3A_18 = arith.constant 1 : i32
    %scan3A_19 = scf.for %scan3A_21 = %scan3A_15 to %scan3A_17 step %scan3A_18 iter_args(%scan3A_22 = %scan3A) -> (i32)  : i32 {
      %get3A = arith.index_cast %scan3A_21 : i32 to index
      %get3A_23 = arith.constant 0 : index
      %get3A_24 = tpu.vector_load %arg7[%get3A, %get3A_23] {strides = array<i32>} : memref<512x32xf32, #tpu.memory_space<vmem>>, vector<16xf32>,
      %swap3A = arith.index_cast %scan3A_21 : i32 to index
      %swap3A_25 = arith.constant 0 : index
      %swap3A_26 = tpu.vector_load %arg9[%swap3A, %swap3A_25] {strides = array<i32>} : memref<512x64xf32, #tpu.memory_space<vmem>>, vector<16xf32>,
      tpu.vector_store %arg9[%swap3A, %swap3A_25], %get3A_24 {strides = array<i32>} : memref<512x64xf32, #tpu.memory_space<vmem>>, vector<16xf32>,
      %get3A_27 = arith.index_cast %scan3A_21 : i32 to index
      %get3A_28 = arith.constant 16 : index
      %get3A_29 = tpu.vector_load %arg7[%get3A_27, %get3A_28] {strides = array<i32>} : memref<512x32xf32, #tpu.memory_space<vmem>>, vector<16xf32>,
      %swap3A_30 = arith.index_cast %scan3A_21 : i32 to index
      %swap3A_31 = arith.constant 16 : index
      %swap3A_32 = tpu.vector_load %arg9[%swap3A_30, %swap3A_31] {strides = array<i32>} : memref<512x64xf32, #tpu.memory_space<vmem>>, vector<16xf32>,
      tpu.vector_store %arg9[%swap3A_30, %swap3A_31], %get3A_29 {strides = array<i32>} : memref<512x64xf32, #tpu.memory_space<vmem>>, vector<16xf32>,
      %get3A_33 = arith.index_cast %scan3A_21 : i32 to index
      %get3A_34 = arith.constant 0 : index
      %get3A_35 = tpu.vector_load %arg8[%get3A_33, %get3A_34] {strides = array<i32>} : memref<512x32xf32, #tpu.memory_space<vmem>>, vector<16xf32>,
      %swap3A_36 = arith.index_cast %scan3A_21 : i32 to index
      %swap3A_37 = arith.constant 32 : index
      %swap3A_38 = tpu.vector_load %arg9[%swap3A_36, %swap3A_37] {strides = array<i32>} : memref<512x64xf32, #tpu.memory_space<vmem>>, vector<16xf32>,
      tpu.vector_store %arg9[%swap3A_36, %swap3A_37], %get3A_35 {strides = array<i32>} : memref<512x64xf32, #tpu.memory_space<vmem>>, vector<16xf32>,
      %get3A_39 = arith.index_cast %scan3A_21 : i32 to index
      %get3A_40 = arith.constant 16 : index
      %get3A_41 = tpu.vector_load %arg8[%get3A_39, %get3A_40] {strides = array<i32>} : memref<512x32xf32, #tpu.memory_space<vmem>>, vector<16xf32>,
      %swap3A_42 = arith.index_cast %scan3A_21 : i32 to index
      %swap3A_43 = arith.constant 48 : index
      %swap3A_44 = tpu.vector_load %arg9[%swap3A_42, %swap3A_43] {strides = array<i32>} : memref<512x64xf32, #tpu.memory_space<vmem>>, vector<16xf32>,
      tpu.vector_store %arg9[%swap3A_42, %swap3A_43], %get3A_41 {strides = array<i32>} : memref<512x64xf32, #tpu.memory_space<vmem>>, vector<16xf32>,
      %scan3A_45 = arith.constant 0 : i32
      scf.yield %scan3A_45 : i32
    }
    %scan3A_20 = arith.constant 512 : i32
    "tpu.region"() ({
      %run_scoped3A = tpu.sem_alloc : memref<!tpu.dma_semaphore, #tpu.memory_space<semaphore_mem>>
      %dma_start3A_21 = arith.constant 0 : i32
      %dma_start3A_22 = tpu.memref_slice %arg5[%mul3A_2, %dma_start3A_21] : memref<16384x64xf32, #tpu.memory_space<hbm>> -> memref<512x64xf32, #tpu.memory_space<hbm>>
      %dma_start3A_23 = arith.constant 0 : i32
      %dma_start3A_24 = tpu.memref_slice %arg5[%mul3A_2, %dma_start3A_23] : memref<16384x64xf32, #tpu.memory_space<hbm>> -> memref<512x64xf32, #tpu.memory_space<hbm>>
      tpu.enqueue_dma source(%arg9 : memref<512x64xf32, #tpu.memory_space<vmem>>) target(%dma_start3A_24 : memref<512x64xf32, #tpu.memory_space<hbm>>) target_semaphore(%run_scoped3A : memref<!tpu.dma_semaphore, #tpu.memory_space<semaphore_mem>>)
      %dma_wait3A_25 = arith.constant 0 : i32
      %dma_wait3A_26 = tpu.memref_slice %arg5[%mul3A_2, %dma_wait3A_25] : memref<16384x64xf32, #tpu.memory_space<hbm>> -> memref<512x64xf32, #tpu.memory_space<hbm>>
      %dma_wait3A_27 = arith.constant 0 : i32
      %dma_wait3A_28 = tpu.memref_slice %arg5[%mul3A_2, %dma_wait3A_27] : memref<16384x64xf32, #tpu.memory_space<hbm>> -> memref<512x64xf32, #tpu.memory_space<hbm>>
      tpu.wait_dma2 semaphore(%run_scoped3A : memref<!tpu.dma_semaphore, #tpu.memory_space<semaphore_mem>>) src(%arg9 : memref<512x64xf32, #tpu.memory_space<vmem>>) dst(%dma_wait3A_28 : memref<512x64xf32, #tpu.memory_space<hbm>>)
      tpu.yield
    }) : () -> ()
    return
  }
}

</mosaic_0001>

<sc_bundles>
// kernel: kernel.4.cloned.1.call-start
scs
__scs_entry_jumppad:
0x0: {  	(pc) =	sbr.rel $0x88, $3  }
0x1: {  	(tag) =	ssettag $0x0;
	lr =	simm.s32 $0x1  }
0x2: {  	[smem:$0x3F9D] =	sst lr;
	_ =	strace $0xD0000000  }
0x3: {  	_ = 	snop  }
0x4: {  	_ = 	snop  }
0x5: {  	_ = 	snop  }
0x6: {  	_ = 	snop  }
0x7: {  	_ = 	snop  }
__scs_overlays_trampoline_lowered:
0x8: {  	[smem:$0x3FAC] =	sst s0  }
0x9: {  	[smem:$0x3FAD] =	sst s1  }
0xa: {  	[smem:$0x3FAE] =	sst s2  }
0xb: {  	[smem:$0x3FAF] =	sst s3  }
0xc: {  	[smem:$0x3FB0] =	sst s4  }
0xd: {  	[smem:$0x3FB1] =	sst s5  }
0xe: {  	[smem:$0x3FB2] =	sst s6  }
0xf: {  	[smem:$0x3FB3] =	sst s7  }
0x10: {  	[smem:$0x3FB4] =	sst s8  }
0x11: {  	[smem:$0x3FB5] =	sst s9;
	s0 =	simm.s32 @!p0 $0x0  }
0x12: {  	s1 =	sld [smem:$0x3F9B];
	s0 =	simm.s32 @p0 $0x1  }
0x13: {  	[smem:$0x3FB6] =	sst s0;
	s0 =	simm.s32 @!p1 $0x0  }
0x14: {  	s2 =	sld [smem:$0x3F9A];
	s0 =	simm.s32 @p1 $0x1  }
0x15: {  	[smem:$0x3FB7] =	sst s0;
	s0 =	simm.s32 @!p2 $0x0  }
0x16: {  	s3 =	sld [smem:$0x3FDB];
	s0 =	simm.s32 @p2 $0x1  }
0x17: {  	s4 =	simm.s32 $0x1BF5;
	[smem:$0x3FB9] =	sst s0  }
0x18: {  	s0 =	sld [smem:$0x3F9C];
	_ =	swait.ge [sflag:s4], $0x0  }
0x19: {  	s7 =	sld [smem:$0x3F9D]  }
0x1a: {  	s8 =	sadd.s32 $0xFFFFE003, lr  }
0x1b: {  	s9 =	sadd.s32 $0xFFFFFEF7, lr;
	s5 =	simm.s32 $0xFFFFFFFF;
	p2 =	slt.u32 s8, $0xFFFFF086  }
0x1c: {  	p1 =	slt.u32 s9, $0xF7A;
	s5 =	simm.s32 @!p2 $0x0  }
0x1d: {  	s5 =	simm.s32 @p1 $0x1;
	p0 =	seq.s32 s7, s2  }
0x1e: {  	s7 =	smul.u32 @!p0 $0xF7A, s2;
	p2 =	seq.s32 @!p0 s5, $0x0  }
0x1f: {  	s9 =	smul.u32 $0xF7A, s1;
	s8 =	simm.s32 @!p0 $0x1BF5;
	p2 =	por !p2, p0  }
0x20: {  	[sflag:s8] =	ssyncset.s32 @!p0 $0xFFFFF086;
	s6 =	sadd.s32 @!p0 s3, s7;
	s7 =	simm.s32 @!p0 $0x108  }
0x21: {  	s3 =	sadd.s32 s3, s9;
	s6 =	sadd.s32 @!p0 $0x88, s6;
	s7 =	simm.s32 @p2 $0x1082  }
0x22: {  	[simem:s7], [sflag:s8] =	dma.local @!p0 [hbm:s6], $0xF7A  }
0x23: {  	s9 =	sor.u32 $0xD0000000, s2;
	s6 =	simm.s32 $0x108;
	_ =	swait.ge @!p0 [sflag:s8], $0x0  }
0x24: {  	s3 =	sadd.s32 $0x88, s3;
	s6 =	simm.s32 @!p1 $0x1082;
	[sflag:s4] =	ssyncset.s32 $0xFFFFF086  }
0x25: {  	[simem:s6], [sflag:s4] =	dma.local [hbm:s3], $0xF7A  }
0x26: {  	[smem:$0x3F9D] =	sst s1;
	(tag) =	ssettag s2;
	_ =	strace s9  }
0x27: {  	s1 =	sld [smem:$0x3FAD]  }
0x28: {  	s2 =	sld [smem:$0x3FAE]  }
0x29: {  	s4 =	sld [smem:$0x3FB0]  }
0x2a: {  	p0 =	seq.s32 s5, $0x0;
	s5 =	sld [smem:$0x3FB1]  }
0x2b: {  	s6 =	sld [smem:$0x3FB2]  }
0x2c: {  	s7 =	sld [smem:$0x3FB3]  }
0x2d: {  	s3 =	simm.s32 $0x108;
	s8 =	sld [smem:$0x3FB4]  }
0x2e: {  	s3 =	simm.s32 @!p0 $0x1082;
	s9 =	sld [smem:$0x3FB5]  }
0x2f: {  	lr =	sadd.s32 s0, s3;
	s0 =	sld [smem:$0x3FAC]  }
0x30: {  	s3 =	sld [smem:$0x3FAF]  }
0x31: {  	[smem:$0x3FB8] =	sst s10  }
0x32: {  	s10 =	sld [smem:$0x3FB6];
	_ =	sdelay $0x3  }
0x33: {  	p0 =	seq.s32 s10, $0x1;
	s10 =	sld [smem:$0x3FB8];
	_ =	sdelay $0x3  }
0x34: {  	[smem:$0x3FB8] =	sst s10  }
0x35: {  	s10 =	sld [smem:$0x3FB7];
	_ =	sdelay $0x3  }
0x36: {  	p1 =	seq.s32 s10, $0x1;
	s10 =	sld [smem:$0x3FB8];
	_ =	sdelay $0x3  }
0x37: {  	[smem:$0x3FB8] =	sst s10  }
0x38: {  	s10 =	sld [smem:$0x3FB9]  }
0x39: {  	_ = 	snop;
	(pc) =	sbr.ind lr, $3  }
0x3a: {  	_ = 	snop  }
0x3b: {  	_ = 	snop  }
0x3c: {  	p2 =	seq.s32 s10, $0x1;
	s10 =	sld [smem:$0x3FB8]  }
0x3d: {  	_ =	shalt  }
0x3e: {  	_ =	shalt  }
0x3f: {  	_ =	shalt  }
0x40: {  	_ =	shalt  }
0x41: {  	_ =	shalt  }
0x42: {  	_ =	shalt  }
0x43: {  	_ =	shalt  }
0x44: {  	_ =	shalt  }
0x45: {  	_ =	shalt  }
0x46: {  	_ =	shalt  }
0x47: {  	_ =	shalt  }
0x48: {  	_ =	shalt  }
0x49: {  	_ =	shalt  }
0x4a: {  	_ =	shalt  }
0x4b: {  	_ =	shalt  }
0x4c: {  	_ =	shalt  }
0x4d: {  	_ =	shalt  }
0x4e: {  	_ =	shalt  }
0x4f: {  	_ =	shalt  }
0x50: {  	_ =	shalt  }
0x51: {  	_ =	shalt  }
0x52: {  	_ =	shalt  }
0x53: {  	_ =	shalt  }
0x54: {  	_ =	shalt  }
0x55: {  	_ =	shalt  }
0x56: {  	_ =	shalt  }
0x57: {  	_ =	shalt  }
0x58: {  	_ =	shalt  }
0x59: {  	_ =	shalt  }
0x5a: {  	_ =	shalt  }
0x5b: {  	_ =	shalt  }
0x5c: {  	_ =	shalt  }
0x5d: {  	_ =	shalt  }
0x5e: {  	_ =	shalt  }
0x5f: {  	_ =	shalt  }
0x60: {  	_ =	shalt  }
0x61: {  	_ =	shalt  }
0x62: {  	_ =	shalt  }
0x63: {  	_ =	shalt  }
0x64: {  	_ =	shalt  }
0x65: {  	_ =	shalt  }
0x66: {  	_ =	shalt  }
0x67: {  	_ =	shalt  }
0x68: {  	_ =	shalt  }
0x69: {  	_ =	shalt  }
0x6a: {  	_ =	shalt  }
0x6b: {  	_ =	shalt  }
0x6c: {  	_ =	shalt  }
0x6d: {  	_ =	shalt  }
0x6e: {  	_ =	shalt  }
0x6f: {  	_ =	shalt  }
0x70: {  	_ =	shalt  }
0x71: {  	_ =	shalt  }
0x72: {  	_ =	shalt  }
0x73: {  	_ =	shalt  }
0x74: {  	_ =	shalt  }
0x75: {  	_ =	shalt  }
0x76: {  	_ =	shalt  }
0x77: {  	_ =	shalt  }
0x78: {  	_ =	shalt  }
0x79: {  	_ =	shalt  }
0x7a: {  	_ =	shalt  }
0x7b: {  	_ =	shalt  }
0x7c: {  	_ =	shalt  }
0x7d: {  	_ =	shalt  }
0x7e: {  	_ =	shalt  }
0x7f: {  	_ =	shalt  }
0x80: {  	_ =	shalt  }
0x81: {  	_ =	shalt  }
0x82: {  	_ =	shalt  }
0x83: {  	_ =	shalt  }
0x84: {  	_ =	shalt  }
0x85: {  	_ =	shalt  }
0x86: {  	_ =	shalt  }
0x87: {  	_ =	shalt  }
.Lfunc_end0:
.L_simem_size_0:
called_computation_lowered:
.L_overlay_start_0:
0x88: {  	s2 =	sld [smem:$0x3FD9]  }
0x89: {  	s3 =	sld [smem:$0x3FFE];
	_ =	sdelay $0x1  }
0x8a: {  	s1 =	srdreg.scid  }
0x8b: {  	s0 =	sand.u32 $0x1, s1  }
0x8c: {  	s17 =	sshll.u32 s0, $0xA;
	s2 =	sadd.s32 s3, s2  }
0x8d: {  	s2 =	sadd.s32 s2, s17  }
0x8e: {  	[smem:$0x3FC4] =	sst s2  }
0x8f: {  	_ = 	snop  }
0x90: {  	s2 =	sld [smem:$0x3FD0];
	(tm) =	ssettm $0x1  }
0x91: {  	s18 =	sld [smem:$0x3FFB];
	_ =	sdelay $0x3  }
0x92: {  	_ =	strace s18  }
0x93: {  	s3 =	sld [smem:$0x3FFC];
	_ =	sdelay $0x3  }
0x94: {  	_ =	strace s3  }
0x95: {  	s3 =	sld [smem:$0x3FFD];
	_ =	sdelay $0x3  }
0x96: {  	_ =	strace s3  }
0x97: {  	_ =	strace $0x8FFFFFFF  }
0x98: {  	s19 =	sld [smem:$0x3FDB];
	_ =	sdelay $0x1  }
0x99: {  	s4 =	simm.s32 $_scs_section_size  }
0x9a: {  	s5 =	simm.s32 $_size__tile_overlayer_lowered;
	s6 =	simm.s32 $_tile_overlayer_lowered  }
0x9b: {  	s22 =	simm.s32 $0x1BFF;
	s21 =	sshll.u32 s6, $0x1;
	s3 =	sadd.s32 s4, s19  }
0x9c: {  	s7 =	simm.s32 $0x0;
	s20 =	sshll.u32 s5, $0x1;
	s5 =	sadd.s32 s21, s3  }
0x9d: {  	[timem:s7], [sflag:s22] =	dma.local [hbm:s5], s20  }
0x9e: {  	_ =	swait.ge [sflag:s22], s20  }
0x9f: {  	s4 =	ssub.s32 $0x0, s20;
	[sflag:s22] =	ssyncset.done $0x0  }
0xa0: {  	[sflag:s22] =	ssyncadd.s32 s4;
	_ =	sdelay $0x1  }
0xa1: {  	s23 =	simm.s32 $0x1B8B  }
0xa2: {  	_ =	swait.ge [sflag:s23], $0x1  }
0xa3: {  	[sflag:s23] =	ssyncset.done $0x0  }
0xa4: {  	s25 =	simm.s32 $0x1B8E;
	s24 =	sld [smem:$0x3FFE];
	[sflag:s23] =	ssyncadd.s32 $0xFFFFFFFF  }
0xa5: {  	s26 =	simm.s32 $execute0_lowered;
	[smem:$0x3FD2] =	sst s25  }
0xa6: {  	s5 =	sshll.u32 s26, $0x1;
	_ =	strace $0x80000046;
	[dreg:$0x1] =	wrdreg $0xFFFFFFFF  }
0xa7: {  	s28 =	simm.s32 $_size_execute0_lowered;
	s3 =	sadd.s32 s3, s5;
	[dreg:$0x0] =	wrdreg $0x0  }
0xa8: {  	s5 =	sshll.u32 s28, $0x1;
	[dreg:$0x2] =	wrdreg s3  }
0xa9: {  	[dreg:$0x3] =	wrdreg s5  }
0xaa: {  	[dreg:$0x4] =	wrdreg $0xC0  }
0xab: {  	_ =	task [dreg:s7], $0x5FFFF  }
0xac: {  	[dreg:$0x1] =	wrdreg $0xFFFFFFFF  }
0xad: {  	[dreg:$0x0] =	wrdreg $0x60  }
0xae: {  	[dreg:$0x2] =	wrdreg s24  }
0xaf: {  	[dreg:$0x3] =	wrdreg s2  }
0xb0: {  	[dreg:$0x4] =	wrdreg $0x6C400  }
0xb1: {  	[dreg:$0x5] =	wrdreg $0x9  }
0xb2: {  	_ =	task.clear_ibuf [dreg:s7], $0x6FFFF;
	_ =	strace $0x90000046  }
0xb3: {  	s29 =	simm.s32 $0x9;
	_ =	strace $0x80000048  }
0xb4: {  	_ =	swait.ge [sflag:s29], $0x1  }
0xb5: {  	[sflag:s29] =	ssyncadd.s32 $0xFFFFFFFF  }
0xb6: {  	_ =	strace $0x90000048  }
0xb7: {  	_ =	sfence  }
0xb8: {  	s30 =	sld [smem:$0x0];
	_ =	sdelay $0x2  }
0xb9: {  	s31 =	sshll.u32 s1, $0xD;
	s1 =	sshrl.u32 s1, $0x2  }
0xba: {  	s3 =	sand.u32 $0x4000, s31;
	s1 =	sadd.s32 s1, s30  }
0xbb: {  	s0 =	sor.u32 s3, s0;
	s1 =	sshll.u32 s1, $0x11  }
0xbc: {  	s0 =	sor.u32 s1, s0  }
0xbd: {  	s0 =	sadd.s32 $0x8F2B, s0  }
0xbe: {  	[sflag:s0] =	ssyncadd.remote.s32 $0x1  }
0xbf: {  	_ =	sfence.sel $0xFFFF  }
0xc0: {  	[dreg:$0x0] =	wrdreg $0xFFFFFFFF;
	(pc) =	sbr.abs _section_cstart, $3  }
0xc1: {  	[dreg:$0x1] =	wrdreg $0xFFFFFFFF  }
0xc2: {  	_ =	task.clear_ibuf [dreg:s7], $0x2FFFF;
	_ =	strace $0x9FFFFFFF  }
0xc3: {  	(tm) =	ssettm $0x7FFFFFFF  }
tec
execute0_lowered:
.L_overlay_start_1:
0x0: {  	(tag) =	ssettag $0x1  }
0x1: {  	s5 =	rddreg [dreg:$0x0]  }
0x2: {  	s2 =	rddreg [dreg:$0x2];
	s4 =	srdreg.scid;
	s3 =	simm.s32 $0x0  }
0x3: {  	s9 =	stileid.u32;
	s10 =	simm.s32 $0xC8;
	s11 =	simm.s32 $0x3200  }
0x4: {  	s12 =	simm.s32 $0x3E80;
	s13 =	simm.s32 $0x190;
	s14 =	simm.s32 $0x4B00  }
0x5: {  	s15 =	simm.s32 $0x258;
	s16 =	simm.s32 $0x5780;
	s17 =	simm.s32 $0x1  }
0x6: {  	s18 =	simm.s32 $0x6C00;
	s19 =	simm.s32 $0x2;
	s20 =	simm.s32 $0x3  }
0x7: {  	v0 =	vlaneseq.u32;
	s21 =	simm.s32 $0x4;
	s22 =	simm.s32 $0x6400;
	s23 =	simm.s32 $0x0  }
0x8: {  	s6 =	sand.u32 $0x1, s4;
	[smem:$0x7FF] =	sst s3;
	s4 =	sadd.s32 $0x1C00, s5;
	v0 =	vmul.u32 $0xC8, v0  }
0x9: {  	s5 =	sadd.s32 $0x65C00, s5;
	s31 =	sshll.u32 s9, $0xA;
	s7 =	ssub.s32 $0x2, s6  }
0xa: {  	v1 =	vimm.f32 $1.000000000e+00;
	p0 =	sne.s32 s9, $0x0;
	s9 =	simm.s32 $0x5;
	s8 =	sshrl.u32 s7, $0x1;
	v2 =	vor.u32 $0x1, v0  }
0xb: {  	_ =	strace $0x80000047;
	s6 =	sshll.u32 s6, $0x9;
	v3 =	vor.u32 $0x2, v0;
	v4 =	vor.u32 $0x3, v0;
	v5 =	vor.u32 $0x4, v0;
	s7 =	ssub.s32 s7, s8  }
0xc: {  	s6 =	sor.u32 s6, s31;
	v6 =	vor.u32 $0x5, v0;
	v7 =	vor.u32 $0x6, v0;
	v8 =	vor.u32 $0x7, v0;
	s8 =	sshrl.u32 @!p0 s2, $0x3;
	s7 =	smax.u32 s7, $0x1  }
.LBB2_1:
0xd: {  	s24 =	simm.s32 @!p0 $0x1C05;
	s0 =	rddreg [dreg:$0x1]  }
0xe: {  	[spmem:s8], [sflag:s24] =	dma.local @!p0 [hbm:s0], $0x4E20  }
0xf: {  	s24 =	simm.s32 @!p0 $0x5  }
0x10: {  	_ =	swait.ge @!p0 [sflag:s24], $0x4E20  }
0x11: {  	[sflag:s24] =	ssyncset.done @!p0 $0x0  }
0x12: {  	[sflag:s24] =	ssyncadd.s32 @!p0 $0xFFFFB1E0  }
0x13: {  	s24 =	simm.s32 $0x0;
	[bflag:$0x0] =	sbarrier.arrive $0xFFFF  }
.LBB2_2:
0x14: {  	s25 =	sshll.u32 s24, $0x6  }
0x15: {  	s25 =	sadd.s32 s6, s25  }
0x16: {  	s26 =	smul.u32 $0x19, s25;
	_ =	sdelay $0x1  }
0x17: {  	s28 =	simm.s32 $0x0;
	s26 =	sadd.s32 s4, s26  }
0x18: {  	[tilespmem:s28], [sflag:$0x5] =	stream.linear.gather [hbm4b:s26+s28], $0x3200, $0x38;
	[tilespmem:$0x9350] =	vst v63  }
0x19: {  	_ =	swait.ge [sflag:s9], $0x3200  }
0x1a: {  	[sflag:s9] =	ssyncset.done $0x0  }
0x1b: {  	[sflag:s9] =	ssyncadd.s32 $0xFFFFCE00  }
0x1c: {  	[tilespmem:s11], [sflag:$0x1] =	stream.indirect.gather [spmem:s2], $0x10, s28, s10, $0xb8;
	[tilespmem:$0x9350] =	vst v63  }
0x1d: {  	_ = 	snop  }
0x1e: {  	[tilespmem:s12], [sflag:$0x2] =	stream.indirect.gather [spmem:s2], $0x10, s10, s10, $0xb8;
	[tilespmem:$0x9350] =	vst v63  }
0x1f: {  	_ = 	snop  }
0x20: {  	[tilespmem:s14], [sflag:$0x3] =	stream.indirect.gather [spmem:s2], $0x10, s13, s10, $0xb8;
	[tilespmem:$0x9350] =	vst v63  }
0x21: {  	s29 =	simm.s32 $0x0  }
0x22: {  	[tilespmem:s16], [sflag:$0x4] =	stream.indirect.gather [spmem:s2], $0x10, s15, s10, $0xb8;
	[tilespmem:$0x9350] =	vst v63  }
.LBB2_3:
0x23: {  	s26 =	sshll.u32 s29, $0x4  }
0x24: {  	v10 =	vmov s28;
	v9 =	vmov s26  }
0x25: {  	v10 =	vshrl.u32 v10, $0x3;
	v9 =	vmul.u32 $0xC8, v9  }
0x26: {  	v10 =	vshll.u32 v10, $0x3  }
0x27: {  	v10 =	vadd.s32 v9, v10  }
0x28: {  	v10 =	vbroadcast v10, $0x0;
	_ =	sdelay $0x1  }
0x29: {  	v11 =	vadd.s32 v0, v10;
	_ =	sdelay $0x1  }
0x2a: {  	v12 =	vadd.s32 v2, v10;
	_ =	sdelay $0x1  }
0x2b: {  	v13 =	vadd.s32 v3, v10  }
0x2c: {  	v11 =	vld.idx.msk [tilespmem:v11+s3+$0x0], $0xffff  }
0x2d: {  	v14 =	vadd.s32 v4, v10  }
0x2e: {  	v12 =	vld.idx.msk [tilespmem:v12+s3+$0x0], $0xffff  }
0x2f: {  	s30 =	simm.s32 $0x8;
	v15 =	vadd.s32 v5, v10  }
0x30: {  	v16 =	vmov s30;
	v13 =	vld.idx.msk [tilespmem:v13+s3+$0x0], $0xffff  }
0x31: {  	v16 =	vshrl.u32 v16, $0x3;
	v17 =	vadd.s32 v6, v10;
	vm0 =	veq.s32 v11, $0x0  }
0x32: {  	v19 =	vadd.s32 v7, v10;
	v14 =	vld.idx.msk [tilespmem:v14+s3+$0x0], $0xffff;
	v11 =	vimm.f32 $0.0e+00;
	v18 =	vsel vm0, $0x0, v1  }
0x33: {  	vm9 =	veq.s32 v12, $0x0;
	v12 =	vshll.u32 v16, $0x3;
	v11 =	vadd.f32 v18, v11  }
0x34: {  	v15 =	vld.idx.msk [tilespmem:v15+s3+$0x0], $0xffff;
	v16 =	vsel vm9, $0x0, v1;
	v18 =	vadd.s32 v8, v10;
	v10 =	vadd.s32 v9, v12  }
0x35: {  	vm10 =	veq.s32 v13, $0x0;
	v10 =	vbroadcast v10, $0x0;
	v11 =	vadd.f32 v16, v11  }
0x36: {  	v13 =	vsel vm10, $0x0, v1;
	v12 =	vld.idx.msk [tilespmem:v17+s3+$0x0], $0xffff  }
0x37: {  	vm11 =	veq.s32 v14, $0x0;
	v16 =	vadd.s32 v0, v10;
	v11 =	vadd.f32 v13, v11  }
0x38: {  	v14 =	vsel vm11, $0x0, v1;
	v13 =	vld.idx.msk [tilespmem:v19+s3+$0x0], $0xffff  }
0x39: {  	vm12 =	veq.s32 v15, $0x0;
	v11 =	vadd.f32 v14, v11;
	v14 =	vadd.s32 v2, v10  }
0x3a: {  	v15 =	vsel vm12, $0x0, v1;
	v18 =	vld.idx.msk [tilespmem:v18+s3+$0x0], $0xffff  }
0x3b: {  	v19 =	vadd.s32 v3, v10;
	vm13 =	veq.s32 v12, $0x0;
	v11 =	vadd.f32 v15, v11  }
0x3c: {  	v12 =	vsel vm13, $0x0, v1;
	v15 =	vld.idx.msk [tilespmem:v16+s3+$0x0], $0xffff;
	v16 =	vadd.s32 v4, v10  }
0x3d: {  	vm14 =	veq.s32 v13, $0x0;
	v11 =	vadd.f32 v12, v11  }
0x3e: {  	v13 =	vadd.s32 v5, v10;
	v17 =	vsel vm14, $0x0, v1;
	v12 =	vld.idx.msk [tilespmem:v14+s3+$0x0], $0xffff  }
0x3f: {  	s30 =	simm.s32 $0x10;
	vm15 =	veq.s32 v18, $0x0;
	v17 =	vadd.f32 v17, v11  }
0x40: {  	v18 =	vmov s30;
	s30 =	simm.s32 $0x18;
	v14 =	vadd.s32 v6, v10;
	v11 =	vld.idx.msk [tilespmem:v19+s3+$0x0], $0xffff;
	v19 =	vsel vm15, $0x0, v1  }
.LBB2_4:
0x41: {  	p1 =	sne.s32 s30, $0xC0;
	v18 =	vshrl.u32 v18, $0x3;
	vm0 =	veq.s32 v15, $0x0;
	v15 =	vld.idx.msk [tilespmem:v16+s3+$0x0], $0xffff;
	v16 =	vadd.f32 v19, v17  }
0x42: {  	v19 =	vadd.s32 v7, v10;
	v17 =	vshll.u32 v18, $0x3;
	v18 =	vsel vm0, $0x0, v1  }
0x43: {  	vm0 =	veq.s32 v12, $0x0;
	v17 =	vadd.s32 v9, v17;
	v16 =	vadd.f32 v18, v16;
	v12 =	vld.idx.msk [tilespmem:v13+s3+$0x0], $0xffff  }
0x44: {  	v13 =	vsel vm0, $0x0, v1;
	v18 =	vadd.s32 v8, v10;
	v10 =	vbroadcast v17, $0x0  }
0x45: {  	vm0 =	veq.s32 v11, $0x0;
	v13 =	vadd.f32 v13, v16;
	v11 =	vld.idx.msk [tilespmem:v14+s3+$0x0], $0xffff  }
0x46: {  	v16 =	vsel vm0, $0x0, v1;
	v14 =	vadd.s32 v0, v10  }
0x47: {  	vm0 =	veq.s32 v15, $0x0;
	v13 =	vadd.f32 v16, v13;
	v17 =	vld.idx.msk [tilespmem:v19+s3+$0x0], $0xffff  }
0x48: {  	v19 =	vadd.s32 v2, v10;
	v15 =	vsel vm0, $0x0, v1  }
0x49: {  	vm0 =	veq.s32 v12, $0x0;
	v13 =	vadd.f32 v15, v13;
	v18 =	vld.idx.msk [tilespmem:v18+s3+$0x0], $0xffff  }
0x4a: {  	v20 =	vadd.s32 v3, v10;
	v12 =	vsel vm0, $0x0, v1  }
0x4b: {  	vm0 =	veq.s32 v11, $0x0;
	v15 =	vld.idx.msk [tilespmem:v14+s3+$0x0], $0xffff;
	v13 =	vadd.f32 v12, v13  }
.Ltmp0:
0x4c: {  	v16 =	vadd.s32 v4, v10;
	v11 =	vsel vm0, $0x0, v1;
	(pc) =	sbr.rel @p1 .LBB2_4-.Ltmp0, $4  }
0x4d: {  	vm0 =	veq.s32 v17, $0x0;
	v12 =	vld.idx.msk [tilespmem:v19+s3+$0x0], $0xffff;
	v14 =	vadd.f32 v11, v13  }
0x4e: {  	v13 =	vadd.s32 v5, v10;
	v17 =	vsel vm0, $0x0, v1  }
0x4f: {  	vm0 =	veq.s32 v18, $0x0;
	v11 =	vld.idx.msk [tilespmem:v20+s3+$0x0], $0xffff;
	v17 =	vadd.f32 v17, v14  }
0x50: {  	v18 =	vmov s30;
	s30 =	sadd.s32 $0x8, s30;
	v14 =	vadd.s32 v6, v10;
	v19 =	vsel vm0, $0x0, v1  }
0x51: {  	_ =	sdelay $0x2  }
0x52: {  	vm0 =	veq.s32 v15, $0x0;
	v39 =	vadd.f32 v19, v17  }
0x53: {  	v18 =	vshrl.u32 v18, $0x3;
	v16 =	vld.idx.msk [tilespmem:v16+s3+$0x0], $0xffff;
	v42 =	vadd.s32 v7, v10;
	v41 =	vsel vm0, $0x0, v1  }
0x54: {  	v40 =	vshll.u32 v18, $0x3;
	vm13 =	veq.s32 v12, $0x0;
	v15 =	vadd.f32 v41, v39  }
0x55: {  	v43 =	vld.idx.msk [tilespmem:v13+s3+$0x0], $0xffff;
	v10 =	vadd.s32 v8, v10;
	v9 =	vadd.s32 v9, v40;
	v44 =	vsel vm13, $0x0, v1  }
0x56: {  	v9 =	vbroadcast v9, $0x0;
	vm14 =	veq.s32 v11, $0x0;
	v13 =	vadd.f32 v44, v15  }
0x57: {  	v11 =	vld.idx.msk [tilespmem:v14+s3+$0x0], $0xffff;
	v45 =	vsel vm14, $0x0, v1  }
0x58: {  	v46 =	vadd.s32 v0, v9;
	vm15 =	veq.s32 v16, $0x0;
	v13 =	vadd.f32 v45, v13  }
0x59: {  	v47 =	vld.idx.msk [tilespmem:v42+s3+$0x0], $0xffff;
	v16 =	vsel vm15, $0x0, v1  }
0x5a: {  	v48 =	vadd.s32 v2, v9;
	vm4 =	veq.s32 v43, $0x0;
	v13 =	vadd.f32 v16, v13  }
0x5b: {  	v10 =	vld.idx.msk [tilespmem:v10+s3+$0x0], $0xffff;
	v12 =	vsel vm4, $0x0, v1  }
0x5c: {  	v49 =	vadd.s32 v3, v9;
	vm5 =	veq.s32 v11, $0x0;
	v12 =	vadd.f32 v12, v13  }
0x5d: {  	v50 =	vsel vm5, $0x0, v1;
	v11 =	vld.idx.msk [tilespmem:v46+s3+$0x0], $0xffff  }
0x5e: {  	v51 =	vadd.s32 v4, v9;
	vm6 =	veq.s32 v47, $0x0;
	v12 =	vadd.f32 v50, v12  }
0x5f: {  	v52 =	vld.idx.msk [tilespmem:v48+s3+$0x0], $0xffff;
	v14 =	vsel vm6, $0x0, v1  }
0x60: {  	v53 =	vadd.s32 v5, v9;
	vm7 =	veq.s32 v10, $0x0;
	v12 =	vadd.f32 v14, v12  }
0x61: {  	v10 =	vld.idx.msk [tilespmem:v49+s3+$0x0], $0xffff;
	v54 =	vsel vm7, $0x0, v1  }
0x62: {  	v55 =	vadd.s32 v6, v9;
	vm8 =	veq.s32 v11, $0x0;
	v11 =	vadd.f32 v54, v12  }
0x63: {  	v56 =	vld.idx.msk [tilespmem:v51+s3+$0x0], $0xffff;
	v57 =	vsel vm8, $0x0, v1  }
0x64: {  	v58 =	vadd.s32 v7, v9;
	vm9 =	veq.s32 v52, $0x0;
	v11 =	vadd.f32 v57, v11  }
0x65: {  	v59 =	vld.idx.msk [tilespmem:v53+s3+$0x0], $0xffff;
	v60 =	vsel vm9, $0x0, v1  }
0x66: {  	v9 =	vadd.s32 v8, v9;
	vm10 =	veq.s32 v10, $0x0;
	v11 =	vadd.f32 v60, v11  }
0x67: {  	v10 =	vld.idx.msk [tilespmem:v55+s3+$0x0], $0xffff;
	v61 =	vsel vm10, $0x0, v1  }
0x68: {  	vm11 =	veq.s32 v56, $0x0;
	v11 =	vadd.f32 v61, v11  }
0x69: {  	v62 =	vld.idx.msk [tilespmem:v58+s3+$0x0], $0xffff;
	v63 =	vsel vm11, $0x0, v1  }
0x6a: {  	vm12 =	veq.s32 v59, $0x0;
	v11 =	vadd.f32 v63, v11  }
0x6b: {  	v9 =	vld.idx.msk [tilespmem:v9+s3+$0x0], $0xffff;
	v13 =	vsel vm12, $0x0, v1  }
0x6c: {  	vm13 =	veq.s32 v10, $0x0;
	v11 =	vadd.f32 v13, v11  }
0x6d: {  	v10 =	vsel vm13, $0x0, v1  }
0x6e: {  	vm14 =	veq.s32 v62, $0x0;
	v10 =	vadd.f32 v10, v11  }
0x6f: {  	s29 =	sadd.s32 $0x1, s29;
	v11 =	vsel vm14, $0x0, v1  }
0x70: {  	p1 =	sne.s32 s29, $0x4;
	vm15 =	veq.s32 v9, $0x0;
	v10 =	vadd.f32 v11, v10  }
.Ltmp1:
0x71: {  	v9 =	vsel vm15, $0x0, v1;
	(pc) =	sbr.rel @p1 .LBB2_3-.Ltmp1, $3  }
0x72: {  	v9 =	vadd.f32 v9, v10;
	_ =	sdelay $0x1  }
0x73: {  	v9 =	vmax.f32 v9, $1.000000000e+00  }
0x74: {  	[tilespmem:s26+$0x6C00] =	vst v9;
	s26 =	simm.s32 $0x0  }
.LBB2_6:
0x75: {  	_ =	swait.ge [sflag:s17], $0xC80  }
0x76: {  	[sflag:s17] =	ssyncset.done $0x0  }
0x77: {  	s28 =	simm.s32 $0x0;
	[sflag:s17] =	ssyncadd.s32 $0xFFFFF380  }
0x78: {  	v10 =	vld [tilespmem:s28+$0x32E0]  }
0x79: {  	v13 =	vld [tilespmem:s28+$0x32C0]  }
0x7a: {  	v12 =	vld [tilespmem:s28+$0x32A0]  }
0x7b: {  	v19 =	vld [tilespmem:s28+$0x3280]  }
0x7c: {  	v18 =	vld [tilespmem:s28+$0x3260]  }
0x7d: {  	v16 =	vld [tilespmem:s28+$0x3240]  }
0x7e: {  	v21 =	vld [tilespmem:s28+$0x3220]  }
0x7f: {  	v11 =	vimm.f32 $0.0e+00;
	v17 =	vimm.f32 $0.0e+00;
	v14 =	vimm.f32 $0.0e+00;
	v20 =	vld [tilespmem:s28+$0x3200]  }
0x80: {  	s29 =	simm.s32 $0x400;
	v15 =	vimm.f32 $0.0e+00;
	v22 =	vld [tilespmem:s28+$0x3210];
	v9 =	vunpack.i.u.bf16.f32 v10;
	v10 =	vunpack.i.l.bf16.f32 v10  }
.LBB2_7:
0x81: {  	p1 =	sne.s32 s29, $0x2C00;
	v23 =	vunpack.i.u.bf16.f32 v12;
	v24 =	vunpack.i.u.bf16.f32 v13;
	v25 =	vunpack.i.l.bf16.f32 v13  }
0x82: {  	v26 =	vunpack.i.u.bf16.f32 v19;
	v19 =	vunpack.i.l.bf16.f32 v19;
	v27 =	vunpack.i.l.bf16.f32 v12;
	v13 =	vld [tilespmem:s28+$0x3230]  }
0x83: {  	v28 =	vunpack.i.u.bf16.f32 v18;
	v18 =	vunpack.i.l.bf16.f32 v18;
	v12 =	vunpack.i.u.bf16.f32 v16  }
0x84: {  	v16 =	vunpack.i.l.bf16.f32 v16;
	v29 =	vunpack.i.u.bf16.f32 v21;
	v21 =	vunpack.i.l.bf16.f32 v21;
	v30 =	vld [tilespmem:s28+$0x3250]  }
0x85: {  	v31 =	vunpack.i.u.bf16.f32 v20;
	v20 =	vunpack.i.l.bf16.f32 v20;
	v32 =	vunpack.i.u.bf16.f32 v22  }
0x86: {  	v22 =	vunpack.i.l.bf16.f32 v22;
	v11 =	vadd.f32 v20, v11;
	v17 =	vadd.f32 v31, v17;
	v20 =	vld [tilespmem:s28+$0x3270]  }
0x87: {  	v14 =	vadd.f32 v22, v14;
	v15 =	vadd.f32 v32, v15;
	v22 =	vunpack.i.u.bf16.f32 v13  }
0x88: {  	v13 =	vunpack.i.l.bf16.f32 v13;
	v11 =	vadd.f32 v21, v11;
	v17 =	vadd.f32 v29, v17;
	v21 =	vld [tilespmem:s28+$0x3290]  }
0x89: {  	v13 =	vadd.f32 v13, v14;
	v14 =	vadd.f32 v22, v15;
	v15 =	vunpack.i.u.bf16.f32 v30  }
0x8a: {  	v22 =	vunpack.i.l.bf16.f32 v30;
	v11 =	vadd.f32 v16, v11;
	v12 =	vadd.f32 v12, v17;
	v16 =	vld [tilespmem:s28+$0x32B0]  }
0x8b: {  	v13 =	vadd.f32 v22, v13;
	v14 =	vadd.f32 v15, v14;
	v15 =	vunpack.i.u.bf16.f32 v20  }
0x8c: {  	s30 =	sshra.s32 s29, $0x2;
	v17 =	vunpack.i.l.bf16.f32 v20;
	v11 =	vadd.f32 v18, v11;
	v12 =	vadd.f32 v28, v12;
	v20 =	vld [tilespmem:s28+$0x32D0]  }
0x8d: {  	v17 =	vadd.f32 v17, v13;
	v14 =	vadd.f32 v15, v14;
	v28 =	vld [tilespmem:s30+$0x32E0];
	v15 =	vunpack.i.u.bf16.f32 v21  }
0x8e: {  	v18 =	vunpack.i.l.bf16.f32 v21;
	v11 =	vadd.f32 v19, v11;
	v19 =	vadd.f32 v26, v12;
	v22 =	vld [tilespmem:s28+$0x32F0];
	s28 =	smov.u32 s30  }
0x8f: {  	v17 =	vadd.f32 v18, v17;
	v14 =	vadd.f32 v15, v14;
	v13 =	vld [tilespmem:s28+$0x32C0];
	v15 =	vunpack.i.u.bf16.f32 v16  }
0x90: {  	v16 =	vunpack.i.l.bf16.f32 v16;
	v11 =	vadd.f32 v27, v11;
	v21 =	vadd.f32 v23, v19;
	v12 =	vld [tilespmem:s28+$0x32A0]  }
0x91: {  	v17 =	vadd.f32 v16, v17;
	v14 =	vadd.f32 v15, v14;
	v19 =	vld [tilespmem:s28+$0x3280];
	v15 =	vunpack.i.u.bf16.f32 v20  }
.Ltmp2:
0x92: {  	v20 =	vunpack.i.l.bf16.f32 v20;
	v11 =	vadd.f32 v25, v11;
	v23 =	vadd.f32 v24, v21;
	v18 =	vld [tilespmem:s28+$0x3260];
	(pc) =	sbr.rel @p1 .LBB2_7-.Ltmp2, $4  }
0x93: {  	v24 =	vadd.f32 v20, v17;
	v15 =	vadd.f32 v15, v14;
	v16 =	vld [tilespmem:s28+$0x3240];
	v25 =	vunpack.i.u.bf16.f32 v22  }
0x94: {  	v14 =	vunpack.i.l.bf16.f32 v22;
	v11 =	vadd.f32 v10, v11;
	v17 =	vadd.f32 v9, v23;
	v21 =	vld [tilespmem:s28+$0x3220]  }
0x95: {  	v14 =	vadd.f32 v14, v24;
	v15 =	vadd.f32 v25, v15;
	v20 =	vld [tilespmem:s28+$0x3200]  }
0x96: {  	s29 =	sadd.s32 $0x400, s29;
	v9 =	vunpack.i.u.bf16.f32 v28;
	v10 =	vunpack.i.l.bf16.f32 v28;
	v22 =	vld [tilespmem:s28+$0x3210]  }
0x97: {  	v23 =	vunpack.i.u.bf16.f32 v12;
	v24 =	vunpack.i.u.bf16.f32 v13;
	v13 =	vunpack.i.l.bf16.f32 v13  }
0x98: {  	v25 =	vld [tilespmem:s28+$0x3230];
	v26 =	vunpack.i.u.bf16.f32 v19;
	v19 =	vunpack.i.l.bf16.f32 v19;
	v12 =	vunpack.i.l.bf16.f32 v12  }
0x99: {  	v28 =	vunpack.i.u.bf16.f32 v18;
	v18 =	vunpack.i.l.bf16.f32 v18;
	v27 =	vunpack.i.u.bf16.f32 v16  }
0x9a: {  	v30 =	vld [tilespmem:s28+$0x3250];
	v16 =	vunpack.i.l.bf16.f32 v16;
	v29 =	vunpack.i.u.bf16.f32 v21;
	v21 =	vunpack.i.l.bf16.f32 v21  }
0x9b: {  	v31 =	vunpack.i.u.bf16.f32 v20;
	v20 =	vunpack.i.l.bf16.f32 v20;
	v32 =	vunpack.i.u.bf16.f32 v22  }
0x9c: {  	v22 =	vunpack.i.l.bf16.f32 v22;
	v11 =	vadd.f32 v20, v11;
	v17 =	vadd.f32 v31, v17;
	v20 =	vld [tilespmem:s28+$0x3270]  }
0x9d: {  	v14 =	vadd.f32 v22, v14;
	v15 =	vadd.f32 v32, v15;
	v22 =	vunpack.i.u.bf16.f32 v25  }
0x9e: {  	v25 =	vunpack.i.l.bf16.f32 v25;
	v11 =	vadd.f32 v21, v11;
	v17 =	vadd.f32 v29, v17;
	v21 =	vld [tilespmem:s28+$0x3290]  }
0x9f: {  	v59 =	vunpack.i.l.bf16.f32 v30;
	v14 =	vadd.f32 v25, v14;
	v15 =	vadd.f32 v22, v15  }
0xa0: {  	v22 =	vunpack.i.u.bf16.f32 v30;
	v11 =	vadd.f32 v16, v11;
	v16 =	vadd.f32 v27, v17  }
0xa1: {  	v17 =	vld [tilespmem:s28+$0x32B0];
	v14 =	vadd.f32 v59, v14;
	v15 =	vadd.f32 v22, v15;
	v22 =	vunpack.i.u.bf16.f32 v20  }
0xa2: {  	v60 =	vld [tilespmem:s28+$0x32D0];
	v20 =	vunpack.i.l.bf16.f32 v20;
	v11 =	vadd.f32 v18, v11;
	v16 =	vadd.f32 v28, v16  }
0xa3: {  	v18 =	vld [tilespmem:s28+$0x32F0];
	s28 =	sshll.u32 s26, $0x2;
	v14 =	vadd.f32 v20, v14;
	v15 =	vadd.f32 v22, v15;
	v20 =	vunpack.i.u.bf16.f32 v21  }
0xa4: {  	v63 =	vld [tilespmem:$0x3E30];
	v21 =	vunpack.i.l.bf16.f32 v21;
	v61 =	vmov s28;
	v11 =	vadd.f32 v19, v11  }
0xa5: {  	v22 =	vld [tilespmem:$0x3E00];
	v16 =	vadd.f32 v26, v16;
	v62 =	vand.u32 $0xFFFFFFFC, v61;
	v14 =	vadd.f32 v21, v14  }
0xa6: {  	p1 =	seq.s32 s26, $0xF;
	v19 =	vld [tilespmem:$0x3E10];
	v15 =	vadd.f32 v20, v15;
	v20 =	vunpack.i.u.bf16.f32 v17;
	v26 =	vbroadcast v62, $0x0  }
0xa7: {  	s29 =	smul.u32 @!p1 $0xC80, s26;
	v21 =	vld [tilespmem:$0x3E20];
	v17 =	vunpack.i.l.bf16.f32 v17;
	v11 =	vadd.f32 v12, v11;
	v12 =	vadd.f32 v23, v16  }
0xa8: {  	v16 =	vld [tilespmem:$0x3E40];
	v23 =	vunpack.i.l.bf16.f32 v60;
	v14 =	vadd.f32 v17, v14;
	v15 =	vadd.f32 v20, v15  }
0xa9: {  	s29 =	sshra.s32 @!p1 s29, $0x2;
	v17 =	vunpack.i.u.bf16.f32 v60;
	v20 =	vld [tilespmem:$0x3E50];
	v11 =	vadd.f32 v13, v11;
	v12 =	vadd.f32 v24, v12  }
0xaa: {  	s31 =	simm.s32 @!p1 $0xC8;
	s0 =	simm.s32 @!p1 $0x3200;
	s30 =	sadd.s32 @!p1 $0x320, s29;
	v13 =	vld [tilespmem:$0x3E60];
	v14 =	vadd.f32 v23, v14;
	v15 =	vadd.f32 v17, v15  }
0xab: {  	v17 =	vunpack.i.u.bf16.f32 v18;
	v23 =	vld [tilespmem:$0x3E70];
	v18 =	vunpack.i.l.bf16.f32 v18;
	[tilespmem:s0], [sflag:$0x1] =	stream.indirect.gather @!p1 [spmem:s2], $0x10, s30, s31, $0xb8;
	v10 =	vadd.f32 v10, v11  }
0xac: {  	v9 =	vadd.f32 v9, v12;
	v11 =	vadd.f32 v18, v14;
	v14 =	vld.idx.msk [tilespmem:v26+s18+$0x0], $0xffff  }
0xad: {  	v12 =	vadd.f32 v17, v15;
	v15 =	vunpack.i.u.bf16.f32 v22;
	v17 =	vunpack.i.l.bf16.f32 v22  }
0xae: {  	v18 =	vunpack.i.u.bf16.f32 v19;
	v19 =	vunpack.i.l.bf16.f32 v19;
	v10 =	vadd.f32 v17, v10  }
0xaf: {  	v9 =	vadd.f32 v15, v9;
	v15 =	vunpack.i.u.bf16.f32 v21;
	v17 =	vunpack.i.l.bf16.f32 v21  }
0xb0: {  	v11 =	vadd.f32 v19, v11;
	v12 =	vadd.f32 v18, v12;
	v18 =	vunpack.i.u.bf16.f32 v63  }
0xb1: {  	v19 =	vunpack.i.l.bf16.f32 v63;
	v10 =	vadd.f32 v17, v10;
	(erf) = vrcp.f32 v14  }
0xb2: {  	v9 =	vadd.f32 v15, v9;
	v15 =	vunpack.i.l.bf16.f32 v16;
	v11 =	vadd.f32 v19, v11  }
0xb3: {  	v17 =	vunpack.i.l.bf16.f32 v20;
	v12 =	vadd.f32 v18, v12;
	v14 =	vunpack.i.u.bf16.f32 v16  }
0xb4: {  	v16 =	vunpack.i.u.bf16.f32 v20;
	v10 =	vadd.f32 v15, v10;
	v11 =	vadd.f32 v17, v11  }
0xb5: {  	v15 =	vunpack.i.l.bf16.f32 v23;
	v9 =	vadd.f32 v14, v9;
	v12 =	vadd.f32 v16, v12  }
0xb6: {  	v14 =	vunpack.i.u.bf16.f32 v13;
	v13 =	vunpack.i.l.bf16.f32 v13;
	v11 =	vadd.f32 v15, v11  }
0xb7: {  	v16 =	vunpack.i.u.bf16.f32 v23;
	v10 =	vadd.f32 v13, v10  }
0xb8: {  	v9 =	vadd.f32 v14, v9;
	v12 =	vadd.f32 v16, v12  }
0xb9: {  	v10 =	vadd.f32 v11, v10  }
0xba: {  	v9 =	vadd.f32 v12, v9;
	v11 =	vpop (erf)  }
0xbb: {  	s1 =	sshll.u32 s26, $0x7;
	v10 =	vmul.f32 v11, v10  }
0xbc: {  	s0 =	sand.u32 $0x3FFFFF80, s1;
	v9 =	vmul.f32 v11, v9  }
0xbd: {  	[tilespmem:s0+$0x6400] =	vst v10  }
0xbe: {  	[tilespmem:s0+$0x6410] =	vst v9  }
0xbf: {  	_ =	swait.ge [sflag:s19], $0xC80  }
0xc0: {  	[sflag:s19] =	ssyncset.done $0x0  }
0xc1: {  	s30 =	simm.s32 $0x0;
	[sflag:s19] =	ssyncadd.s32 $0xFFFFF380  }
0xc2: {  	v10 =	vld [tilespmem:s30+$0x3F60]  }
0xc3: {  	v13 =	vld [tilespmem:s30+$0x3F40]  }
0xc4: {  	v12 =	vld [tilespmem:s30+$0x3F20]  }
0xc5: {  	v19 =	vld [tilespmem:s30+$0x3F00]  }
0xc6: {  	v18 =	vld [tilespmem:s30+$0x3EE0]  }
0xc7: {  	v16 =	vld [tilespmem:s30+$0x3EC0]  }
0xc8: {  	v21 =	vld [tilespmem:s30+$0x3EA0]  }
0xc9: {  	v17 =	vimm.f32 $0.0e+00;
	v14 =	vimm.f32 $0.0e+00;
	v15 =	vimm.f32 $0.0e+00;
	v20 =	vld [tilespmem:s30+$0x3E80]  }
0xca: {  	s31 =	simm.s32 $0x400;
	v11 =	vimm.f32 $0.0e+00;
	v22 =	vld [tilespmem:s30+$0x3E90];
	v9 =	vunpack.i.u.bf16.f32 v10;
	v10 =	vunpack.i.l.bf16.f32 v10  }
.LBB2_9:
0xcb: {  	p2 =	sne.s32 s31, $0x2C00;
	v23 =	vunpack.i.u.bf16.f32 v12;
	v24 =	vunpack.i.u.bf16.f32 v13;
	v25 =	vunpack.i.l.bf16.f32 v13  }
0xcc: {  	v26 =	vunpack.i.u.bf16.f32 v19;
	v19 =	vunpack.i.l.bf16.f32 v19;
	v27 =	vunpack.i.l.bf16.f32 v12;
	v13 =	vld [tilespmem:s30+$0x3EB0]  }
0xcd: {  	v28 =	vunpack.i.u.bf16.f32 v18;
	v18 =	vunpack.i.l.bf16.f32 v18;
	v12 =	vunpack.i.u.bf16.f32 v16  }
0xce: {  	v16 =	vunpack.i.l.bf16.f32 v16;
	v29 =	vunpack.i.u.bf16.f32 v21;
	v21 =	vunpack.i.l.bf16.f32 v21;
	v30 =	vld [tilespmem:s30+$0x3ED0]  }
0xcf: {  	v31 =	vunpack.i.u.bf16.f32 v20;
	v20 =	vunpack.i.l.bf16.f32 v20;
	v32 =	vunpack.i.u.bf16.f32 v22  }
0xd0: {  	v22 =	vunpack.i.l.bf16.f32 v22;
	v11 =	vadd.f32 v20, v11;
	v17 =	vadd.f32 v31, v17;
	v20 =	vld [tilespmem:s30+$0x3EF0]  }
0xd1: {  	v14 =	vadd.f32 v22, v14;
	v15 =	vadd.f32 v32, v15;
	v22 =	vunpack.i.u.bf16.f32 v13  }
0xd2: {  	v13 =	vunpack.i.l.bf16.f32 v13;
	v11 =	vadd.f32 v21, v11;
	v17 =	vadd.f32 v29, v17;
	v21 =	vld [tilespmem:s30+$0x3F10]  }
0xd3: {  	v13 =	vadd.f32 v13, v14;
	v14 =	vadd.f32 v22, v15;
	v15 =	vunpack.i.u.bf16.f32 v30  }
0xd4: {  	v22 =	vunpack.i.l.bf16.f32 v30;
	v11 =	vadd.f32 v16, v11;
	v12 =	vadd.f32 v12, v17;
	v16 =	vld [tilespmem:s30+$0x3F30]  }
0xd5: {  	v13 =	vadd.f32 v22, v13;
	v14 =	vadd.f32 v15, v14;
	v15 =	vunpack.i.u.bf16.f32 v20  }
0xd6: {  	s0 =	sshra.s32 s31, $0x2;
	v17 =	vunpack.i.l.bf16.f32 v20;
	v11 =	vadd.f32 v18, v11;
	v12 =	vadd.f32 v28, v12;
	v20 =	vld [tilespmem:s30+$0x3F50]  }
0xd7: {  	v17 =	vadd.f32 v17, v13;
	v14 =	vadd.f32 v15, v14;
	v28 =	vld [tilespmem:s0+$0x3F60];
	v15 =	vunpack.i.u.bf16.f32 v21  }
0xd8: {  	v18 =	vunpack.i.l.bf16.f32 v21;
	v11 =	vadd.f32 v19, v11;
	v19 =	vadd.f32 v26, v12;
	v22 =	vld [tilespmem:s30+$0x3F70];
	s30 =	smov.u32 s0  }
0xd9: {  	v17 =	vadd.f32 v18, v17;
	v14 =	vadd.f32 v15, v14;
	v13 =	vld [tilespmem:s30+$0x3F40];
	v15 =	vunpack.i.u.bf16.f32 v16  }
0xda: {  	v16 =	vunpack.i.l.bf16.f32 v16;
	v11 =	vadd.f32 v27, v11;
	v21 =	vadd.f32 v23, v19;
	v12 =	vld [tilespmem:s30+$0x3F20]  }
0xdb: {  	v17 =	vadd.f32 v16, v17;
	v14 =	vadd.f32 v15, v14;
	v19 =	vld [tilespmem:s30+$0x3F00];
	v15 =	vunpack.i.u.bf16.f32 v20  }
.Ltmp3:
0xdc: {  	v20 =	vunpack.i.l.bf16.f32 v20;
	v11 =	vadd.f32 v25, v11;
	v23 =	vadd.f32 v24, v21;
	v18 =	vld [tilespmem:s30+$0x3EE0];
	(pc) =	sbr.rel @p2 .LBB2_9-.Ltmp3, $4  }
0xdd: {  	v24 =	vadd.f32 v20, v17;
	v15 =	vadd.f32 v15, v14;
	v16 =	vld [tilespmem:s30+$0x3EC0];
	v25 =	vunpack.i.u.bf16.f32 v22  }
0xde: {  	v14 =	vunpack.i.l.bf16.f32 v22;
	v11 =	vadd.f32 v10, v11;
	v17 =	vadd.f32 v9, v23;
	v21 =	vld [tilespmem:s30+$0x3EA0]  }
0xdf: {  	v14 =	vadd.f32 v14, v24;
	v15 =	vadd.f32 v25, v15;
	v20 =	vld [tilespmem:s30+$0x3E80]  }
0xe0: {  	s31 =	sadd.s32 $0x400, s31;
	v9 =	vunpack.i.u.bf16.f32 v28;
	v10 =	vunpack.i.l.bf16.f32 v28;
	v22 =	vld [tilespmem:s30+$0x3E90]  }
0xe1: {  	v23 =	vunpack.i.u.bf16.f32 v12;
	v24 =	vunpack.i.u.bf16.f32 v13;
	v13 =	vunpack.i.l.bf16.f32 v13  }
0xe2: {  	v25 =	vld [tilespmem:s30+$0x3EB0];
	v26 =	vunpack.i.u.bf16.f32 v19;
	v19 =	vunpack.i.l.bf16.f32 v19;
	v12 =	vunpack.i.l.bf16.f32 v12  }
0xe3: {  	v28 =	vunpack.i.u.bf16.f32 v18;
	v18 =	vunpack.i.l.bf16.f32 v18;
	v27 =	vunpack.i.u.bf16.f32 v16  }
0xe4: {  	v30 =	vld [tilespmem:s30+$0x3ED0];
	v16 =	vunpack.i.l.bf16.f32 v16;
	v29 =	vunpack.i.u.bf16.f32 v21;
	v21 =	vunpack.i.l.bf16.f32 v21  }
0xe5: {  	v31 =	vunpack.i.u.bf16.f32 v20;
	v20 =	vunpack.i.l.bf16.f32 v20;
	v32 =	vunpack.i.u.bf16.f32 v22  }
0xe6: {  	v22 =	vunpack.i.l.bf16.f32 v22;
	v11 =	vadd.f32 v20, v11;
	v17 =	vadd.f32 v31, v17;
	v20 =	vld [tilespmem:s30+$0x3EF0]  }
0xe7: {  	v14 =	vadd.f32 v22, v14;
	v15 =	vadd.f32 v32, v15;
	v22 =	vunpack.i.u.bf16.f32 v25  }
0xe8: {  	v25 =	vunpack.i.l.bf16.f32 v25;
	v11 =	vadd.f32 v21, v11;
	v17 =	vadd.f32 v29, v17;
	v21 =	vld [tilespmem:s30+$0x3F10]  }
0xe9: {  	v59 =	vunpack.i.l.bf16.f32 v30;
	v14 =	vadd.f32 v25, v14;
	v15 =	vadd.f32 v22, v15  }
0xea: {  	v22 =	vunpack.i.u.bf16.f32 v30;
	v11 =	vadd.f32 v16, v11;
	v16 =	vadd.f32 v27, v17  }
0xeb: {  	v17 =	vld [tilespmem:s30+$0x3F30];
	v14 =	vadd.f32 v59, v14;
	v15 =	vadd.f32 v22, v15;
	v22 =	vunpack.i.u.bf16.f32 v20  }
0xec: {  	v60 =	vld [tilespmem:s30+$0x3F50];
	v20 =	vunpack.i.l.bf16.f32 v20;
	v11 =	vadd.f32 v18, v11;
	v16 =	vadd.f32 v28, v16  }
0xed: {  	v18 =	vld [tilespmem:s30+$0x3F70];
	s30 =	sor.u32 $0x1, s28;
	v14 =	vadd.f32 v20, v14;
	v15 =	vadd.f32 v22, v15;
	v20 =	vunpack.i.u.bf16.f32 v21  }
0xee: {  	v63 =	vld [tilespmem:$0x4AB0];
	v21 =	vunpack.i.l.bf16.f32 v21;
	v61 =	vmov s30;
	v11 =	vadd.f32 v19, v11  }
0xef: {  	v22 =	vld [tilespmem:$0x4A80];
	v16 =	vadd.f32 v26, v16;
	v62 =	vand.u32 $0xFFFFFFFD, v61;
	v14 =	vadd.f32 v21, v14  }
0xf0: {  	v19 =	vld [tilespmem:$0x4A90];
	v15 =	vadd.f32 v20, v15;
	v20 =	vunpack.i.u.bf16.f32 v17;
	v26 =	vbroadcast v62, $0x0  }
0xf1: {  	v21 =	vld [tilespmem:$0x4AA0];
	v17 =	vunpack.i.l.bf16.f32 v17;
	v11 =	vadd.f32 v12, v11;
	v12 =	vadd.f32 v23, v16  }
0xf2: {  	v16 =	vld [tilespmem:$0x4AC0];
	v23 =	vunpack.i.l.bf16.f32 v60;
	v14 =	vadd.f32 v17, v14;
	v15 =	vadd.f32 v20, v15  }
0xf3: {  	v17 =	vunpack.i.u.bf16.f32 v60;
	v20 =	vld [tilespmem:$0x4AD0];
	v11 =	vadd.f32 v13, v11;
	v12 =	vadd.f32 v24, v12  }
0xf4: {  	s0 =	sadd.s32 @!p1 $0x3E8, s29;
	s31 =	simm.s32 @!p1 $0xC8;
	s1 =	simm.s32 @!p1 $0x3E80;
	v13 =	vld [tilespmem:$0x4AE0];
	v14 =	vadd.f32 v23, v14;
	v15 =	vadd.f32 v17, v15  }
0xf5: {  	v17 =	vunpack.i.u.bf16.f32 v18;
	v23 =	vld [tilespmem:$0x4AF0];
	v18 =	vunpack.i.l.bf16.f32 v18;
	[tilespmem:s1], [sflag:$0x2] =	stream.indirect.gather @!p1 [spmem:s2], $0x10, s0, s31, $0xb8;
	v10 =	vadd.f32 v10, v11  }
0xf6: {  	v9 =	vadd.f32 v9, v12;
	v11 =	vadd.f32 v18, v14;
	v14 =	vld.idx.msk [tilespmem:v26+s18+$0x0], $0xffff  }
0xf7: {  	v12 =	vadd.f32 v17, v15;
	v15 =	vunpack.i.u.bf16.f32 v22;
	v17 =	vunpack.i.l.bf16.f32 v22  }
0xf8: {  	v18 =	vunpack.i.u.bf16.f32 v19;
	v19 =	vunpack.i.l.bf16.f32 v19;
	v10 =	vadd.f32 v17, v10  }
0xf9: {  	v9 =	vadd.f32 v15, v9;
	v15 =	vunpack.i.u.bf16.f32 v21;
	v17 =	vunpack.i.l.bf16.f32 v21  }
0xfa: {  	v11 =	vadd.f32 v19, v11;
	v12 =	vadd.f32 v18, v12;
	v18 =	vunpack.i.u.bf16.f32 v63  }
0xfb: {  	v19 =	vunpack.i.l.bf16.f32 v63;
	v10 =	vadd.f32 v17, v10;
	(erf) = vrcp.f32 v14  }
0xfc: {  	v9 =	vadd.f32 v15, v9;
	v15 =	vunpack.i.l.bf16.f32 v16;
	v11 =	vadd.f32 v19, v11  }
0xfd: {  	v17 =	vunpack.i.l.bf16.f32 v20;
	v12 =	vadd.f32 v18, v12;
	v14 =	vunpack.i.u.bf16.f32 v16  }
0xfe: {  	v16 =	vunpack.i.u.bf16.f32 v20;
	v10 =	vadd.f32 v15, v10;
	v11 =	vadd.f32 v17, v11  }
0xff: {  	v15 =	vunpack.i.l.bf16.f32 v23;
	v9 =	vadd.f32 v14, v9;
	v12 =	vadd.f32 v16, v12  }
0x100: {  	v14 =	vunpack.i.u.bf16.f32 v13;
	v13 =	vunpack.i.l.bf16.f32 v13;
	v11 =	vadd.f32 v15, v11  }
0x101: {  	v16 =	vunpack.i.u.bf16.f32 v23;
	v10 =	vadd.f32 v13, v10  }
0x102: {  	v9 =	vadd.f32 v14, v9;
	v12 =	vadd.f32 v16, v12  }
0x103: {  	v10 =	vadd.f32 v11, v10  }
0x104: {  	v9 =	vadd.f32 v12, v9;
	v11 =	vpop (erf)  }
0x105: {  	s1 =	sshll.u32 s30, $0x5;
	v10 =	vmul.f32 v11, v10  }
0x106: {  	s0 =	sand.u32 $0x3FFFFFE0, s1;
	v9 =	vmul.f32 v11, v9  }
0x107: {  	[tilespmem:s0+$0x6400] =	vst v10  }
0x108: {  	[tilespmem:s0+$0x6410] =	vst v9  }
0x109: {  	_ =	swait.ge [sflag:s20], $0xC80  }
0x10a: {  	[sflag:s20] =	ssyncset.done $0x0  }
0x10b: {  	s30 =	simm.s32 $0x0;
	[sflag:s20] =	ssyncadd.s32 $0xFFFFF380  }
0x10c: {  	v10 =	vld [tilespmem:s30+$0x4BE0]  }
0x10d: {  	v13 =	vld [tilespmem:s30+$0x4BC0]  }
0x10e: {  	v12 =	vld [tilespmem:s30+$0x4BA0]  }
0x10f: {  	v19 =	vld [tilespmem:s30+$0x4B80]  }
0x110: {  	v18 =	vld [tilespmem:s30+$0x4B60]  }
0x111: {  	v16 =	vld [tilespmem:s30+$0x4B40]  }
0x112: {  	v21 =	vld [tilespmem:s30+$0x4B20]  }
0x113: {  	v17 =	vimm.f32 $0.0e+00;
	v14 =	vimm.f32 $0.0e+00;
	v15 =	vimm.f32 $0.0e+00;
	v20 =	vld [tilespmem:s30+$0x4B00]  }
0x114: {  	s31 =	simm.s32 $0x400;
	v11 =	vimm.f32 $0.0e+00;
	v22 =	vld [tilespmem:s30+$0x4B10];
	v9 =	vunpack.i.u.bf16.f32 v10;
	v10 =	vunpack.i.l.bf16.f32 v10  }
.LBB2_11:
0x115: {  	p2 =	sne.s32 s31, $0x2C00;
	v23 =	vunpack.i.u.bf16.f32 v12;
	v24 =	vunpack.i.u.bf16.f32 v13;
	v25 =	vunpack.i.l.bf16.f32 v13  }
0x116: {  	v26 =	vunpack.i.u.bf16.f32 v19;
	v19 =	vunpack.i.l.bf16.f32 v19;
	v27 =	vunpack.i.l.bf16.f32 v12;
	v13 =	vld [tilespmem:s30+$0x4B30]  }
0x117: {  	v28 =	vunpack.i.u.bf16.f32 v18;
	v18 =	vunpack.i.l.bf16.f32 v18;
	v12 =	vunpack.i.u.bf16.f32 v16  }
0x118: {  	v16 =	vunpack.i.l.bf16.f32 v16;
	v29 =	vunpack.i.u.bf16.f32 v21;
	v21 =	vunpack.i.l.bf16.f32 v21;
	v30 =	vld [tilespmem:s30+$0x4B50]  }
0x119: {  	v31 =	vunpack.i.u.bf16.f32 v20;
	v20 =	vunpack.i.l.bf16.f32 v20;
	v32 =	vunpack.i.u.bf16.f32 v22  }
0x11a: {  	v22 =	vunpack.i.l.bf16.f32 v22;
	v11 =	vadd.f32 v20, v11;
	v17 =	vadd.f32 v31, v17;
	v20 =	vld [tilespmem:s30+$0x4B70]  }
0x11b: {  	v14 =	vadd.f32 v22, v14;
	v15 =	vadd.f32 v32, v15;
	v22 =	vunpack.i.u.bf16.f32 v13  }
0x11c: {  	v13 =	vunpack.i.l.bf16.f32 v13;
	v11 =	vadd.f32 v21, v11;
	v17 =	vadd.f32 v29, v17;
	v21 =	vld [tilespmem:s30+$0x4B90]  }
0x11d: {  	v13 =	vadd.f32 v13, v14;
	v14 =	vadd.f32 v22, v15;
	v15 =	vunpack.i.u.bf16.f32 v30  }
0x11e: {  	v22 =	vunpack.i.l.bf16.f32 v30;
	v11 =	vadd.f32 v16, v11;
	v12 =	vadd.f32 v12, v17;
	v16 =	vld [tilespmem:s30+$0x4BB0]  }
0x11f: {  	v13 =	vadd.f32 v22, v13;
	v14 =	vadd.f32 v15, v14;
	v15 =	vunpack.i.u.bf16.f32 v20  }
0x120: {  	s0 =	sshra.s32 s31, $0x2;
	v17 =	vunpack.i.l.bf16.f32 v20;
	v11 =	vadd.f32 v18, v11;
	v12 =	vadd.f32 v28, v12;
	v20 =	vld [tilespmem:s30+$0x4BD0]  }
0x121: {  	v17 =	vadd.f32 v17, v13;
	v14 =	vadd.f32 v15, v14;
	v28 =	vld [tilespmem:s0+$0x4BE0];
	v15 =	vunpack.i.u.bf16.f32 v21  }
0x122: {  	v18 =	vunpack.i.l.bf16.f32 v21;
	v11 =	vadd.f32 v19, v11;
	v19 =	vadd.f32 v26, v12;
	v22 =	vld [tilespmem:s30+$0x4BF0];
	s30 =	smov.u32 s0  }
0x123: {  	v17 =	vadd.f32 v18, v17;
	v14 =	vadd.f32 v15, v14;
	v13 =	vld [tilespmem:s30+$0x4BC0];
	v15 =	vunpack.i.u.bf16.f32 v16  }
0x124: {  	v16 =	vunpack.i.l.bf16.f32 v16;
	v11 =	vadd.f32 v27, v11;
	v21 =	vadd.f32 v23, v19;
	v12 =	vld [tilespmem:s30+$0x4BA0]  }
0x125: {  	v17 =	vadd.f32 v16, v17;
	v14 =	vadd.f32 v15, v14;
	v19 =	vld [tilespmem:s30+$0x4B80];
	v15 =	vunpack.i.u.bf16.f32 v20  }
.Ltmp4:
0x126: {  	v20 =	vunpack.i.l.bf16.f32 v20;
	v11 =	vadd.f32 v25, v11;
	v23 =	vadd.f32 v24, v21;
	v18 =	vld [tilespmem:s30+$0x4B60];
	(pc) =	sbr.rel @p2 .LBB2_11-.Ltmp4, $4  }
0x127: {  	v24 =	vadd.f32 v20, v17;
	v15 =	vadd.f32 v15, v14;
	v16 =	vld [tilespmem:s30+$0x4B40];
	v25 =	vunpack.i.u.bf16.f32 v22  }
0x128: {  	v14 =	vunpack.i.l.bf16.f32 v22;
	v11 =	vadd.f32 v10, v11;
	v17 =	vadd.f32 v9, v23;
	v21 =	vld [tilespmem:s30+$0x4B20]  }
0x129: {  	v14 =	vadd.f32 v14, v24;
	v15 =	vadd.f32 v25, v15;
	v20 =	vld [tilespmem:s30+$0x4B00]  }
0x12a: {  	s31 =	sadd.s32 $0x400, s31;
	v9 =	vunpack.i.u.bf16.f32 v28;
	v10 =	vunpack.i.l.bf16.f32 v28;
	v22 =	vld [tilespmem:s30+$0x4B10]  }
0x12b: {  	v23 =	vunpack.i.u.bf16.f32 v12;
	v24 =	vunpack.i.u.bf16.f32 v13;
	v13 =	vunpack.i.l.bf16.f32 v13  }
0x12c: {  	v25 =	vld [tilespmem:s30+$0x4B30];
	v26 =	vunpack.i.u.bf16.f32 v19;
	v19 =	vunpack.i.l.bf16.f32 v19;
	v12 =	vunpack.i.l.bf16.f32 v12  }
0x12d: {  	v28 =	vunpack.i.u.bf16.f32 v18;
	v18 =	vunpack.i.l.bf16.f32 v18;
	v27 =	vunpack.i.u.bf16.f32 v16  }
0x12e: {  	v30 =	vld [tilespmem:s30+$0x4B50];
	v16 =	vunpack.i.l.bf16.f32 v16;
	v29 =	vunpack.i.u.bf16.f32 v21;
	v21 =	vunpack.i.l.bf16.f32 v21  }
0x12f: {  	v31 =	vunpack.i.u.bf16.f32 v20;
	v20 =	vunpack.i.l.bf16.f32 v20;
	v32 =	vunpack.i.u.bf16.f32 v22  }
0x130: {  	v22 =	vunpack.i.l.bf16.f32 v22;
	v11 =	vadd.f32 v20, v11;
	v17 =	vadd.f32 v31, v17;
	v20 =	vld [tilespmem:s30+$0x4B70]  }
0x131: {  	v14 =	vadd.f32 v22, v14;
	v15 =	vadd.f32 v32, v15;
	v22 =	vunpack.i.u.bf16.f32 v25  }
0x132: {  	v25 =	vunpack.i.l.bf16.f32 v25;
	v11 =	vadd.f32 v21, v11;
	v17 =	vadd.f32 v29, v17;
	v21 =	vld [tilespmem:s30+$0x4B90]  }
0x133: {  	v59 =	vunpack.i.l.bf16.f32 v30;
	v14 =	vadd.f32 v25, v14;
	v15 =	vadd.f32 v22, v15  }
0x134: {  	v22 =	vunpack.i.u.bf16.f32 v30;
	v11 =	vadd.f32 v16, v11;
	v16 =	vadd.f32 v27, v17  }
0x135: {  	v17 =	vld [tilespmem:s30+$0x4BB0];
	v14 =	vadd.f32 v59, v14;
	v15 =	vadd.f32 v22, v15;
	v22 =	vunpack.i.u.bf16.f32 v20  }
0x136: {  	v60 =	vld [tilespmem:s30+$0x4BD0];
	v20 =	vunpack.i.l.bf16.f32 v20;
	v11 =	vadd.f32 v18, v11;
	v16 =	vadd.f32 v28, v16  }
0x137: {  	v18 =	vld [tilespmem:s30+$0x4BF0];
	s30 =	sor.u32 $0x2, s28;
	v14 =	vadd.f32 v20, v14;
	v15 =	vadd.f32 v22, v15;
	v20 =	vunpack.i.u.bf16.f32 v21  }
0x138: {  	v63 =	vld [tilespmem:$0x5730];
	v21 =	vunpack.i.l.bf16.f32 v21;
	v61 =	vmov s30;
	v11 =	vadd.f32 v19, v11  }
0x139: {  	v22 =	vld [tilespmem:$0x5700];
	v16 =	vadd.f32 v26, v16;
	v62 =	vand.u32 $0xFFFFFFFE, v61;
	v14 =	vadd.f32 v21, v14  }
0x13a: {  	v19 =	vld [tilespmem:$0x5710];
	v15 =	vadd.f32 v20, v15;
	v20 =	vunpack.i.u.bf16.f32 v17;
	v26 =	vbroadcast v62, $0x0  }
0x13b: {  	v21 =	vld [tilespmem:$0x5720];
	v17 =	vunpack.i.l.bf16.f32 v17;
	v11 =	vadd.f32 v12, v11;
	v12 =	vadd.f32 v23, v16  }
0x13c: {  	v16 =	vld [tilespmem:$0x5740];
	v23 =	vunpack.i.l.bf16.f32 v60;
	v14 =	vadd.f32 v17, v14;
	v15 =	vadd.f32 v20, v15  }
0x13d: {  	v17 =	vunpack.i.u.bf16.f32 v60;
	v20 =	vld [tilespmem:$0x5750];
	v11 =	vadd.f32 v13, v11;
	v12 =	vadd.f32 v24, v12  }
0x13e: {  	s0 =	sadd.s32 @!p1 $0x4B0, s29;
	s1 =	simm.s32 @!p1 $0xC8;
	s31 =	simm.s32 @!p1 $0x4B00;
	v13 =	vld [tilespmem:$0x5760];
	v14 =	vadd.f32 v23, v14;
	v15 =	vadd.f32 v17, v15  }
0x13f: {  	v17 =	vunpack.i.u.bf16.f32 v18;
	v23 =	vld [tilespmem:$0x5770];
	v18 =	vunpack.i.l.bf16.f32 v18;
	[tilespmem:s31], [sflag:$0x3] =	stream.indirect.gather @!p1 [spmem:s2], $0x10, s0, s1, $0xb8;
	v10 =	vadd.f32 v10, v11  }
0x140: {  	v9 =	vadd.f32 v9, v12;
	v11 =	vadd.f32 v18, v14;
	v14 =	vld.idx.msk [tilespmem:v26+s18+$0x0], $0xffff  }
0x141: {  	v12 =	vadd.f32 v17, v15;
	v15 =	vunpack.i.u.bf16.f32 v22;
	v17 =	vunpack.i.l.bf16.f32 v22  }
0x142: {  	v18 =	vunpack.i.u.bf16.f32 v19;
	v19 =	vunpack.i.l.bf16.f32 v19;
	v10 =	vadd.f32 v17, v10  }
0x143: {  	v9 =	vadd.f32 v15, v9;
	v15 =	vunpack.i.u.bf16.f32 v21;
	v17 =	vunpack.i.l.bf16.f32 v21  }
0x144: {  	v11 =	vadd.f32 v19, v11;
	v12 =	vadd.f32 v18, v12;
	v18 =	vunpack.i.u.bf16.f32 v63  }
0x145: {  	v19 =	vunpack.i.l.bf16.f32 v63;
	v10 =	vadd.f32 v17, v10;
	(erf) = vrcp.f32 v14  }
0x146: {  	v9 =	vadd.f32 v15, v9;
	v15 =	vunpack.i.l.bf16.f32 v16;
	v11 =	vadd.f32 v19, v11  }
0x147: {  	v17 =	vunpack.i.l.bf16.f32 v20;
	v12 =	vadd.f32 v18, v12;
	v14 =	vunpack.i.u.bf16.f32 v16  }
0x148: {  	v16 =	vunpack.i.u.bf16.f32 v20;
	v10 =	vadd.f32 v15, v10;
	v11 =	vadd.f32 v17, v11  }
0x149: {  	v15 =	vunpack.i.l.bf16.f32 v23;
	v9 =	vadd.f32 v14, v9;
	v12 =	vadd.f32 v16, v12  }
0x14a: {  	v14 =	vunpack.i.u.bf16.f32 v13;
	v13 =	vunpack.i.l.bf16.f32 v13;
	v11 =	vadd.f32 v15, v11  }
0x14b: {  	v16 =	vunpack.i.u.bf16.f32 v23;
	v10 =	vadd.f32 v13, v10  }
0x14c: {  	v9 =	vadd.f32 v14, v9;
	v12 =	vadd.f32 v16, v12  }
0x14d: {  	v10 =	vadd.f32 v11, v10  }
0x14e: {  	v9 =	vadd.f32 v12, v9;
	v11 =	vpop (erf)  }
0x14f: {  	s1 =	sshll.u32 s30, $0x5;
	v10 =	vmul.f32 v11, v10  }
0x150: {  	s0 =	sand.u32 $0x3FFFFFE0, s1;
	v9 =	vmul.f32 v11, v9  }
0x151: {  	[tilespmem:s0+$0x6400] =	vst v10  }
0x152: {  	[tilespmem:s0+$0x6410] =	vst v9  }
0x153: {  	_ =	swait.ge [sflag:s21], $0xC80  }
0x154: {  	[sflag:s21] =	ssyncset.done $0x0  }
0x155: {  	s30 =	simm.s32 $0x0;
	[sflag:s21] =	ssyncadd.s32 $0xFFFFF380  }
0x156: {  	v10 =	vld [tilespmem:s30+$0x5860]  }
0x157: {  	v13 =	vld [tilespmem:s30+$0x5840]  }
0x158: {  	v11 =	vld [tilespmem:s30+$0x5820]  }
0x159: {  	v19 =	vld [tilespmem:s30+$0x5800]  }
0x15a: {  	v18 =	vld [tilespmem:s30+$0x57E0]  }
0x15b: {  	v16 =	vld [tilespmem:s30+$0x57C0]  }
0x15c: {  	v22 =	vld [tilespmem:s30+$0x57A0]  }
0x15d: {  	v17 =	vimm.f32 $0.0e+00;
	v14 =	vimm.f32 $0.0e+00;
	v15 =	vimm.f32 $0.0e+00;
	v20 =	vld [tilespmem:s30+$0x5780]  }
0x15e: {  	s31 =	simm.s32 $0x400;
	v12 =	vimm.f32 $0.0e+00;
	v21 =	vld [tilespmem:s30+$0x5790];
	v9 =	vunpack.i.u.bf16.f32 v10;
	v10 =	vunpack.i.l.bf16.f32 v10  }
.LBB2_13:
0x15f: {  	p2 =	sne.s32 s31, $0x2C00;
	v23 =	vunpack.i.u.bf16.f32 v11;
	v24 =	vunpack.i.u.bf16.f32 v13;
	v25 =	vunpack.i.l.bf16.f32 v13  }
0x160: {  	v26 =	vunpack.i.u.bf16.f32 v19;
	v19 =	vunpack.i.l.bf16.f32 v19;
	v27 =	vunpack.i.l.bf16.f32 v11;
	v13 =	vld [tilespmem:s30+$0x57B0]  }
0x161: {  	v28 =	vunpack.i.u.bf16.f32 v18;
	v18 =	vunpack.i.l.bf16.f32 v18;
	v11 =	vunpack.i.u.bf16.f32 v16  }
0x162: {  	v16 =	vunpack.i.l.bf16.f32 v16;
	v29 =	vunpack.i.u.bf16.f32 v22;
	v22 =	vunpack.i.l.bf16.f32 v22;
	v30 =	vld [tilespmem:s30+$0x57D0]  }
0x163: {  	v31 =	vunpack.i.u.bf16.f32 v20;
	v20 =	vunpack.i.l.bf16.f32 v20;
	v32 =	vunpack.i.u.bf16.f32 v21  }
0x164: {  	v21 =	vunpack.i.l.bf16.f32 v21;
	v12 =	vadd.f32 v20, v12;
	v17 =	vadd.f32 v31, v17;
	v20 =	vld [tilespmem:s30+$0x57F0]  }
0x165: {  	v14 =	vadd.f32 v21, v14;
	v15 =	vadd.f32 v32, v15;
	v21 =	vunpack.i.u.bf16.f32 v13  }
0x166: {  	v13 =	vunpack.i.l.bf16.f32 v13;
	v12 =	vadd.f32 v22, v12;
	v17 =	vadd.f32 v29, v17;
	v22 =	vld [tilespmem:s30+$0x5810]  }
0x167: {  	v13 =	vadd.f32 v13, v14;
	v14 =	vadd.f32 v21, v15;
	v15 =	vunpack.i.u.bf16.f32 v30  }
0x168: {  	v21 =	vunpack.i.l.bf16.f32 v30;
	v12 =	vadd.f32 v16, v12;
	v11 =	vadd.f32 v11, v17;
	v16 =	vld [tilespmem:s30+$0x5830]  }
0x169: {  	v13 =	vadd.f32 v21, v13;
	v14 =	vadd.f32 v15, v14;
	v15 =	vunpack.i.u.bf16.f32 v20  }
0x16a: {  	s0 =	sshra.s32 s31, $0x2;
	v17 =	vunpack.i.l.bf16.f32 v20;
	v12 =	vadd.f32 v18, v12;
	v11 =	vadd.f32 v28, v11;
	v20 =	vld [tilespmem:s30+$0x5850]  }
0x16b: {  	v17 =	vadd.f32 v17, v13;
	v14 =	vadd.f32 v15, v14;
	v28 =	vld [tilespmem:s0+$0x5860];
	v15 =	vunpack.i.u.bf16.f32 v22  }
0x16c: {  	v18 =	vunpack.i.l.bf16.f32 v22;
	v12 =	vadd.f32 v19, v12;
	v19 =	vadd.f32 v26, v11;
	v21 =	vld [tilespmem:s30+$0x5870];
	s30 =	smov.u32 s0  }
0x16d: {  	v17 =	vadd.f32 v18, v17;
	v14 =	vadd.f32 v15, v14;
	v13 =	vld [tilespmem:s30+$0x5840];
	v15 =	vunpack.i.u.bf16.f32 v16  }
0x16e: {  	v16 =	vunpack.i.l.bf16.f32 v16;
	v12 =	vadd.f32 v27, v12;
	v22 =	vadd.f32 v23, v19;
	v11 =	vld [tilespmem:s30+$0x5820]  }
0x16f: {  	v17 =	vadd.f32 v16, v17;
	v14 =	vadd.f32 v15, v14;
	v19 =	vld [tilespmem:s30+$0x5800];
	v15 =	vunpack.i.u.bf16.f32 v20  }
.Ltmp5:
0x170: {  	v20 =	vunpack.i.l.bf16.f32 v20;
	v12 =	vadd.f32 v25, v12;
	v23 =	vadd.f32 v24, v22;
	v18 =	vld [tilespmem:s30+$0x57E0];
	(pc) =	sbr.rel @p2 .LBB2_13-.Ltmp5, $4  }
0x171: {  	v24 =	vadd.f32 v20, v17;
	v15 =	vadd.f32 v15, v14;
	v16 =	vld [tilespmem:s30+$0x57C0];
	v25 =	vunpack.i.u.bf16.f32 v21  }
0x172: {  	v14 =	vunpack.i.l.bf16.f32 v21;
	v12 =	vadd.f32 v10, v12;
	v17 =	vadd.f32 v9, v23;
	v22 =	vld [tilespmem:s30+$0x57A0]  }
0x173: {  	v14 =	vadd.f32 v14, v24;
	v15 =	vadd.f32 v25, v15;
	v20 =	vld [tilespmem:s30+$0x5780]  }
0x174: {  	s31 =	sadd.s32 $0x400, s31;
	v9 =	vunpack.i.u.bf16.f32 v28;
	v10 =	vunpack.i.l.bf16.f32 v28;
	v21 =	vld [tilespmem:s30+$0x5790]  }
0x175: {  	v23 =	vunpack.i.u.bf16.f32 v11  }
0x176: {  	v24 =	vunpack.i.u.bf16.f32 v13;
	v52 =	vunpack.i.l.bf16.f32 v13;
	v25 =	vunpack.i.u.bf16.f32 v19;
	v26 =	vld [tilespmem:s30+$0x57B0]  }
0x177: {  	v53 =	vunpack.i.l.bf16.f32 v19;
	v11 =	vunpack.i.l.bf16.f32 v11;
	v28 =	vunpack.i.u.bf16.f32 v18;
	v30 =	vld [tilespmem:s30+$0x57D0]  }
0x178: {  	v54 =	vunpack.i.l.bf16.f32 v18;
	v59 =	vld [tilespmem:s30+$0x57F0];
	s28 =	sor.u32 $0x3, s28;
	v27 =	vunpack.i.u.bf16.f32 v16;
	v56 =	vunpack.i.l.bf16.f32 v16  }
0x179: {  	v62 =	vld [tilespmem:s30+$0x5810];
	v42 =	vmov s28;
	v29 =	vunpack.i.u.bf16.f32 v22;
	v55 =	vunpack.i.l.bf16.f32 v22  }
0x17a: {  	v31 =	vunpack.i.l.bf16.f32 v20;
	v57 =	vunpack.i.u.bf16.f32 v20;
	v32 =	vunpack.i.l.bf16.f32 v21  }
0x17b: {  	v33 =	vld [tilespmem:s30+$0x5870];
	v12 =	vadd.f32 v31, v12;
	v58 =	vunpack.i.u.bf16.f32 v21;
	v17 =	vadd.f32 v57, v17  }
0x17c: {  	v14 =	vadd.f32 v32, v14;
	v15 =	vadd.f32 v58, v15;
	v60 =	vunpack.i.l.bf16.f32 v26  }
0x17d: {  	v34 =	vld [tilespmem:$0x6380];
	v61 =	vunpack.i.u.bf16.f32 v26;
	v63 =	vunpack.i.l.bf16.f32 v30;
	v30 =	vunpack.i.u.bf16.f32 v30  }
0x17e: {  	v32 =	vunpack.i.l.bf16.f32 v59;
	v20 =	vunpack.i.u.bf16.f32 v59;
	v35 =	vunpack.i.l.bf16.f32 v62  }
0x17f: {  	v36 =	vld [tilespmem:$0x6390];
	v26 =	vunpack.i.u.bf16.f32 v62;
	v12 =	vadd.f32 v55, v12;
	v14 =	vadd.f32 v60, v14  }
0x180: {  	v41 =	vld [tilespmem:$0x63C0];
	v46 =	vunpack.i.u.bf16.f32 v33;
	v17 =	vadd.f32 v29, v17;
	v15 =	vadd.f32 v61, v15  }
0x181: {  	v18 =	vunpack.i.l.bf16.f32 v33;
	v29 =	vld [tilespmem:s30+$0x5830];
	v12 =	vadd.f32 v56, v12;
	v14 =	vadd.f32 v63, v14  }
0x182: {  	v37 =	vld [tilespmem:$0x63A0];
	v50 =	vunpack.i.u.bf16.f32 v34;
	v17 =	vadd.f32 v27, v17;
	v15 =	vadd.f32 v30, v15  }
0x183: {  	v31 =	vld [tilespmem:s30+$0x5850];
	v51 =	vunpack.i.l.bf16.f32 v34;
	v12 =	vadd.f32 v54, v12;
	v14 =	vadd.f32 v32, v14  }
0x184: {  	v39 =	vld [tilespmem:$0x63B0];
	v19 =	vunpack.i.l.bf16.f32 v36;
	v17 =	vadd.f32 v28, v17;
	v15 =	vadd.f32 v20, v15  }
0x185: {  	v44 =	vld [tilespmem:$0x63D0];
	v57 =	vunpack.i.u.bf16.f32 v41;
	v12 =	vadd.f32 v53, v12;
	v14 =	vadd.f32 v35, v14  }
0x186: {  	v45 =	vld [tilespmem:$0x63E0];
	s0 =	sadd.s32 @!p1 $0x578, s29;
	s1 =	simm.s32 @!p1 $0xC8;
	s29 =	simm.s32 @!p1 $0x5780;
	v16 =	vunpack.i.l.bf16.f32 v29;
	v17 =	vadd.f32 v25, v17;
	v15 =	vadd.f32 v26, v15  }
0x187: {  	v47 =	vld [tilespmem:$0x63F0];
	[tilespmem:s29], [sflag:$0x4] =	stream.indirect.gather @!p1 [spmem:s2], $0x10, s0, s1, $0xb8;
	v38 =	vunpack.i.u.bf16.f32 v29;
	v11 =	vadd.f32 v11, v12;
	v14 =	vadd.f32 v16, v14  }
0x188: {  	v49 =	vld.idx.msk [tilespmem:v42+s18+$0x0], $0xffff;
	v21 =	vunpack.i.l.bf16.f32 v31;
	v40 =	vadd.f32 v23, v17;
	v15 =	vadd.f32 v38, v15  }
0x189: {  	v43 =	vunpack.i.u.bf16.f32 v31;
	v11 =	vadd.f32 v52, v11;
	v14 =	vadd.f32 v21, v14  }
0x18a: {  	v58 =	vunpack.i.l.bf16.f32 v41;
	v12 =	vadd.f32 v24, v40;
	v15 =	vadd.f32 v43, v15  }
0x18b: {  	v55 =	vunpack.i.u.bf16.f32 v39;
	v10 =	vadd.f32 v10, v11;
	v11 =	vadd.f32 v18, v14  }
0x18c: {  	v56 =	vunpack.i.l.bf16.f32 v39;
	v54 =	vunpack.i.l.bf16.f32 v37;
	v9 =	vadd.f32 v9, v12  }
0x18d: {  	(erf) = vrcp.f32 v49;
	v48 =	vadd.f32 v46, v15;
	v11 =	vadd.f32 v19, v11  }
0x18e: {  	v52 =	vunpack.i.u.bf16.f32 v36;
	v10 =	vadd.f32 v51, v10;
	v9 =	vadd.f32 v50, v9  }
0x18f: {  	v53 =	vunpack.i.u.bf16.f32 v37;
	v12 =	vadd.f32 v52, v48;
	v11 =	vadd.f32 v56, v11  }
0x190: {  	v60 =	vunpack.i.l.bf16.f32 v44;
	v10 =	vadd.f32 v54, v10;
	v9 =	vadd.f32 v53, v9  }
0x191: {  	v59 =	vunpack.i.u.bf16.f32 v44;
	v12 =	vadd.f32 v55, v12;
	v11 =	vadd.f32 v60, v11  }
0x192: {  	v62 =	vunpack.i.l.bf16.f32 v47;
	v10 =	vadd.f32 v58, v10;
	v9 =	vadd.f32 v57, v9  }
0x193: {  	v13 =	vunpack.i.l.bf16.f32 v45;
	v12 =	vadd.f32 v59, v12;
	v11 =	vadd.f32 v62, v11  }
0x194: {  	v61 =	vunpack.i.u.bf16.f32 v45;
	v63 =	vunpack.i.u.bf16.f32 v47;
	v10 =	vadd.f32 v13, v10  }
0x195: {  	s26 =	sadd.s32 $0x1, s26;
	v9 =	vadd.f32 v61, v9;
	v12 =	vadd.f32 v63, v12  }
0x196: {  	p1 =	sne.s32 s26, $0x10;
	v10 =	vadd.f32 v11, v10  }
.Ltmp6:
0x197: {  	v9 =	vadd.f32 v12, v9;
	v11 =	vpop (erf);
	(pc) =	sbr.rel @p1 .LBB2_6-.Ltmp6, $4  }
0x198: {  	s31 =	sshll.u32 s28, $0x5;
	v10 =	vmul.f32 v11, v10  }
0x199: {  	s0 =	sand.u32 $0x3FFFFFE0, s31;
	v9 =	vmul.f32 v11, v9  }
0x19a: {  	[tilespmem:s0+$0x6400] =	vst v10  }
0x19b: {  	[tilespmem:s0+$0x6410] =	vst v9  }
0x19c: {  	s24 =	sadd.s32 $0x1, s24  }
0x19d: {  	s0 =	sshll.u32 s25, $0x2;
	p1 =	sne.s32 s24, $0x8  }
.Ltmp7:
0x19e: {  	s0 =	sadd.s32 s5, s0;
	(pc) =	sbr.rel @p1 .LBB2_2-.Ltmp7, $4  }
0x19f: {  	[hbm4b:s0+s3] =	stream.linear.scatter [tilespmem:s22], [sflag:$0x5], $0x800, $0x38;
	[tilespmem:$0x9350] =	vst v63  }
0x1a0: {  	_ =	swait.ge [sflag:s9], $0x800  }
0x1a1: {  	[sflag:s9] =	ssyncset.done $0x0  }
0x1a2: {  	[sflag:s9] =	ssyncadd.s32 $0xFFFFF800  }
0x1a3: {  	s23 =	sadd.s32 $0x1, s23  }
0x1a4: {  	p1 =	sne.s32 s23, s7  }
.Ltmp8:
0x1a5: {  	_ = 	snop;
	(pc) =	sbr.rel @p1 .LBB2_1-.Ltmp8, $1  }
0x1a6: {  	_ =	sdelay $0x3  }
0x1a7: {  	_ =	sfence.sel $0x180000  }
0x1a8: {  	[bflag:$0x0] =	sbarrier.arrive $0xFFFF  }
0x1a9: {  	_ =	strace $0x90000047  }
0x1aa: {  	[bflag:$0x2] =	sbarrier.arrive $0xFFFF  }
0x1ab: {  	s0 =	rddreg [dreg:$0x3]  }
0x1ac: {  	s0 =	sadd.s32 @!p0 $0x100000, s0  }
0x1ad: {  	[sflag:s0] =	ssyncadd.tile.s32 @!p0 $0x1;
	_ =	shalt  }
.Lfunc_end2:
_tile_overlayer_lowered:
.L_overlay_start_2:
0x1ae: {  	(tag) =	ssettag $0x2  }
0x1af: {  	s0 =	rddreg [dreg:$0x0];
	s2 =	stileid.u32  }
0x1b0: {  	s1 =	rddreg [dreg:$0x1];
	p0 =	sne.s32 s2, $0x0  }
0x1b1: {  	s3 =	rddreg [dreg:$0x2];
	[bflag:$0x3] =	sbarrier.arrive $0xFFFF;
	s2 =	simm.s32 @!p0 $0x1C05  }
0x1b2: {  	[timem:s3], [sflag:s2] =	dma.local @!p0 [hbm:s0], s1  }
0x1b3: {  	s0 =	simm.s32 @!p0 $0x5  }
0x1b4: {  	_ =	swait.ge @!p0 [sflag:s0], s1  }
0x1b5: {  	s1 =	ssub.s32 @!p0 $0x0, s1;
	[sflag:s0] =	ssyncset.done @!p0 $0x0  }
0x1b6: {  	[sflag:s0] =	ssyncadd.s32 @!p0 s1  }
0x1b7: {  	[bflag:$0x3] =	sbarrier.arrive $0xFFFF  }
0x1b8: {  	_ =	shalt  }

// kernel: kernel.7.cloned.1.call-start
scs
__scs_entry_jumppad:
0x0: {  	(pc) =	sbr.rel $0x88, $3  }
0x1: {  	(tag) =	ssettag $0x0;
	lr =	simm.s32 $0x1  }
0x2: {  	[smem:$0x3F9D] =	sst lr;
	_ =	strace $0xD0000000  }
0x3: {  	_ = 	snop  }
0x4: {  	_ = 	snop  }
0x5: {  	_ = 	snop  }
0x6: {  	_ = 	snop  }
0x7: {  	_ = 	snop  }
__scs_overlays_trampoline_lowered:
0x8: {  	[smem:$0x3FAC] =	sst s0  }
0x9: {  	[smem:$0x3FAD] =	sst s1  }
0xa: {  	[smem:$0x3FAE] =	sst s2  }
0xb: {  	[smem:$0x3FAF] =	sst s3  }
0xc: {  	[smem:$0x3FB0] =	sst s4  }
0xd: {  	[smem:$0x3FB1] =	sst s5  }
0xe: {  	[smem:$0x3FB2] =	sst s6  }
0xf: {  	[smem:$0x3FB3] =	sst s7  }
0x10: {  	[smem:$0x3FB4] =	sst s8  }
0x11: {  	[smem:$0x3FB5] =	sst s9;
	s0 =	simm.s32 @!p0 $0x0  }
0x12: {  	s1 =	sld [smem:$0x3F9B];
	s0 =	simm.s32 @p0 $0x1  }
0x13: {  	[smem:$0x3FB6] =	sst s0;
	s0 =	simm.s32 @!p1 $0x0  }
0x14: {  	s2 =	sld [smem:$0x3F9A];
	s0 =	simm.s32 @p1 $0x1  }
0x15: {  	[smem:$0x3FB7] =	sst s0;
	s0 =	simm.s32 @!p2 $0x0  }
0x16: {  	s3 =	sld [smem:$0x3FDB];
	s0 =	simm.s32 @p2 $0x1  }
0x17: {  	s4 =	simm.s32 $0x1BF5;
	[smem:$0x3FB9] =	sst s0  }
0x18: {  	s0 =	sld [smem:$0x3F9C];
	_ =	swait.ge [sflag:s4], $0x0  }
0x19: {  	s7 =	sld [smem:$0x3F9D]  }
0x1a: {  	s8 =	sadd.s32 $0xFFFFE003, lr  }
0x1b: {  	s9 =	sadd.s32 $0xFFFFFEF7, lr;
	s5 =	simm.s32 $0xFFFFFFFF;
	p2 =	slt.u32 s8, $0xFFFFF086  }
0x1c: {  	p1 =	slt.u32 s9, $0xF7A;
	s5 =	simm.s32 @!p2 $0x0  }
0x1d: {  	s5 =	simm.s32 @p1 $0x1;
	p0 =	seq.s32 s7, s2  }
0x1e: {  	s7 =	smul.u32 @!p0 $0xF7A, s2;
	p2 =	seq.s32 @!p0 s5, $0x0  }
0x1f: {  	s9 =	smul.u32 $0xF7A, s1;
	s8 =	simm.s32 @!p0 $0x1BF5;
	p2 =	por !p2, p0  }
0x20: {  	[sflag:s8] =	ssyncset.s32 @!p0 $0xFFFFF086;
	s6 =	sadd.s32 @!p0 s3, s7;
	s7 =	simm.s32 @!p0 $0x108  }
0x21: {  	s3 =	sadd.s32 s3, s9;
	s6 =	sadd.s32 @!p0 $0x88, s6;
	s7 =	simm.s32 @p2 $0x1082  }
0x22: {  	[simem:s7], [sflag:s8] =	dma.local @!p0 [hbm:s6], $0xF7A  }
0x23: {  	s9 =	sor.u32 $0xD0000000, s2;
	s6 =	simm.s32 $0x108;
	_ =	swait.ge @!p0 [sflag:s8], $0x0  }
0x24: {  	s3 =	sadd.s32 $0x88, s3;
	s6 =	simm.s32 @!p1 $0x1082;
	[sflag:s4] =	ssyncset.s32 $0xFFFFF086  }
0x25: {  	[simem:s6], [sflag:s4] =	dma.local [hbm:s3], $0xF7A  }
0x26: {  	[smem:$0x3F9D] =	sst s1;
	(tag) =	ssettag s2;
	_ =	strace s9  }
0x27: {  	s1 =	sld [smem:$0x3FAD]  }
0x28: {  	s2 =	sld [smem:$0x3FAE]  }
0x29: {  	s4 =	sld [smem:$0x3FB0]  }
0x2a: {  	p0 =	seq.s32 s5, $0x0;
	s5 =	sld [smem:$0x3FB1]  }
0x2b: {  	s6 =	sld [smem:$0x3FB2]  }
0x2c: {  	s7 =	sld [smem:$0x3FB3]  }
0x2d: {  	s3 =	simm.s32 $0x108;
	s8 =	sld [smem:$0x3FB4]  }
0x2e: {  	s3 =	simm.s32 @!p0 $0x1082;
	s9 =	sld [smem:$0x3FB5]  }
0x2f: {  	lr =	sadd.s32 s0, s3;
	s0 =	sld [smem:$0x3FAC]  }
0x30: {  	s3 =	sld [smem:$0x3FAF]  }
0x31: {  	[smem:$0x3FB8] =	sst s10  }
0x32: {  	s10 =	sld [smem:$0x3FB6];
	_ =	sdelay $0x3  }
0x33: {  	p0 =	seq.s32 s10, $0x1;
	s10 =	sld [smem:$0x3FB8];
	_ =	sdelay $0x3  }
0x34: {  	[smem:$0x3FB8] =	sst s10  }
0x35: {  	s10 =	sld [smem:$0x3FB7];
	_ =	sdelay $0x3  }
0x36: {  	p1 =	seq.s32 s10, $0x1;
	s10 =	sld [smem:$0x3FB8];
	_ =	sdelay $0x3  }
0x37: {  	[smem:$0x3FB8] =	sst s10  }
0x38: {  	s10 =	sld [smem:$0x3FB9]  }
0x39: {  	_ = 	snop;
	(pc) =	sbr.ind lr, $3  }
0x3a: {  	_ = 	snop  }
0x3b: {  	_ = 	snop  }
0x3c: {  	p2 =	seq.s32 s10, $0x1;
	s10 =	sld [smem:$0x3FB8]  }
0x3d: {  	_ =	shalt  }
0x3e: {  	_ =	shalt  }
0x3f: {  	_ =	shalt  }
0x40: {  	_ =	shalt  }
0x41: {  	_ =	shalt  }
0x42: {  	_ =	shalt  }
0x43: {  	_ =	shalt  }
0x44: {  	_ =	shalt  }
0x45: {  	_ =	shalt  }
0x46: {  	_ =	shalt  }
0x47: {  	_ =	shalt  }
0x48: {  	_ =	shalt  }
0x49: {  	_ =	shalt  }
0x4a: {  	_ =	shalt  }
0x4b: {  	_ =	shalt  }
0x4c: {  	_ =	shalt  }
0x4d: {  	_ =	shalt  }
0x4e: {  	_ =	shalt  }
0x4f: {  	_ =	shalt  }
0x50: {  	_ =	shalt  }
0x51: {  	_ =	shalt  }
0x52: {  	_ =	shalt  }
0x53: {  	_ =	shalt  }
0x54: {  	_ =	shalt  }
0x55: {  	_ =	shalt  }
0x56: {  	_ =	shalt  }
0x57: {  	_ =	shalt  }
0x58: {  	_ =	shalt  }
0x59: {  	_ =	shalt  }
0x5a: {  	_ =	shalt  }
0x5b: {  	_ =	shalt  }
0x5c: {  	_ =	shalt  }
0x5d: {  	_ =	shalt  }
0x5e: {  	_ =	shalt  }
0x5f: {  	_ =	shalt  }
0x60: {  	_ =	shalt  }
0x61: {  	_ =	shalt  }
0x62: {  	_ =	shalt  }
0x63: {  	_ =	shalt  }
0x64: {  	_ =	shalt  }
0x65: {  	_ =	shalt  }
0x66: {  	_ =	shalt  }
0x67: {  	_ =	shalt  }
0x68: {  	_ =	shalt  }
0x69: {  	_ =	shalt  }
0x6a: {  	_ =	shalt  }
0x6b: {  	_ =	shalt  }
0x6c: {  	_ =	shalt  }
0x6d: {  	_ =	shalt  }
0x6e: {  	_ =	shalt  }
0x6f: {  	_ =	shalt  }
0x70: {  	_ =	shalt  }
0x71: {  	_ =	shalt  }
0x72: {  	_ =	shalt  }
0x73: {  	_ =	shalt  }
0x74: {  	_ =	shalt  }
0x75: {  	_ =	shalt  }
0x76: {  	_ =	shalt  }
0x77: {  	_ =	shalt  }
0x78: {  	_ =	shalt  }
0x79: {  	_ =	shalt  }
0x7a: {  	_ =	shalt  }
0x7b: {  	_ =	shalt  }
0x7c: {  	_ =	shalt  }
0x7d: {  	_ =	shalt  }
0x7e: {  	_ =	shalt  }
0x7f: {  	_ =	shalt  }
0x80: {  	_ =	shalt  }
0x81: {  	_ =	shalt  }
0x82: {  	_ =	shalt  }
0x83: {  	_ =	shalt  }
0x84: {  	_ =	shalt  }
0x85: {  	_ =	shalt  }
0x86: {  	_ =	shalt  }
0x87: {  	_ =	shalt  }
.Lfunc_end0:
.L_simem_size_0:
called_computation.1_lowered:
.L_overlay_start_0:
0x88: {  	s2 =	sld [smem:$0x3FD9]  }
0x89: {  	s3 =	sld [smem:$0x3FFE];
	_ =	sdelay $0x1  }
0x8a: {  	s1 =	srdreg.scid  }
0x8b: {  	s0 =	sand.u32 $0x1, s1  }
0x8c: {  	s17 =	sshll.u32 s0, $0xA;
	s2 =	sadd.s32 s3, s2  }
0x8d: {  	s2 =	sadd.s32 s2, s17  }
0x8e: {  	[smem:$0x3FC4] =	sst s2  }
0x8f: {  	_ = 	snop  }
0x90: {  	s2 =	sld [smem:$0x3FC9]  }
0x91: {  	s18 =	sld [smem:$0x3FD0];
	(tm) =	ssettm $0x1  }
0x92: {  	s4 =	sld [smem:$0x3FFB];
	_ =	sdelay $0x3  }
0x93: {  	_ =	strace s4  }
0x94: {  	s4 =	sld [smem:$0x3FFC];
	_ =	sdelay $0x3  }
0x95: {  	_ =	strace s4  }
0x96: {  	s4 =	sld [smem:$0x3FFD];
	_ =	sdelay $0x3  }
0x97: {  	_ =	strace s4  }
0x98: {  	_ =	strace $0x8FFFFFFF  }
0x99: {  	s19 =	sld [smem:$0x3FDB];
	_ =	sdelay $0x1  }
0x9a: {  	s5 =	simm.s32 $_scs_section_size  }
0x9b: {  	s6 =	simm.s32 $_size__tile_overlayer_lowered;
	s7 =	simm.s32 $_tile_overlayer_lowered  }
0x9c: {  	s22 =	simm.s32 $0x1BFF;
	s21 =	sshll.u32 s7, $0x1;
	s4 =	sadd.s32 s5, s19  }
0x9d: {  	s8 =	simm.s32 $0x0;
	s20 =	sshll.u32 s6, $0x1;
	s6 =	sadd.s32 s21, s4  }
0x9e: {  	[timem:s8], [sflag:s22] =	dma.local [hbm:s6], s20  }
0x9f: {  	_ =	swait.ge [sflag:s22], s20  }
0xa0: {  	s5 =	ssub.s32 $0x0, s20;
	[sflag:s22] =	ssyncset.done $0x0  }
0xa1: {  	[sflag:s22] =	ssyncadd.s32 s5;
	_ =	sdelay $0x1  }
0xa2: {  	s23 =	simm.s32 $0x1B8B  }
0xa3: {  	_ =	swait.ge [sflag:s23], $0x1  }
0xa4: {  	[sflag:s23] =	ssyncset.done $0x0  }
0xa5: {  	s25 =	simm.s32 $0x1B8E;
	s24 =	sld [smem:$0x3FFE];
	[sflag:s23] =	ssyncadd.s32 $0xFFFFFFFF  }
0xa6: {  	s26 =	simm.s32 $execute0_lowered;
	[smem:$0x3FD2] =	sst s25  }
0xa7: {  	s6 =	sshll.u32 s26, $0x1;
	_ =	strace $0x80000049;
	[dreg:$0x1] =	wrdreg $0xFFFFFFFF  }
0xa8: {  	s28 =	simm.s32 $_size_execute0_lowered;
	s4 =	sadd.s32 s4, s6;
	[dreg:$0x0] =	wrdreg $0x0  }
0xa9: {  	s6 =	sshll.u32 s28, $0x1;
	[dreg:$0x2] =	wrdreg s4  }
0xaa: {  	[dreg:$0x3] =	wrdreg s6  }
0xab: {  	[dreg:$0x4] =	wrdreg $0xC0  }
0xac: {  	_ =	task [dreg:s8], $0x5FFFF  }
0xad: {  	[dreg:$0x1] =	wrdreg $0xFFFFFFFF  }
0xae: {  	[dreg:$0x0] =	wrdreg $0x60  }
0xaf: {  	[dreg:$0x2] =	wrdreg s2  }
0xb0: {  	[dreg:$0x3] =	wrdreg s24  }
0xb1: {  	[dreg:$0x4] =	wrdreg s18  }
0xb2: {  	[dreg:$0x5] =	wrdreg $0x9  }
0xb3: {  	_ =	task.clear_ibuf [dreg:s8], $0x6FFFF;
	_ =	strace $0x90000049  }
0xb4: {  	s29 =	simm.s32 $0x9;
	_ =	strace $0x8000004B  }
0xb5: {  	_ =	swait.ge [sflag:s29], $0x1  }
0xb6: {  	[sflag:s29] =	ssyncadd.s32 $0xFFFFFFFF  }
0xb7: {  	_ =	strace $0x9000004B  }
0xb8: {  	_ =	sfence  }
0xb9: {  	s30 =	sld [smem:$0x0];
	_ =	sdelay $0x2  }
0xba: {  	s31 =	sshll.u32 s1, $0xD;
	s1 =	sshrl.u32 s1, $0x2  }
0xbb: {  	s3 =	sand.u32 $0x4000, s31;
	s1 =	sadd.s32 s1, s30  }
0xbc: {  	s0 =	sor.u32 s3, s0;
	s1 =	sshll.u32 s1, $0x11  }
0xbd: {  	s0 =	sor.u32 s1, s0  }
0xbe: {  	s0 =	sadd.s32 $0x8F2B, s0  }
0xbf: {  	[sflag:s0] =	ssyncadd.remote.s32 $0x1  }
0xc0: {  	_ =	sfence.sel $0xFFFF  }
0xc1: {  	[dreg:$0x0] =	wrdreg $0xFFFFFFFF;
	(pc) =	sbr.abs _section_cstart, $3  }
0xc2: {  	[dreg:$0x1] =	wrdreg $0xFFFFFFFF  }
0xc3: {  	_ =	task.clear_ibuf [dreg:s8], $0x2FFFF;
	_ =	strace $0x9FFFFFFF  }
0xc4: {  	(tm) =	ssettm $0x7FFFFFFF  }
0xc5: {  	_ =	shalt  }
tec
execute0_lowered:
.L_overlay_start_1:
0x0: {  	(tag) =	ssettag $0x1  }
0x1: {  	s4 =	rddreg [dreg:$0x0]  }
0x2: {  	s5 =	rddreg [dreg:$0x1]  }
0x3: {  	s6 =	rddreg [dreg:$0x2]  }
0x4: {  	s0 =	rddreg [dreg:$0x3];
	s3 =	srdreg.scid  }
0x5: {  	s2 =	simm.s32 $0x0;
	s1 =	stileid.u32;
	s11 =	simm.s32 $0x1  }
0x6: {  	s12 =	simm.s32 $0x2;
	s13 =	simm.s32 $0x8200;
	s14 =	simm.s32 $0x0  }
0x7: {  	s3 =	sand.u32 $0x1, s3;
	[smem:$0x7FF] =	sst s2;
	s7 =	sshll.u32 s1, $0xA  }
0x8: {  	s8 =	sshll.u32 s3, $0x9;
	_ =	strace $0x8000004A;
	s30 =	ssub.s32 $0x2, s3  }
0x9: {  	s3 =	sadd.s32 $0x1FC800, s5;
	s7 =	sor.u32 s8, s7;
	s10 =	sshrl.u32 s30, $0x1  }
0xa: {  	s9 =	sshll.u32 s7, $0x2;
	s8 =	ssub.s32 s30, s10;
	s31 =	sshrl.u32 s7, $0x3  }
0xb: {  	s7 =	sshll.u32 s7, $0x3;
	s10 =	simm.s32 $0x4200;
	s5 =	sadd.s32 s9, s5  }
0xc: {  	s4 =	sadd.s32 s4, s31;
	s6 =	sadd.s32 s6, s7;
	s7 =	smax.u32 s8, $0x1  }
0xd: {  	s8 =	simm.s32 $0x3;
	s9 =	simm.s32 $0x200;
	s5 =	sadd.s32 $0x65C00, s5  }
.LBB2_1:
0xe: {  	[tilespmem:s2], [sflag:$0x3] =	stream.linear.gather [hbm4b:s4+s2], $0x200, $0x38;
	[tilespmem:$0x10200] =	vst v63  }
0xf: {  	_ =	swait.ge [sflag:s8], $0x200  }
0x10: {  	[sflag:s8] =	ssyncset.done $0x0  }
0x11: {  	[sflag:s8] =	ssyncadd.s32 $0xFFFFFE00  }
0x12: {  	[tilespmem:s9], [sflag:$0x1] =	stream.indirect.gather [hbm4b:s3+s9], $0x20, s2, s9, $0xb8;
	[tilespmem:$0x10200] =	vst v63  }
0x13: {  	_ = 	snop  }
0x14: {  	[tilespmem:s10], [sflag:$0x2] =	stream.linear.gather [hbm4b:s5+s2], $0x4000, $0x38;
	[tilespmem:$0x10200] =	vst v63  }
0x15: {  	_ =	swait.ge [sflag:s11], $0x4000  }
0x16: {  	[sflag:s11] =	ssyncset.done $0x0  }
0x17: {  	[sflag:s11] =	ssyncadd.s32 $0xFFFFC000  }
0x18: {  	_ =	swait.ge [sflag:s12], $0x4000  }
0x19: {  	[sflag:s12] =	ssyncset.done $0x0  }
0x1a: {  	s16 =	simm.s32 $0x0;
	[sflag:s12] =	ssyncadd.s32 $0xFFFFC000  }
0x1b: {  	v0 =	vld [tilespmem:s16+$0x200];
	_ =	sdelay $0x3  }
0x1c: {  	s15 =	simm.s32 $0x8220  }
0x1d: {  	[tilespmem:s15+$0xFFFFFFE0] =	vst v0  }
0x1e: {  	v0 =	vld [tilespmem:s16+$0x210];
	_ =	sdelay $0x4  }
0x1f: {  	[tilespmem:s15+$0xFFFFFFF0] =	vst v0  }
0x20: {  	v0 =	vld [tilespmem:s16+$0x4200];
	_ =	sdelay $0x4  }
0x21: {  	[tilespmem:s15+$0x0] =	vst v0  }
0x22: {  	v0 =	vld [tilespmem:s16+$0x4210];
	_ =	sdelay $0x4  }
0x23: {  	s17 =	simm.s32 $0x100;
	s16 =	simm.s32 $0x20;
	[tilespmem:s15+$0x10] =	vst v0  }
.LBB2_2:
0x24: {  	p0 =	sne.s32 s17, $0xFF80;
	v0 =	vld [tilespmem:s16+$0x200];
	_ =	sdelay $0x3  }
0x25: {  	s15 =	sadd.s32 $0x40, s15  }
0x26: {  	[tilespmem:s15+$0xFFFFFFE0] =	vst v0  }
0x27: {  	v0 =	vld [tilespmem:s16+$0x210];
	_ =	sdelay $0x4  }
0x28: {  	[tilespmem:s15+$0xFFFFFFF0] =	vst v0  }
0x29: {  	v0 =	vld [tilespmem:s16+$0x4200];
	_ =	sdelay $0x4  }
0x2a: {  	[tilespmem:s15+$0x0] =	vst v0  }
0x2b: {  	v0 =	vld [tilespmem:s16+$0x4210]  }
.Ltmp0:
0x2c: {  	(pc) =	sbr.rel @p0 .LBB2_2-.Ltmp0, $2  }
0x2d: {  	_ =	sdelay $0x2  }
0x2e: {  	s16 =	sshra.s32 s17, $0x2;
	s17 =	sadd.s32 $0x80, s17;
	[tilespmem:s15+$0x10] =	vst v0  }
0x2f: {  	v0 =	vld [tilespmem:s16+$0x200];
	_ =	sdelay $0x3  }
0x30: {  	s15 =	sadd.s32 $0x40, s15  }
0x31: {  	[tilespmem:s15+$0xFFFFFFE0] =	vst v0  }
0x32: {  	v0 =	vld [tilespmem:s16+$0x210];
	_ =	sdelay $0x4  }
0x33: {  	[tilespmem:s15+$0xFFFFFFF0] =	vst v0  }
0x34: {  	v0 =	vld [tilespmem:s16+$0x4200];
	_ =	sdelay $0x4  }
0x35: {  	[tilespmem:s15+$0x0] =	vst v0  }
0x36: {  	v0 =	vld [tilespmem:s16+$0x4210];
	_ =	sdelay $0x2  }
0x37: {  	s14 =	sadd.s32 $0x1, s14  }
0x38: {  	p0 =	sne.s32 s14, s7  }
.Ltmp1:
0x39: {  	[tilespmem:s15+$0x10] =	vst v0;
	(pc) =	sbr.rel @p0 .LBB2_1-.Ltmp1, $4  }
0x3a: {  	[hbm4b:s6+s2] =	stream.linear.scatter [tilespmem:s13], [sflag:$0x3], $0x8000, $0x38;
	[tilespmem:$0x10200] =	vst v63  }
0x3b: {  	_ =	swait.ge [sflag:s8], $0x8000  }
0x3c: {  	[sflag:s8] =	ssyncset.done $0x0  }
0x3d: {  	[sflag:s8] =	ssyncadd.s32 $0xFFFF8000  }
0x3e: {  	_ =	sfence.sel $0x180000  }
0x3f: {  	[bflag:$0x0] =	sbarrier.arrive $0xFFFF  }
0x40: {  	p0 =	sne.s32 s1, $0x0;
	_ =	strace $0x9000004A  }
0x41: {  	s0 =	sadd.s32 @!p0 $0x100000, s0;
	[bflag:$0x2] =	sbarrier.arrive $0xFFFF  }
0x42: {  	[sflag:s0] =	ssyncadd.tile.s32 @!p0 $0x1;
	_ =	shalt  }
.Lfunc_end2:
_tile_overlayer_lowered:
.L_overlay_start_2:
0x43: {  	(tag) =	ssettag $0x2  }
0x44: {  	s0 =	rddreg [dreg:$0x0];
	s2 =	stileid.u32  }
0x45: {  	s1 =	rddreg [dreg:$0x1];
	p0 =	sne.s32 s2, $0x0  }
0x46: {  	s3 =	rddreg [dreg:$0x2];
	[bflag:$0x3] =	sbarrier.arrive $0xFFFF;
	s2 =	simm.s32 @!p0 $0x1C03  }
0x47: {  	[timem:s3], [sflag:s2] =	dma.local @!p0 [hbm:s0], s1  }
0x48: {  	s0 =	simm.s32 @!p0 $0x3  }
0x49: {  	_ =	swait.ge @!p0 [sflag:s0], s1  }
0x4a: {  	s1 =	ssub.s32 @!p0 $0x0, s1;
	[sflag:s0] =	ssyncset.done @!p0 $0x0  }
0x4b: {  	[sflag:s0] =	ssyncadd.s32 @!p0 s1  }
0x4c: {  	[bflag:$0x3] =	sbarrier.arrive $0xFFFF  }
0x4d: {  	_ =	shalt  }

</sc_bundles>
